<compile_context>
chip_gen: v7x
topology: tpu7x:2x2x1
jax: 0.10.2.dev20260603
libtpu: 0.0.44.dev20260713+nightly
codegen_flags: <defaults>
</compile_context>

<pallas_src>
import functools

import jax
import jax.numpy as jnp
from jax import lax
from jax.experimental import pallas as pl
from jax.experimental.pallas import tpu as pltpu
from jax.experimental.pallas import tpu_sc as plsc

EMBED_DIM = 768
NUM_HEADS = 12
HEAD_DIM = 64
LENGTH = 5
KER = 17
POOL = 50
TOP_K = 5
B = 64
S = 197
HALF = LENGTH + KER - 1
WID = HEAD_DIM + KER - 1
PATCH = KER * KER
ROW = LENGTH * HEAD_DIM

_BB = 16
_NB = B // _BB
_UNITS = 2 * NUM_HEADS
_UPS = _UNITS // _NB


def _fused_body(x_ref, w1_ref, b1_ref, w2_ref, b2_ref, pk_ref,
                kv_ref, w_ref, b_ref,
                sim_ref, val_ref, idx_ref, rsum_ref, j_ref, gen_ref):
    xm = jnp.sum(x_ref[...], axis=1) * (1.0 / S)
    h = jnp.maximum(jnp.dot(xm, w1_ref[...],
                            preferred_element_type=jnp.float32) + b1_ref[...], 0.0)
    xq = jnp.dot(h, w2_ref[...], preferred_element_type=jnp.float32) + b2_ref[...]
    xn = xq * lax.rsqrt(jnp.maximum(jnp.sum(xq * xq, axis=-1, keepdims=True), 1e-12))
    pk = pk_ref[...]
    pkn = pk * lax.rsqrt(jnp.maximum(jnp.sum(pk * pk, axis=-1, keepdims=True), 1e-12))
    logits = lax.dot_general(xn, pkn, (((1,), (1,)), ((), ())),
                             preferred_element_type=jnp.float32)
    sim_ref[...] = jax.nn.sigmoid(logits)
    iota = lax.broadcasted_iota(jnp.int32, (_BB, POOL), 1)
    cur = logits
    vals = []
    idxs = []
    for _ in range(TOP_K):
        m = jnp.max(cur, axis=1, keepdims=True)
        am = jnp.min(jnp.where(cur == m, iota, POOL), axis=1, keepdims=True)
        vals.append(m)
        idxs.append(am)
        cur = jnp.where(iota == am, -jnp.inf, cur)
    v = jnp.concatenate(vals, axis=1)
    val_ref[...] = jax.nn.sigmoid(v)
    idxb = jnp.concatenate(idxs, axis=1)
    idx_ref[...] = idxb
    iota60 = lax.broadcasted_iota(jnp.int32, (_BB, NUM_HEADS * TOP_K), 1)
    j_ref[...] = jnp.concatenate([idxb] * NUM_HEADS, axis=1) + (iota60 // TOP_K) * POOL
    part = jnp.sum(v).reshape(1, 1) * (1.0 / B)
    @pl.when(pl.program_id(0) == 0)
    def _():
        rsum_ref[...] = jnp.zeros_like(rsum_ref)
    rsum_ref[...] += part

    for j in range(_UPS):
        kp = kv_ref[j]
        w = w_ref[j]
        bias = b_ref[j]
        for l in range(LENGTH):
            win = kp[l:l + KER, :]
            cols = [win[:, c:c + HEAD_DIM] for c in range(KER)]
            q = jnp.stack(cols, axis=1).reshape(PATCH, HEAD_DIM)
            res = jnp.dot(w, q, preferred_element_type=jnp.float32) + bias
            gen_ref[j // 2, :, j % 2, l, :] = res


_NPAIR = B * NUM_HEADS * TOP_K
_PER_TILE = _NPAIR // 32


def _sc_gather_body(j_hbm, gen_hbm, out_hbm, idx_v, rows_v,
                    sem, sem_w0, sem_w1):
    wid = lax.axis_index("s") * 2 + lax.axis_index("c")
    base = wid * _PER_TILE
    pltpu.sync_copy(j_hbm.at[pl.ds(base, _PER_TILE)], idx_v)
    pltpu.async_copy(gen_hbm.at[idx_v], rows_v, sem).wait()
    w0 = pltpu.async_copy(rows_v.at[:, pl.ds(0, ROW)],
                          out_hbm.at[pl.ds(base, _PER_TILE)], sem_w0)
    w1 = pltpu.async_copy(rows_v.at[:, pl.ds(ROW, ROW)],
                          out_hbm.at[pl.ds(_NPAIR + base, _PER_TILE)], sem_w1)
    w0.wait()
    w1.wait()


def kernel(x_embed, prompt, prompt_key, W1, b1, W2, b2, ck_w, ck_b, cv_w, cv_b,
           layer_num):
    layer_prompt = lax.dynamic_index_in_dim(prompt, layer_num, 0, keepdims=False)
    k_part = layer_prompt[:HALF].reshape(HALF, NUM_HEADS, WID).transpose(1, 0, 2)
    v_part = layer_prompt[HALF:].reshape(HALF, NUM_HEADS, WID).transpose(1, 0, 2)
    kv = jnp.stack([k_part, v_part], axis=1).reshape(_UNITS, HALF, WID)
    w_kv = jnp.stack([ck_w.reshape(POOL, NUM_HEADS, PATCH).transpose(1, 0, 2),
                      cv_w.reshape(POOL, NUM_HEADS, PATCH).transpose(1, 0, 2)],
                     axis=1).reshape(_UNITS, POOL, PATCH)
    b_kv = jnp.stack([ck_b.T, cv_b.T], axis=1).reshape(_UNITS, POOL)[..., None]

    sim, vals, idx, rsum, j2, gen = pl.pallas_call(
        _fused_body,
        grid=(_NB,),
        in_specs=[
            pl.BlockSpec((_BB, S, EMBED_DIM), lambda i: (i, 0, 0)),
            pl.BlockSpec((EMBED_DIM, EMBED_DIM // 2), lambda i: (0, 0)),
            pl.BlockSpec((1, EMBED_DIM // 2), lambda i: (0, 0)),
            pl.BlockSpec((EMBED_DIM // 2, EMBED_DIM // 4), lambda i: (0, 0)),
            pl.BlockSpec((1, EMBED_DIM // 4), lambda i: (0, 0)),
            pl.BlockSpec((POOL, EMBED_DIM // 4), lambda i: (0, 0)),
            pl.BlockSpec((_UPS, HALF, WID), lambda i: (i, 0, 0)),
            pl.BlockSpec((_UPS, POOL, PATCH), lambda i: (i, 0, 0)),
            pl.BlockSpec((_UPS, POOL, 1), lambda i: (i, 0, 0)),
        ],
        out_specs=[
            pl.BlockSpec((_BB, POOL), lambda i: (i, 0)),
            pl.BlockSpec((_BB, TOP_K), lambda i: (i, 0)),
            pl.BlockSpec((_BB, TOP_K), lambda i: (i, 0)),
            pl.BlockSpec((1, 1), lambda i: (0, 0)),
            pl.BlockSpec((_BB, NUM_HEADS * TOP_K), lambda i: (i, 0)),
            pl.BlockSpec((_UPS // 2, POOL, 2, LENGTH, HEAD_DIM),
                         lambda i: (i, 0, 0, 0, 0)),
        ],
        out_shape=[
            jax.ShapeDtypeStruct((B, POOL), jnp.float32),
            jax.ShapeDtypeStruct((B, TOP_K), jnp.float32),
            jax.ShapeDtypeStruct((B, TOP_K), jnp.int32),
            jax.ShapeDtypeStruct((1, 1), jnp.float32),
            jax.ShapeDtypeStruct((B, NUM_HEADS * TOP_K), jnp.int32),
            jax.ShapeDtypeStruct((NUM_HEADS, POOL, 2, LENGTH, HEAD_DIM),
                                 jnp.float32),
        ],
    )(x_embed, W1, b1.reshape(1, -1), W2, b2.reshape(1, -1), prompt_key,
      kv, w_kv, b_kv)

    gather = functools.partial(
        pl.kernel,
        out_type=jax.ShapeDtypeStruct((2 * _NPAIR, ROW), jnp.float32),
        mesh=plsc.VectorSubcoreMesh(core_axis_name="c", subcore_axis_name="s"),
        compiler_params=pltpu.CompilerParams(use_tc_tiling_on_sc=False),
        scratch_types=[
            pltpu.VMEM((_PER_TILE,), jnp.int32),
            pltpu.VMEM((_PER_TILE, 2 * ROW), jnp.float32),
            pltpu.SemaphoreType.DMA,
            pltpu.SemaphoreType.DMA,
            pltpu.SemaphoreType.DMA,
        ],
    )(_sc_gather_body)
    out_all = gather(j2.reshape(_NPAIR), gen.reshape(NUM_HEADS * POOL, 2 * ROW))

    batched_prompt = out_all.reshape(2, B, NUM_HEADS, TOP_K * LENGTH, HEAD_DIM)
    return batched_prompt, rsum.reshape(()), sim, vals, idx

# --- scband reference (transcript-rebuilt; emitter-appended) ---
"""Pipeline reference for scband-eprompt-68143951118593 (READ-ONLY COPY).

The authoritative reference and input builder live on the scoring server;
editing this copy changes nothing except your own understanding.
"""

import jax, jax.numpy as jnp
import numpy as np

EMBED_DIM = 768
NUM_HEADS = 12
HEAD_DIM = EMBED_DIM // NUM_HEADS
LENGTH = 5
KER = 17
POOL = 50  # num_tasks(10) * prompts_per_task(5)
TOP_K = 5
NUM_LAYERS = 1


def setup_inputs(seed: int = 0) -> dict:
    key = jax.random.key(seed)
    ks = jax.random.split(key, 10)
    B, S = 64, 197  # ViT-B/16 @224 token grid + cls
    x_embed = jax.random.normal(ks[0], (B, S, EMBED_DIM), dtype=jnp.float32)
    # shared prompt parameter: (num_layers, (length+ker-1)*2, embed_dim + (ker-1)*num_heads)
    prompt = jax.random.uniform(ks[1], (NUM_LAYERS, (LENGTH + KER - 1) * 2, EMBED_DIM + (KER - 1) * NUM_HEADS), minval=-1.0, maxval=1.0, dtype=jnp.float32)
    # prompt keys live in matcher output space (embed_dim // 4)
    prompt_key = jax.random.uniform(ks[2], (POOL, EMBED_DIM // 4), minval=-1.0, maxval=1.0, dtype=jnp.float32)
    # prompt_embed_matcher: Linear(768->384), ReLU, Linear(384->192)
    W1 = jax.random.normal(ks[3], (EMBED_DIM, EMBED_DIM // 2), dtype=jnp.float32) * 0.02
    b1 = jnp.zeros((EMBED_DIM // 2,), dtype=jnp.float32)
    W2 = jax.random.normal(ks[4], (EMBED_DIM // 2, EMBED_DIM // 4), dtype=jnp.float32) * 0.02
    b2 = jnp.zeros((EMBED_DIM // 4,), dtype=jnp.float32)
    # per-(pool, head) 17x17 conv kernels for key and value prompt generation (layer 0)
    fan = 1.0 / np.sqrt(KER * KER)
    ck_w = jax.random.uniform(ks[5], (POOL, NUM_HEADS, KER, KER), minval=-fan, maxval=fan, dtype=jnp.float32)
    ck_b = jax.random.uniform(ks[6], (POOL, NUM_HEADS), minval=-fan, maxval=fan, dtype=jnp.float32)
    cv_w = jax.random.uniform(ks[7], (POOL, NUM_HEADS, KER, KER), minval=-fan, maxval=fan, dtype=jnp.float32)
    cv_b = jax.random.uniform(ks[8], (POOL, NUM_HEADS), minval=-fan, maxval=fan, dtype=jnp.float32)
    return {"x_embed": x_embed, "prompt": prompt, "prompt_key": prompt_key,
            "W1": W1, "b1": b1, "W2": W2, "b2": b2,
            "ck_w": ck_w, "ck_b": ck_b, "cv_w": cv_w, "cv_b": cv_b,
            "layer_num": 0}


def _l2_normalize(x, axis=-1, eps=1e-12):
    sq = jnp.sum(x * x, axis=axis, keepdims=True)
    return x * jax.lax.rsqrt(jnp.maximum(sq, eps))


def _extract_patches(img, K):
    # img: (H, R, C) -> (H, R-K+1, C-K+1, K, K) valid conv patches
    Hh, R, C = img.shape
    rows = jnp.arange(R - K + 1)[:, None] + jnp.arange(K)[None, :]
    cols = jnp.arange(C - K + 1)[:, None] + jnp.arange(K)[None, :]
    return img[:, rows[:, None, :, None], cols[None, :, None, :]]


def reference(x_embed, prompt, prompt_key, W1, b1, W2, b2, ck_w, ck_b, cv_w, cv_b, layer_num):
    B = x_embed.shape[0]
    # embedding_key == 'mean'
    x_embed_mean = jnp.mean(x_embed, axis=1)
    # prompt_embed_matcher
    h = jax.nn.relu(x_embed_mean @ W1 + b1)
    x_match = h @ W2 + b2
    pk_norm = _l2_normalize(prompt_key, axis=-1)          # (POOL, 192)
    x_norm = _l2_normalize(x_match, axis=-1)              # (B, 192)
    similarity = (pk_norm @ x_norm.T).T                   # (B, POOL)
    similarity = jax.nn.sigmoid(similarity)
    sim_top_k, idx = jax.lax.top_k(similarity, TOP_K)     # (B, TOP_K)
    # generate prompts via per-(pool, head) convs over shared prompt (prefix-tune, not same_key_value)
    layer_prompt = prompt[layer_num]                      # (2*(L+K-1), D+(K-1)*H)
    half = LENGTH + KER - 1
    k_part = layer_prompt[:half].reshape(half, NUM_HEADS, HEAD_DIM + KER - 1).transpose(1, 0, 2)
    v_part = layer_prompt[half:].reshape(half, NUM_HEADS, HEAD_DIM + KER - 1).transpose(1, 0, 2)
    pk_patches = _extract_patches(k_part, KER)            # (H, L, hd, K, K)
    pv_patches = _extract_patches(v_part, KER)
    gen_k = jnp.einsum('hldab,phab->phld', pk_patches, ck_w) + ck_b[:, :, None, None]  # (POOL, H, L, hd)
    gen_v = jnp.einsum('hldab,phab->phld', pv_patches, cv_w) + cv_b[:, :, None, None]
    # gather selected prompts
    bk = gen_k[idx]                                       # (B, TOP_K, H, L, hd)
    bv = gen_v[idx]
    bk = bk.transpose(0, 2, 1, 3, 4).reshape(B, NUM_HEADS, TOP_K * LENGTH, HEAD_DIM)
    bv = bv.transpose(0, 2, 1, 3, 4).reshape(B, NUM_HEADS, TOP_K * LENGTH, HEAD_DIM)
    batched_prompt = jnp.stack([bk, bv], axis=0)          # (2, B, H, TOP_K*L, hd)
    batched_key_norm = pk_norm[idx]                       # (B, TOP_K, 192)
    reduce_sim = jnp.sum(batched_key_norm * x_norm[:, None, :]) / B
    return batched_prompt, reduce_sim, similarity, sim_top_k, idx


if False:  # reference __main__ guard neutralized (emitter)
    out = reference(**setup_inputs())
    print(out[0].shape, out[1], out[2].shape)

if __name__ == "__main__":
    import jax
    _d = setup_inputs()
    print(jax.jit(kernel)(*tuple(_d.values())))

</pallas_src>

<mosaic_0001>
#map = affine_map<(d0, d1) -> (0)>
#map1 = affine_map<(d0, d1) -> (0, 0)>
module attributes {stable_mosaic.version = 14 : i64} {
  func.func @_sc_gather_body(%arg0: i32, %arg1: i32, %arg2: memref<3840xi32, #tpu.memory_space<hbm>>, %arg3: memref<600x640xf32, #tpu.memory_space<hbm>>, %arg4: memref<7680x320xf32, #tpu.memory_space<hbm>>, %arg5: memref<120xi32, #tpu.memory_space<vmem>>, %arg6: memref<120x640xf32, #tpu.memory_space<vmem>>, %arg7: memref<!tpu.dma_semaphore, #tpu.memory_space<semaphore_mem>>, %arg8: memref<!tpu.dma_semaphore, #tpu.memory_space<semaphore_mem>>, %arg9: memref<!tpu.dma_semaphore, #tpu.memory_space<semaphore_mem>>) attributes {dimension_semantics = [#tpu.dimension_semantics<core_parallel>, #tpu.dimension_semantics<subcore_parallel>], iteration_bounds = array<i64: 2, 16>, scalar_prefetch = 0 : i64, scratch_operands = 5 : i64, tpu.core_type = #tpu.core_type<sc_vector_subcore>, window_params = [{transform_indices = #map}, {transform_indices = #map1}, {transform_indices = #map1}]} {
    %mul3A = arith.constant 2 : i32
    %mul3A_0 = arith.muli %arg1, %mul3A : i32
    %add3A = arith.addi %mul3A_0, %arg0 : i32
    %mul3A_1 = arith.constant 120 : i32
    %mul3A_2 = arith.muli %add3A, %mul3A_1 : i32
    "tpu.region"() ({
      %run_scoped3A = tpu.sem_alloc : memref<!tpu.dma_semaphore, #tpu.memory_space<semaphore_mem>>
      %dma_start3A_49 = tpu.memref_slice %arg2[%mul3A_2] : memref<3840xi32, #tpu.memory_space<hbm>> -> memref<120xi32, #tpu.memory_space<hbm>>
      %dma_start3A_50 = tpu.memref_slice %arg2[%mul3A_2] : memref<3840xi32, #tpu.memory_space<hbm>> -> memref<120xi32, #tpu.memory_space<hbm>>
      tpu.enqueue_dma source(%dma_start3A_50 : memref<120xi32, #tpu.memory_space<hbm>>) target(%arg5 : memref<120xi32, #tpu.memory_space<vmem>>) target_semaphore(%run_scoped3A : memref<!tpu.dma_semaphore, #tpu.memory_space<semaphore_mem>>)
      %dma_wait3A_51 = tpu.memref_slice %arg2[%mul3A_2] : memref<3840xi32, #tpu.memory_space<hbm>> -> memref<120xi32, #tpu.memory_space<hbm>>
      %dma_wait3A_52 = tpu.memref_slice %arg2[%mul3A_2] : memref<3840xi32, #tpu.memory_space<hbm>> -> memref<120xi32, #tpu.memory_space<hbm>>
      tpu.wait_dma2 semaphore(%run_scoped3A : memref<!tpu.dma_semaphore, #tpu.memory_space<semaphore_mem>>) src(%dma_wait3A_52 : memref<120xi32, #tpu.memory_space<hbm>>) dst(%arg5 : memref<120xi32, #tpu.memory_space<vmem>>)
      tpu.yield
    }) : () -> ()
    %dma_start3A = arith.constant 0 : i32
    %dma_start3A_3 = arith.constant 0 : i32
    %dma_start3A_4 = tpu.memref_slice %arg3[%dma_start3A, %dma_start3A_3] : memref<600x640xf32, #tpu.memory_space<hbm>> -> memref<600x640xf32, #tpu.memory_space<hbm>>
    tpu.enqueue_indirect_dma source(%dma_start3A_4 : memref<600x640xf32, #tpu.memory_space<hbm>>) target(%arg6 : memref<120x640xf32, #tpu.memory_space<vmem>>) offsets(%arg5 : memref<120xi32, #tpu.memory_space<vmem>>) semaphore(%arg7 : memref<!tpu.dma_semaphore, #tpu.memory_space<semaphore_mem>>)
    %dma_wait3A = arith.constant 0 : i32
    %dma_wait3A_5 = arith.constant 0 : i32
    %dma_wait3A_6 = tpu.memref_slice %arg3[%dma_wait3A, %dma_wait3A_5] : memref<600x640xf32, #tpu.memory_space<hbm>> -> memref<600x640xf32, #tpu.memory_space<hbm>>
    tpu.wait_indirect_dma semaphore(%arg7 : memref<!tpu.dma_semaphore, #tpu.memory_space<semaphore_mem>>) src(%dma_wait3A_6 : memref<600x640xf32, #tpu.memory_space<hbm>>) dst(%arg6 : memref<120x640xf32, #tpu.memory_space<vmem>>)
    %dma_start3A_7 = arith.constant 0 : i32
    %dma_start3A_8 = arith.constant 0 : i32
    %dma_start3A_9 = tpu.memref_slice %arg6[%dma_start3A_7, %dma_start3A_8] : memref<120x640xf32, #tpu.memory_space<vmem>> -> memref<120x320xf32, #tpu.memory_space<vmem>>
    %dma_start3A_10 = arith.constant 0 : i32
    %dma_start3A_11 = tpu.memref_slice %arg4[%mul3A_2, %dma_start3A_10] : memref<7680x320xf32, #tpu.memory_space<hbm>> -> memref<120x320xf32, #tpu.memory_space<hbm>>
    %dma_start3A_12 = arith.constant 0 : i32
    %dma_start3A_13 = tpu.memref_slice %arg4[%mul3A_2, %dma_start3A_12] : memref<7680x320xf32, #tpu.memory_space<hbm>> -> memref<120x320xf32, #tpu.memory_space<hbm>>
    %dma_start3A_14 = arith.constant 0 : i32
    %dma_start3A_15 = arith.constant 0 : i32
    %dma_start3A_16 = tpu.memref_slice %arg6[%dma_start3A_14, %dma_start3A_15] : memref<120x640xf32, #tpu.memory_space<vmem>> -> memref<120x320xf32, #tpu.memory_space<vmem>>
    tpu.enqueue_dma source(%dma_start3A_16 : memref<120x320xf32, #tpu.memory_space<vmem>>) target(%dma_start3A_13 : memref<120x320xf32, #tpu.memory_space<hbm>>) target_semaphore(%arg8 : memref<!tpu.dma_semaphore, #tpu.memory_space<semaphore_mem>>)
    %add3A_17 = arith.constant 3840 : i32
    %add3A_18 = arith.addi %add3A_17, %mul3A_2 : i32
    %dma_start3A_19 = arith.constant 0 : i32
    %dma_start3A_20 = arith.constant 320 : i32
    %dma_start3A_21 = tpu.memref_slice %arg6[%dma_start3A_19, %dma_start3A_20] : memref<120x640xf32, #tpu.memory_space<vmem>> -> memref<120x320xf32, #tpu.memory_space<vmem>>
    %dma_start3A_22 = arith.constant 0 : i32
    %dma_start3A_23 = tpu.memref_slice %arg4[%add3A_18, %dma_start3A_22] : memref<7680x320xf32, #tpu.memory_space<hbm>> -> memref<120x320xf32, #tpu.memory_space<hbm>>
    %dma_start3A_24 = arith.constant 0 : i32
    %dma_start3A_25 = tpu.memref_slice %arg4[%add3A_18, %dma_start3A_24] : memref<7680x320xf32, #tpu.memory_space<hbm>> -> memref<120x320xf32, #tpu.memory_space<hbm>>
    %dma_start3A_26 = arith.constant 0 : i32
    %dma_start3A_27 = arith.constant 320 : i32
    %dma_start3A_28 = tpu.memref_slice %arg6[%dma_start3A_26, %dma_start3A_27] : memref<120x640xf32, #tpu.memory_space<vmem>> -> memref<120x320xf32, #tpu.memory_space<vmem>>
    tpu.enqueue_dma source(%dma_start3A_28 : memref<120x320xf32, #tpu.memory_space<vmem>>) target(%dma_start3A_25 : memref<120x320xf32, #tpu.memory_space<hbm>>) target_semaphore(%arg9 : memref<!tpu.dma_semaphore, #tpu.memory_space<semaphore_mem>>)
    %dma_wait3A_29 = arith.constant 0 : i32
    %dma_wait3A_30 = arith.constant 0 : i32
    %dma_wait3A_31 = tpu.memref_slice %arg6[%dma_wait3A_29, %dma_wait3A_30] : memref<120x640xf32, #tpu.memory_space<vmem>> -> memref<120x320xf32, #tpu.memory_space<vmem>>
    %dma_wait3A_32 = arith.constant 0 : i32
    %dma_wait3A_33 = tpu.memref_slice %arg4[%mul3A_2, %dma_wait3A_32] : memref<7680x320xf32, #tpu.memory_space<hbm>> -> memref<120x320xf32, #tpu.memory_space<hbm>>
    %dma_wait3A_34 = arith.constant 0 : i32
    %dma_wait3A_35 = tpu.memref_slice %arg4[%mul3A_2, %dma_wait3A_34] : memref<7680x320xf32, #tpu.memory_space<hbm>> -> memref<120x320xf32, #tpu.memory_space<hbm>>
    %dma_wait3A_36 = arith.constant 0 : i32
    %dma_wait3A_37 = arith.constant 0 : i32
    %dma_wait3A_38 = tpu.memref_slice %arg6[%dma_wait3A_36, %dma_wait3A_37] : memref<120x640xf32, #tpu.memory_space<vmem>> -> memref<120x320xf32, #tpu.memory_space<vmem>>
    tpu.wait_dma2 semaphore(%arg8 : memref<!tpu.dma_semaphore, #tpu.memory_space<semaphore_mem>>) src(%dma_wait3A_38 : memref<120x320xf32, #tpu.memory_space<vmem>>) dst(%dma_wait3A_35 : memref<120x320xf32, #tpu.memory_space<hbm>>)
    %dma_wait3A_39 = arith.constant 0 : i32
    %dma_wait3A_40 = arith.constant 320 : i32
    %dma_wait3A_41 = tpu.memref_slice %arg6[%dma_wait3A_39, %dma_wait3A_40] : memref<120x640xf32, #tpu.memory_space<vmem>> -> memref<120x320xf32, #tpu.memory_space<vmem>>
    %dma_wait3A_42 = arith.constant 0 : i32
    %dma_wait3A_43 = tpu.memref_slice %arg4[%add3A_18, %dma_wait3A_42] : memref<7680x320xf32, #tpu.memory_space<hbm>> -> memref<120x320xf32, #tpu.memory_space<hbm>>
    %dma_wait3A_44 = arith.constant 0 : i32
    %dma_wait3A_45 = tpu.memref_slice %arg4[%add3A_18, %dma_wait3A_44] : memref<7680x320xf32, #tpu.memory_space<hbm>> -> memref<120x320xf32, #tpu.memory_space<hbm>>
    %dma_wait3A_46 = arith.constant 0 : i32
    %dma_wait3A_47 = arith.constant 320 : i32
    %dma_wait3A_48 = tpu.memref_slice %arg6[%dma_wait3A_46, %dma_wait3A_47] : memref<120x640xf32, #tpu.memory_space<vmem>> -> memref<120x320xf32, #tpu.memory_space<vmem>>
    tpu.wait_dma2 semaphore(%arg9 : memref<!tpu.dma_semaphore, #tpu.memory_space<semaphore_mem>>) src(%dma_wait3A_48 : memref<120x320xf32, #tpu.memory_space<vmem>>) dst(%dma_wait3A_45 : memref<120x320xf32, #tpu.memory_space<hbm>>)
    return
  }
}

module attributes {stable_mosaic.version = 14 : i64} {
  func.func @_fused_body(%arg0: i32, %arg1: memref<16x197x768xf32, #tpu.memory_space<vmem>>, %arg2: memref<768x384xf32, #tpu.memory_space<vmem>>, %arg3: memref<1x384xf32, #tpu.memory_space<vmem>>, %arg4: memref<384x192xf32, #tpu.memory_space<vmem>>, %arg5: memref<1x192xf32, #tpu.memory_space<vmem>>, %arg6: memref<50x192xf32, #tpu.memory_space<vmem>>, %arg7: memref<6x21x80xf32, #tpu.memory_space<vmem>>, %arg8: memref<6x50x289xf32, #tpu.memory_space<vmem>>, %arg9: memref<6x50x1xf32, #tpu.memory_space<vmem>>, %arg10: memref<16x50xf32, #tpu.memory_space<vmem>>, %arg11: memref<16x5xf32, #tpu.memory_space<vmem>>, %arg12: memref<16x5xi32, #tpu.memory_space<vmem>>, %arg13: memref<1x1xf32, #tpu.memory_space<vmem>>, %arg14: memref<16x60xi32, #tpu.memory_space<vmem>>, %arg15: memref<3x50x2x5x64xf32, #tpu.memory_space<vmem>>) attributes {dimension_semantics = [#tpu.dimension_semantics<arbitrary>], iteration_bounds = array<i64: 4>, scalar_prefetch = 0 : i64, scratch_operands = 0 : i64, tpu.core_type = #tpu.core_type<tc>, window_params = [{transform_indices = @transform_0, window_bounds = array<i64: 16, 197, 768>}, {pipeline_mode = #tpu.pipeline_mode<synchronous>, transform_indices = @transform_1, window_bounds = array<i64: 768, 384>}, {pipeline_mode = #tpu.pipeline_mode<synchronous>, transform_indices = @transform_2, window_bounds = array<i64: 1, 384>}, {pipeline_mode = #tpu.pipeline_mode<synchronous>, transform_indices = @transform_3, window_bounds = array<i64: 384, 192>}, {pipeline_mode = #tpu.pipeline_mode<synchronous>, transform_indices = @transform_4, window_bounds = array<i64: 1, 192>}, {pipeline_mode = #tpu.pipeline_mode<synchronous>, transform_indices = @transform_5, window_bounds = array<i64: 50, 192>}, {transform_indices = @transform_6, window_bounds = array<i64: 6, 21, 80>}, {transform_indices = @transform_7, window_bounds = array<i64: 6, 50, 289>}, {transform_indices = @transform_8, window_bounds = array<i64: 6, 50, 1>}, {transform_indices = @transform_9, window_bounds = array<i64: 16, 50>}, {transform_indices = @transform_10, window_bounds = array<i64: 16, 5>}, {transform_indices = @transform_11, window_bounds = array<i64: 16, 5>}, {pipeline_mode = #tpu.pipeline_mode<synchronous>, transform_indices = @transform_12, window_bounds = array<i64: 1, 1>}, {transform_indices = @transform_13, window_bounds = array<i64: 16, 60>}, {transform_indices = @transform_14, window_bounds = array<i64: 3, 50, 2, 5, 64>}]} {
    %get3A = arith.constant 0 : index
    %get3A_0 = arith.constant 0 : index
    %get3A_1 = arith.constant 0 : index
    %get3A_2 = vector.load %arg1[%get3A, %get3A_0, %get3A_1] : memref<16x197x768xf32, #tpu.memory_space<vmem>>, vector<16x197x768xf32>
    %reduce_sum3A = arith.constant dense<0.000000e+00> : vector<16x768xf32>
    %reduce_sum3A_3 = vector.multi_reduction <add>, %get3A_2, %reduce_sum3A [1] : vector<16x197x768xf32> to vector<16x768xf32>
    %mul3A = arith.constant 0.00507614203 : f32
    %mul3A_4 = vector.broadcast %mul3A : f32 to vector<16x768xf32>
    %mul3A_5 = arith.mulf %reduce_sum3A_3, %mul3A_4 : vector<16x768xf32>
    %get3A_6 = arith.constant 0 : index
    %get3A_7 = arith.constant 0 : index
    %get3A_8 = vector.load %arg2[%get3A_6, %get3A_7] : memref<768x384xf32, #tpu.memory_space<vmem>>, vector<768x384xf32>
    %dot_general3A = arith.constant dense<0.000000e+00> : vector<16x384xf32>
    %dot_general3A_9 = tpu.matmul %mul3A_5, %get3A_8, %dot_general3A {dimension_numbers = #tpu.dot_dimension_numbers<[1], [0], [0], [1], [0, 0, 1, 1], [], []>, transpose_lhs_hint = false} : vector<16x768xf32>, vector<768x384xf32>, vector<16x384xf32> -> vector<16x384xf32>
    %get3A_10 = arith.constant 0 : index
    %get3A_11 = arith.constant 0 : index
    %get3A_12 = vector.load %arg3[%get3A_10, %get3A_11] : memref<1x384xf32, #tpu.memory_space<vmem>>, vector<1x384xf32>
    %add3A = vector.broadcast %get3A_12 : vector<1x384xf32> to vector<16x384xf32>
    %add3A_13 = arith.addf %dot_general3A_9, %add3A : vector<16x384xf32>
    %max3A = arith.constant 0.000000e+00 : f32
    %max3A_14 = vector.broadcast %max3A : f32 to vector<16x384xf32>
    %max3A_15 = arith.maximumf %add3A_13, %max3A_14 : vector<16x384xf32>
    %get3A_16 = arith.constant 0 : index
    %get3A_17 = arith.constant 0 : index
    %get3A_18 = vector.load %arg4[%get3A_16, %get3A_17] : memref<384x192xf32, #tpu.memory_space<vmem>>, vector<384x192xf32>
    %dot_general3A_19 = arith.constant dense<0.000000e+00> : vector<16x192xf32>
    %dot_general3A_20 = tpu.matmul %max3A_15, %get3A_18, %dot_general3A_19 {dimension_numbers = #tpu.dot_dimension_numbers<[1], [0], [0], [1], [0, 0, 1, 1], [], []>, transpose_lhs_hint = false} : vector<16x384xf32>, vector<384x192xf32>, vector<16x192xf32> -> vector<16x192xf32>
    %get3A_21 = arith.constant 0 : index
    %get3A_22 = arith.constant 0 : index
    %get3A_23 = vector.load %arg5[%get3A_21, %get3A_22] : memref<1x192xf32, #tpu.memory_space<vmem>>, vector<1x192xf32>
    %add3A_24 = vector.broadcast %get3A_23 : vector<1x192xf32> to vector<16x192xf32>
    %add3A_25 = arith.addf %dot_general3A_20, %add3A_24 : vector<16x192xf32>
    %mul3A_26 = arith.mulf %add3A_25, %add3A_25 : vector<16x192xf32>
    %reduce_sum3A_27 = arith.constant dense<0.000000e+00> : vector<16xf32>
    %reduce_sum3A_28 = vector.multi_reduction <add>, %mul3A_26, %reduce_sum3A_27 [1] : vector<16x192xf32> to vector<16xf32>
    %broadcast_in_dim3A = vector.shape_cast %reduce_sum3A_28 : vector<16xf32> to vector<16x1xf32>
    %max3A_29 = arith.constant 9.99999996E-13 : f32
    %max3A_30 = vector.broadcast %max3A_29 : f32 to vector<16x1xf32>
    %max3A_31 = arith.maximumf %broadcast_in_dim3A, %max3A_30 : vector<16x1xf32>
    %rsqrt3A = math.rsqrt %max3A_31 : vector<16x1xf32>
    %mul3A_32 = vector.broadcast %rsqrt3A : vector<16x1xf32> to vector<16x192xf32>
    %mul3A_33 = arith.mulf %add3A_25, %mul3A_32 : vector<16x192xf32>
    %get3A_34 = arith.constant 0 : index
    %get3A_35 = arith.constant 0 : index
    %get3A_36 = vector.load %arg6[%get3A_34, %get3A_35] : memref<50x192xf32, #tpu.memory_space<vmem>>, vector<50x192xf32>
    %mul3A_37 = arith.mulf %get3A_36, %get3A_36 : vector<50x192xf32>
    %reduce_sum3A_38 = arith.constant dense<0.000000e+00> : vector<50xf32>
    %reduce_sum3A_39 = vector.multi_reduction <add>, %mul3A_37, %reduce_sum3A_38 [1] : vector<50x192xf32> to vector<50xf32>
    %broadcast_in_dim3A_40 = vector.shape_cast %reduce_sum3A_39 : vector<50xf32> to vector<50x1xf32>
    %max3A_41 = arith.constant 9.99999996E-13 : f32
    %max3A_42 = vector.broadcast %max3A_41 : f32 to vector<50x1xf32>
    %max3A_43 = arith.maximumf %broadcast_in_dim3A_40, %max3A_42 : vector<50x1xf32>
    %rsqrt3A_44 = math.rsqrt %max3A_43 : vector<50x1xf32>
    %mul3A_45 = vector.broadcast %rsqrt3A_44 : vector<50x1xf32> to vector<50x192xf32>
    %mul3A_46 = arith.mulf %get3A_36, %mul3A_45 : vector<50x192xf32>
    %dot_general3A_47 = arith.constant dense<0.000000e+00> : vector<16x50xf32>
    %dot_general3A_48 = tpu.matmul %mul3A_33, %mul3A_46, %dot_general3A_47 {dimension_numbers = #tpu.dot_dimension_numbers<[1], [1], [0], [0], [0, 0, 1, 0], [], []>, transpose_lhs_hint = false} : vector<16x192xf32>, vector<50x192xf32>, vector<16x50xf32> -> vector<16x50xf32>
    %logistic3A = arith.negf %dot_general3A_48 : vector<16x50xf32>
    %logistic3A_49 = math.exp %logistic3A : vector<16x50xf32>
    %logistic3A_50 = arith.constant 1.000000e+00 : f32
    %logistic3A_51 = vector.broadcast %logistic3A_50 : f32 to vector<16x50xf32>
    %logistic3A_52 = arith.addf %logistic3A_51, %logistic3A_49 : vector<16x50xf32>
    %logistic3A_53 = arith.divf %logistic3A_51, %logistic3A_52 : vector<16x50xf32>
    %swap3A = arith.constant 0 : index
    %swap3A_54 = arith.constant 0 : index
    %swap3A_55 = vector.load %arg10[%swap3A, %swap3A_54] : memref<16x50xf32, #tpu.memory_space<vmem>>, vector<16x50xf32>
    tpu.vector_store %arg10[%swap3A, %swap3A_54], %logistic3A_53 {strides = array<i32>} : memref<16x50xf32, #tpu.memory_space<vmem>>, vector<16x50xf32>,
    %iota3A = tpu.iota {dimensions = array<i32: 1>} : vector<16x50xi32>
    %reduce_max3A = arith.constant dense<0xFF800000> : vector<16xf32>
    %reduce_max3A_56 = vector.multi_reduction <maximumf>, %dot_general3A_48, %reduce_max3A [1] : vector<16x50xf32> to vector<16xf32>
    %broadcast_in_dim3A_57 = vector.shape_cast %reduce_max3A_56 : vector<16xf32> to vector<16x1xf32>
    %eq3A = vector.broadcast %broadcast_in_dim3A_57 : vector<16x1xf32> to vector<16x50xf32>
    %eq3A_58 = arith.cmpf oeq, %dot_general3A_48, %eq3A : vector<16x50xf32>
    %jit3A = arith.constant 50 : i32
    %broadcast_in_dim3A_59 = vector.broadcast %jit3A : i32 to vector<16x50xi32>
    %select_n3A = arith.select %eq3A_58, %iota3A, %broadcast_in_dim3A_59 : vector<16x50xi1>, vector<16x50xi32>
    %reduce_min3A = arith.constant dense<2147483647> : vector<16xi32>
    %reduce_min3A_60 = vector.multi_reduction <minsi>, %select_n3A, %reduce_min3A [1] : vector<16x50xi32> to vector<16xi32>
    %broadcast_in_dim3A_61 = vector.shape_cast %reduce_min3A_60 : vector<16xi32> to vector<16x1xi32>
    %eq3A_62 = vector.broadcast %broadcast_in_dim3A_61 : vector<16x1xi32> to vector<16x50xi32>
    %eq3A_63 = arith.cmpi eq, %iota3A, %eq3A_62 : vector<16x50xi32>
    %jit3A_64 = arith.constant 0xFF800000 : f32
    %broadcast_in_dim3A_65 = vector.broadcast %jit3A_64 : f32 to vector<16x50xf32>
    %select_n3A_66 = arith.select %eq3A_63, %broadcast_in_dim3A_65, %dot_general3A_48 : vector<16x50xi1>, vector<16x50xf32>
    %reduce_max3A_67 = arith.constant dense<0xFF800000> : vector<16xf32>
    %reduce_max3A_68 = vector.multi_reduction <maximumf>, %select_n3A_66, %reduce_max3A_67 [1] : vector<16x50xf32> to vector<16xf32>
    %broadcast_in_dim3A_69 = vector.shape_cast %reduce_max3A_68 : vector<16xf32> to vector<16x1xf32>
    %eq3A_70 = vector.broadcast %broadcast_in_dim3A_69 : vector<16x1xf32> to vector<16x50xf32>
    %eq3A_71 = arith.cmpf oeq, %select_n3A_66, %eq3A_70 : vector<16x50xf32>
    %jit3A_72 = arith.constant 50 : i32
    %broadcast_in_dim3A_73 = vector.broadcast %jit3A_72 : i32 to vector<16x50xi32>
    %select_n3A_74 = arith.select %eq3A_71, %iota3A, %broadcast_in_dim3A_73 : vector<16x50xi1>, vector<16x50xi32>
    %reduce_min3A_75 = arith.constant dense<2147483647> : vector<16xi32>
    %reduce_min3A_76 = vector.multi_reduction <minsi>, %select_n3A_74, %reduce_min3A_75 [1] : vector<16x50xi32> to vector<16xi32>
    %broadcast_in_dim3A_77 = vector.shape_cast %reduce_min3A_76 : vector<16xi32> to vector<16x1xi32>
    %eq3A_78 = vector.broadcast %broadcast_in_dim3A_77 : vector<16x1xi32> to vector<16x50xi32>
    %eq3A_79 = arith.cmpi eq, %iota3A, %eq3A_78 : vector<16x50xi32>
    %jit3A_80 = arith.constant 0xFF800000 : f32
    %broadcast_in_dim3A_81 = vector.broadcast %jit3A_80 : f32 to vector<16x50xf32>
    %select_n3A_82 = arith.select %eq3A_79, %broadcast_in_dim3A_81, %select_n3A_66 : vector<16x50xi1>, vector<16x50xf32>
    %reduce_max3A_83 = arith.constant dense<0xFF800000> : vector<16xf32>
    %reduce_max3A_84 = vector.multi_reduction <maximumf>, %select_n3A_82, %reduce_max3A_83 [1] : vector<16x50xf32> to vector<16xf32>
    %broadcast_in_dim3A_85 = vector.shape_cast %reduce_max3A_84 : vector<16xf32> to vector<16x1xf32>
    %eq3A_86 = vector.broadcast %broadcast_in_dim3A_85 : vector<16x1xf32> to vector<16x50xf32>
    %eq3A_87 = arith.cmpf oeq, %select_n3A_82, %eq3A_86 : vector<16x50xf32>
    %jit3A_88 = arith.constant 50 : i32
    %broadcast_in_dim3A_89 = vector.broadcast %jit3A_88 : i32 to vector<16x50xi32>
    %select_n3A_90 = arith.select %eq3A_87, %iota3A, %broadcast_in_dim3A_89 : vector<16x50xi1>, vector<16x50xi32>
    %reduce_min3A_91 = arith.constant dense<2147483647> : vector<16xi32>
    %reduce_min3A_92 = vector.multi_reduction <minsi>, %select_n3A_90, %reduce_min3A_91 [1] : vector<16x50xi32> to vector<16xi32>
    %broadcast_in_dim3A_93 = vector.shape_cast %reduce_min3A_92 : vector<16xi32> to vector<16x1xi32>
    %eq3A_94 = vector.broadcast %broadcast_in_dim3A_93 : vector<16x1xi32> to vector<16x50xi32>
    %eq3A_95 = arith.cmpi eq, %iota3A, %eq3A_94 : vector<16x50xi32>
    %jit3A_96 = arith.constant 0xFF800000 : f32
    %broadcast_in_dim3A_97 = vector.broadcast %jit3A_96 : f32 to vector<16x50xf32>
    %select_n3A_98 = arith.select %eq3A_95, %broadcast_in_dim3A_97, %select_n3A_82 : vector<16x50xi1>, vector<16x50xf32>
    %reduce_max3A_99 = arith.constant dense<0xFF800000> : vector<16xf32>
    %reduce_max3A_100 = vector.multi_reduction <maximumf>, %select_n3A_98, %reduce_max3A_99 [1] : vector<16x50xf32> to vector<16xf32>
    %broadcast_in_dim3A_101 = vector.shape_cast %reduce_max3A_100 : vector<16xf32> to vector<16x1xf32>
    %eq3A_102 = vector.broadcast %broadcast_in_dim3A_101 : vector<16x1xf32> to vector<16x50xf32>
    %eq3A_103 = arith.cmpf oeq, %select_n3A_98, %eq3A_102 : vector<16x50xf32>
    %jit3A_104 = arith.constant 50 : i32
    %broadcast_in_dim3A_105 = vector.broadcast %jit3A_104 : i32 to vector<16x50xi32>
    %select_n3A_106 = arith.select %eq3A_103, %iota3A, %broadcast_in_dim3A_105 : vector<16x50xi1>, vector<16x50xi32>
    %reduce_min3A_107 = arith.constant dense<2147483647> : vector<16xi32>
    %reduce_min3A_108 = vector.multi_reduction <minsi>, %select_n3A_106, %reduce_min3A_107 [1] : vector<16x50xi32> to vector<16xi32>
    %broadcast_in_dim3A_109 = vector.shape_cast %reduce_min3A_108 : vector<16xi32> to vector<16x1xi32>
    %eq3A_110 = vector.broadcast %broadcast_in_dim3A_109 : vector<16x1xi32> to vector<16x50xi32>
    %eq3A_111 = arith.cmpi eq, %iota3A, %eq3A_110 : vector<16x50xi32>
    %jit3A_112 = arith.constant 0xFF800000 : f32
    %broadcast_in_dim3A_113 = vector.broadcast %jit3A_112 : f32 to vector<16x50xf32>
    %select_n3A_114 = arith.select %eq3A_111, %broadcast_in_dim3A_113, %select_n3A_98 : vector<16x50xi1>, vector<16x50xf32>
    %reduce_max3A_115 = arith.constant dense<0xFF800000> : vector<16xf32>
    %reduce_max3A_116 = vector.multi_reduction <maximumf>, %select_n3A_114, %reduce_max3A_115 [1] : vector<16x50xf32> to vector<16xf32>
    %broadcast_in_dim3A_117 = vector.shape_cast %reduce_max3A_116 : vector<16xf32> to vector<16x1xf32>
    %eq3A_118 = vector.broadcast %broadcast_in_dim3A_117 : vector<16x1xf32> to vector<16x50xf32>
    %eq3A_119 = arith.cmpf oeq, %select_n3A_114, %eq3A_118 : vector<16x50xf32>
    %jit3A_120 = arith.constant 50 : i32
    %broadcast_in_dim3A_121 = vector.broadcast %jit3A_120 : i32 to vector<16x50xi32>
    %select_n3A_122 = arith.select %eq3A_119, %iota3A, %broadcast_in_dim3A_121 : vector<16x50xi1>, vector<16x50xi32>
    %reduce_min3A_123 = arith.constant dense<2147483647> : vector<16xi32>
    %reduce_min3A_124 = vector.multi_reduction <minsi>, %select_n3A_122, %reduce_min3A_123 [1] : vector<16x50xi32> to vector<16xi32>
    %broadcast_in_dim3A_125 = vector.shape_cast %reduce_min3A_124 : vector<16xi32> to vector<16x1xi32>
    %concatenate3A = tpu.concatenate %broadcast_in_dim3A_57, %broadcast_in_dim3A_69, %broadcast_in_dim3A_85, %broadcast_in_dim3A_101, %broadcast_in_dim3A_117 in 1 : vector<16x1xf32>, vector<16x1xf32>, vector<16x1xf32>, vector<16x1xf32>, vector<16x1xf32> -> vector<16x5xf32>
    %logistic3A_126 = arith.negf %concatenate3A : vector<16x5xf32>
    %logistic3A_127 = math.exp %logistic3A_126 : vector<16x5xf32>
    %logistic3A_128 = arith.constant 1.000000e+00 : f32
    %logistic3A_129 = vector.broadcast %logistic3A_128 : f32 to vector<16x5xf32>
    %logistic3A_130 = arith.addf %logistic3A_129, %logistic3A_127 : vector<16x5xf32>
    %logistic3A_131 = arith.divf %logistic3A_129, %logistic3A_130 : vector<16x5xf32>
    %swap3A_132 = arith.constant 0 : index
    %swap3A_133 = arith.constant 0 : index
    %swap3A_134 = vector.load %arg11[%swap3A_132, %swap3A_133] : memref<16x5xf32, #tpu.memory_space<vmem>>, vector<16x5xf32>
    tpu.vector_store %arg11[%swap3A_132, %swap3A_133], %logistic3A_131 {strides = array<i32>} : memref<16x5xf32, #tpu.memory_space<vmem>>, vector<16x5xf32>,
    %concatenate3A_135 = tpu.concatenate %broadcast_in_dim3A_61, %broadcast_in_dim3A_77, %broadcast_in_dim3A_93, %broadcast_in_dim3A_109, %broadcast_in_dim3A_125 in 1 : vector<16x1xi32>, vector<16x1xi32>, vector<16x1xi32>, vector<16x1xi32>, vector<16x1xi32> -> vector<16x5xi32>
    %swap3A_136 = arith.constant 0 : index
    %swap3A_137 = arith.constant 0 : index
    %swap3A_138 = vector.load %arg12[%swap3A_136, %swap3A_137] : memref<16x5xi32, #tpu.memory_space<vmem>>, vector<16x5xi32>
    tpu.vector_store %arg12[%swap3A_136, %swap3A_137], %concatenate3A_135 {strides = array<i32>} : memref<16x5xi32, #tpu.memory_space<vmem>>, vector<16x5xi32>,
    %iota3A_139 = tpu.iota {dimensions = array<i32: 1>} : vector<16x60xi32>
    %concatenate3A_140 = tpu.concatenate %concatenate3A_135, %concatenate3A_135, %concatenate3A_135, %concatenate3A_135, %concatenate3A_135, %concatenate3A_135, %concatenate3A_135, %concatenate3A_135, %concatenate3A_135, %concatenate3A_135, %concatenate3A_135, %concatenate3A_135 in 1 : vector<16x5xi32>, vector<16x5xi32>, vector<16x5xi32>, vector<16x5xi32>, vector<16x5xi32>, vector<16x5xi32>, vector<16x5xi32>, vector<16x5xi32>, vector<16x5xi32>, vector<16x5xi32>, vector<16x5xi32>, vector<16x5xi32> -> vector<16x60xi32>
    %jit3A_141 = arith.constant 5 : i32
    %div3A = vector.broadcast %jit3A_141 : i32 to vector<16x60xi32>
    %div3A_142 = arith.divsi %iota3A_139, %div3A : vector<16x60xi32>
    %sign3A = arith.constant 0 : i32
    %sign3A_143 = vector.broadcast %sign3A : i32 to vector<16x60xi32>
    %sign3A_144 = arith.cmpi sgt, %iota3A_139, %sign3A_143 : vector<16x60xi32>
    %sign3A_145 = arith.extui %sign3A_144 : vector<16x60xi1> to vector<16x60xi32>
    %sign3A_146 = arith.constant 0 : i32
    %sign3A_147 = vector.broadcast %sign3A_146 : i32 to vector<16x60xi32>
    %sign3A_148 = arith.cmpi slt, %iota3A_139, %sign3A_147 : vector<16x60xi32>
    %sign3A_149 = arith.extui %sign3A_148 : vector<16x60xi1> to vector<16x60xi32>
    %sign3A_150 = arith.subi %sign3A_145, %sign3A_149 : vector<16x60xi32>
    %sign3A_151 = arith.constant 0 : i32
    %sign3A_152 = arith.cmpi sgt, %jit3A_141, %sign3A_151 : i32
    %sign3A_153 = arith.extui %sign3A_152 : i1 to i32
    %sign3A_154 = arith.constant 0 : i32
    %sign3A_155 = arith.cmpi slt, %jit3A_141, %sign3A_154 : i32
    %sign3A_156 = arith.extui %sign3A_155 : i1 to i32
    %sign3A_157 = arith.subi %sign3A_153, %sign3A_156 : i32
    %ne3A = vector.broadcast %sign3A_157 : i32 to vector<16x60xi32>
    %ne3A_158 = arith.cmpi ne, %sign3A_150, %ne3A : vector<16x60xi32>
    %rem3A = vector.broadcast %jit3A_141 : i32 to vector<16x60xi32>
    %rem3A_159 = arith.remsi %iota3A_139, %rem3A : vector<16x60xi32>
    %ne3A_160 = arith.constant 0 : i32
    %ne3A_161 = vector.broadcast %ne3A_160 : i32 to vector<16x60xi32>
    %ne3A_162 = arith.cmpi ne, %rem3A_159, %ne3A_161 : vector<16x60xi32>
    %and3A = arith.andi %ne3A_158, %ne3A_162 : vector<16x60xi1>
    %sub3A = arith.constant 1 : i32
    %sub3A_163 = vector.broadcast %sub3A : i32 to vector<16x60xi32>
    %sub3A_164 = arith.subi %div3A_142, %sub3A_163 : vector<16x60xi32>
    %select_n3A_165 = arith.select %and3A, %sub3A_164, %div3A_142 : vector<16x60xi1>, vector<16x60xi32>
    %mul3A_166 = arith.constant 50 : i32
    %mul3A_167 = vector.broadcast %mul3A_166 : i32 to vector<16x60xi32>
    %mul3A_168 = arith.muli %select_n3A_165, %mul3A_167 : vector<16x60xi32>
    %add3A_169 = arith.addi %concatenate3A_140, %mul3A_168 : vector<16x60xi32>
    %swap3A_170 = arith.constant 0 : index
    %swap3A_171 = arith.constant 0 : index
    %swap3A_172 = vector.load %arg14[%swap3A_170, %swap3A_171] : memref<16x60xi32, #tpu.memory_space<vmem>>, vector<16x60xi32>
    tpu.vector_store %arg14[%swap3A_170, %swap3A_171], %add3A_169 {strides = array<i32>} : memref<16x60xi32, #tpu.memory_space<vmem>>, vector<16x60xi32>,
    %reduce_sum3A_173 = vector.shape_cast %concatenate3A : vector<16x5xf32> to vector<1x16x5xf32>
    %reduce_sum3A_174 = arith.constant dense<0.000000e+00> : vector<1xf32>
    %reduce_sum3A_175 = vector.multi_reduction <add>, %reduce_sum3A_173, %reduce_sum3A_174 [1, 2] : vector<1x16x5xf32> to vector<1xf32>
    %reduce_sum3A_176 = vector.shape_cast %reduce_sum3A_175 : vector<1xf32> to vector<1x1x1xf32>
    %reduce_sum3A_177 = vector.extract %reduce_sum3A_176[0, 0, 0] : f32 from vector<1x1x1xf32>
    %reshape3A = vector.broadcast %reduce_sum3A_177 : f32 to vector<1x1xf32>
    %mul3A_178 = arith.constant 1.562500e-02 : f32
    %mul3A_179 = vector.broadcast %mul3A_178 : f32 to vector<1x1xf32>
    %mul3A_180 = arith.mulf %reshape3A, %mul3A_179 : vector<1x1xf32>
    %eq3A_181 = arith.constant 0 : i32
    %eq3A_182 = arith.cmpi eq, %arg0, %eq3A_181 : i32
    %convert_element_type3A = arith.extui %eq3A_182 : i1 to i32
    %cond3A = arith.constant 0 : i32
    %cond3A_183 = arith.cmpi ne, %convert_element_type3A, %cond3A : i32
    scf.if %cond3A_183 {
      %broadcast_in_dim3A_1749 = arith.constant 0.000000e+00 : f32
      %broadcast_in_dim3A_1750 = vector.broadcast %broadcast_in_dim3A_1749 : f32 to vector<1x1xf32>
      %swap3A_1751 = arith.constant 0 : index
      %swap3A_1752 = arith.constant 0 : index
      %swap3A_1753 = vector.load %arg13[%swap3A_1751, %swap3A_1752] : memref<1x1xf32, #tpu.memory_space<vmem>>, vector<1x1xf32>
      tpu.vector_store %arg13[%swap3A_1751, %swap3A_1752], %broadcast_in_dim3A_1750 {strides = array<i32>} : memref<1x1xf32, #tpu.memory_space<vmem>>, vector<1x1xf32>,
    } else {
    }
    %get3A_184 = arith.constant 0 : index
    %get3A_185 = arith.constant 0 : index
    %get3A_186 = vector.load %arg13[%get3A_184, %get3A_185] : memref<1x1xf32, #tpu.memory_space<vmem>>, vector<1x1xf32>
    %add3A_187 = arith.addf %get3A_186, %mul3A_180 : vector<1x1xf32>
    %swap3A_188 = arith.constant 0 : index
    %swap3A_189 = arith.constant 0 : index
    %swap3A_190 = vector.load %arg13[%swap3A_188, %swap3A_189] : memref<1x1xf32, #tpu.memory_space<vmem>>, vector<1x1xf32>
    tpu.vector_store %arg13[%swap3A_188, %swap3A_189], %add3A_187 {strides = array<i32>} : memref<1x1xf32, #tpu.memory_space<vmem>>, vector<1x1xf32>,
    %get3A_191 = arith.constant 0 : index
    %get3A_192 = arith.constant 0 : index
    %get3A_193 = arith.constant 0 : index
    %get3A_194 = vector.load %arg7[%get3A_191, %get3A_192, %get3A_193] : memref<6x21x80xf32, #tpu.memory_space<vmem>>, vector<1x21x80xf32>
    %get3A_195 = vector.shape_cast %get3A_194 : vector<1x21x80xf32> to vector<21x80xf32>
    %get3A_196 = arith.constant 0 : index
    %get3A_197 = arith.constant 0 : index
    %get3A_198 = arith.constant 0 : index
    %get3A_199 = vector.load %arg8[%get3A_196, %get3A_197, %get3A_198] : memref<6x50x289xf32, #tpu.memory_space<vmem>>, vector<1x50x289xf32>
    %get3A_200 = vector.shape_cast %get3A_199 : vector<1x50x289xf32> to vector<50x289xf32>
    %get3A_201 = arith.constant 0 : index
    %get3A_202 = arith.constant 0 : index
    %get3A_203 = arith.constant 0 : index
    %get3A_204 = vector.load %arg9[%get3A_201, %get3A_202, %get3A_203] : memref<6x50x1xf32, #tpu.memory_space<vmem>>, vector<1x50x1xf32>
    %get3A_205 = vector.shape_cast %get3A_204 : vector<1x50x1xf32> to vector<50x1xf32>
    %slice3A = vector.extract_strided_slice %get3A_195 {offsets = [0, 0], sizes = [17, 80], strides = [1, 1]} : vector<21x80xf32> to vector<17x80xf32>
    %slice3A_206 = vector.extract_strided_slice %slice3A {offsets = [0, 0], sizes = [17, 64], strides = [1, 1]} : vector<17x80xf32> to vector<17x64xf32>
    %slice3A_207 = vector.extract_strided_slice %slice3A {offsets = [0, 1], sizes = [17, 64], strides = [1, 1]} : vector<17x80xf32> to vector<17x64xf32>
    %slice3A_208 = vector.extract_strided_slice %slice3A {offsets = [0, 2], sizes = [17, 64], strides = [1, 1]} : vector<17x80xf32> to vector<17x64xf32>
    %slice3A_209 = vector.extract_strided_slice %slice3A {offsets = [0, 3], sizes = [17, 64], strides = [1, 1]} : vector<17x80xf32> to vector<17x64xf32>
    %slice3A_210 = vector.extract_strided_slice %slice3A {offsets = [0, 4], sizes = [17, 64], strides = [1, 1]} : vector<17x80xf32> to vector<17x64xf32>
    %slice3A_211 = vector.extract_strided_slice %slice3A {offsets = [0, 5], sizes = [17, 64], strides = [1, 1]} : vector<17x80xf32> to vector<17x64xf32>
    %slice3A_212 = vector.extract_strided_slice %slice3A {offsets = [0, 6], sizes = [17, 64], strides = [1, 1]} : vector<17x80xf32> to vector<17x64xf32>
    %slice3A_213 = vector.extract_strided_slice %slice3A {offsets = [0, 7], sizes = [17, 64], strides = [1, 1]} : vector<17x80xf32> to vector<17x64xf32>
    %slice3A_214 = vector.extract_strided_slice %slice3A {offsets = [0, 8], sizes = [17, 64], strides = [1, 1]} : vector<17x80xf32> to vector<17x64xf32>
    %slice3A_215 = vector.extract_strided_slice %slice3A {offsets = [0, 9], sizes = [17, 64], strides = [1, 1]} : vector<17x80xf32> to vector<17x64xf32>
    %slice3A_216 = vector.extract_strided_slice %slice3A {offsets = [0, 10], sizes = [17, 64], strides = [1, 1]} : vector<17x80xf32> to vector<17x64xf32>
    %slice3A_217 = vector.extract_strided_slice %slice3A {offsets = [0, 11], sizes = [17, 64], strides = [1, 1]} : vector<17x80xf32> to vector<17x64xf32>
    %slice3A_218 = vector.extract_strided_slice %slice3A {offsets = [0, 12], sizes = [17, 64], strides = [1, 1]} : vector<17x80xf32> to vector<17x64xf32>
    %slice3A_219 = vector.extract_strided_slice %slice3A {offsets = [0, 13], sizes = [17, 64], strides = [1, 1]} : vector<17x80xf32> to vector<17x64xf32>
    %slice3A_220 = vector.extract_strided_slice %slice3A {offsets = [0, 14], sizes = [17, 64], strides = [1, 1]} : vector<17x80xf32> to vector<17x64xf32>
    %slice3A_221 = vector.extract_strided_slice %slice3A {offsets = [0, 15], sizes = [17, 64], strides = [1, 1]} : vector<17x80xf32> to vector<17x64xf32>
    %slice3A_222 = vector.extract_strided_slice %slice3A {offsets = [0, 16], sizes = [17, 64], strides = [1, 1]} : vector<17x80xf32> to vector<17x64xf32>
    %stack3A = vector.shape_cast %slice3A_206 : vector<17x64xf32> to vector<17x1x64xf32>
    %stack3A_223 = vector.shape_cast %slice3A_207 : vector<17x64xf32> to vector<17x1x64xf32>
    %stack3A_224 = vector.shape_cast %slice3A_208 : vector<17x64xf32> to vector<17x1x64xf32>
    %stack3A_225 = vector.shape_cast %slice3A_209 : vector<17x64xf32> to vector<17x1x64xf32>
    %stack3A_226 = vector.shape_cast %slice3A_210 : vector<17x64xf32> to vector<17x1x64xf32>
    %stack3A_227 = vector.shape_cast %slice3A_211 : vector<17x64xf32> to vector<17x1x64xf32>
    %stack3A_228 = vector.shape_cast %slice3A_212 : vector<17x64xf32> to vector<17x1x64xf32>
    %stack3A_229 = vector.shape_cast %slice3A_213 : vector<17x64xf32> to vector<17x1x64xf32>
    %stack3A_230 = vector.shape_cast %slice3A_214 : vector<17x64xf32> to vector<17x1x64xf32>
    %stack3A_231 = vector.shape_cast %slice3A_215 : vector<17x64xf32> to vector<17x1x64xf32>
    %stack3A_232 = vector.shape_cast %slice3A_216 : vector<17x64xf32> to vector<17x1x64xf32>
    %stack3A_233 = vector.shape_cast %slice3A_217 : vector<17x64xf32> to vector<17x1x64xf32>
    %stack3A_234 = vector.shape_cast %slice3A_218 : vector<17x64xf32> to vector<17x1x64xf32>
    %stack3A_235 = vector.shape_cast %slice3A_219 : vector<17x64xf32> to vector<17x1x64xf32>
    %stack3A_236 = vector.shape_cast %slice3A_220 : vector<17x64xf32> to vector<17x1x64xf32>
    %stack3A_237 = vector.shape_cast %slice3A_221 : vector<17x64xf32> to vector<17x1x64xf32>
    %stack3A_238 = vector.shape_cast %slice3A_222 : vector<17x64xf32> to vector<17x1x64xf32>
    %stack3A_239 = tpu.concatenate %stack3A, %stack3A_223, %stack3A_224, %stack3A_225, %stack3A_226, %stack3A_227, %stack3A_228, %stack3A_229, %stack3A_230, %stack3A_231, %stack3A_232, %stack3A_233, %stack3A_234, %stack3A_235, %stack3A_236, %stack3A_237, %stack3A_238 in 1 : vector<17x1x64xf32>, vector<17x1x64xf32>, vector<17x1x64xf32>, vector<17x1x64xf32>, vector<17x1x64xf32>, vector<17x1x64xf32>, vector<17x1x64xf32>, vector<17x1x64xf32>, vector<17x1x64xf32>, vector<17x1x64xf32>, vector<17x1x64xf32>, vector<17x1x64xf32>, vector<17x1x64xf32>, vector<17x1x64xf32>, vector<17x1x64xf32>, vector<17x1x64xf32>, vector<17x1x64xf32> -> vector<17x17x64xf32>
    %reshape3A_240 = vector.shape_cast %stack3A_239 : vector<17x17x64xf32> to vector<289x64xf32>
    %dot_general3A_241 = arith.constant dense<0.000000e+00> : vector<50x64xf32>
    %dot_general3A_242 = tpu.matmul %get3A_200, %reshape3A_240, %dot_general3A_241 {dimension_numbers = #tpu.dot_dimension_numbers<[1], [0], [0], [1], [0, 0, 1, 1], [], []>, transpose_lhs_hint = false} : vector<50x289xf32>, vector<289x64xf32>, vector<50x64xf32> -> vector<50x64xf32>
    %add3A_243 = vector.broadcast %get3A_205 : vector<50x1xf32> to vector<50x64xf32>
    %add3A_244 = arith.addf %dot_general3A_242, %add3A_243 : vector<50x64xf32>
    %swap3A_245 = arith.constant 0 : index
    %swap3A_246 = arith.constant 0 : index
    %swap3A_247 = arith.constant 0 : index
    %swap3A_248 = arith.constant 0 : index
    %swap3A_249 = arith.constant 0 : index
    %swap3A_250 = vector.load %arg15[%swap3A_245, %swap3A_246, %swap3A_247, %swap3A_248, %swap3A_249] : memref<3x50x2x5x64xf32, #tpu.memory_space<vmem>>, vector<1x50x1x1x64xf32>
    %swap3A_251 = vector.shape_cast %swap3A_250 : vector<1x50x1x1x64xf32> to vector<50x64xf32>
    %swap3A_252 = vector.shape_cast %add3A_244 : vector<50x64xf32> to vector<1x50x1x1x64xf32>
    tpu.vector_store %arg15[%swap3A_245, %swap3A_246, %swap3A_247, %swap3A_248, %swap3A_249], %swap3A_252 {strides = array<i32>} : memref<3x50x2x5x64xf32, #tpu.memory_space<vmem>>, vector<1x50x1x1x64xf32>,
    %slice3A_253 = vector.extract_strided_slice %get3A_195 {offsets = [1, 0], sizes = [17, 80], strides = [1, 1]} : vector<21x80xf32> to vector<17x80xf32>
    %slice3A_254 = vector.extract_strided_slice %slice3A_253 {offsets = [0, 0], sizes = [17, 64], strides = [1, 1]} : vector<17x80xf32> to vector<17x64xf32>
    %slice3A_255 = vector.extract_strided_slice %slice3A_253 {offsets = [0, 1], sizes = [17, 64], strides = [1, 1]} : vector<17x80xf32> to vector<17x64xf32>
    %slice3A_256 = vector.extract_strided_slice %slice3A_253 {offsets = [0, 2], sizes = [17, 64], strides = [1, 1]} : vector<17x80xf32> to vector<17x64xf32>
    %slice3A_257 = vector.extract_strided_slice %slice3A_253 {offsets = [0, 3], sizes = [17, 64], strides = [1, 1]} : vector<17x80xf32> to vector<17x64xf32>
    %slice3A_258 = vector.extract_strided_slice %slice3A_253 {offsets = [0, 4], sizes = [17, 64], strides = [1, 1]} : vector<17x80xf32> to vector<17x64xf32>
    %slice3A_259 = vector.extract_strided_slice %slice3A_253 {offsets = [0, 5], sizes = [17, 64], strides = [1, 1]} : vector<17x80xf32> to vector<17x64xf32>
    %slice3A_260 = vector.extract_strided_slice %slice3A_253 {offsets = [0, 6], sizes = [17, 64], strides = [1, 1]} : vector<17x80xf32> to vector<17x64xf32>
    %slice3A_261 = vector.extract_strided_slice %slice3A_253 {offsets = [0, 7], sizes = [17, 64], strides = [1, 1]} : vector<17x80xf32> to vector<17x64xf32>
    %slice3A_262 = vector.extract_strided_slice %slice3A_253 {offsets = [0, 8], sizes = [17, 64], strides = [1, 1]} : vector<17x80xf32> to vector<17x64xf32>
    %slice3A_263 = vector.extract_strided_slice %slice3A_253 {offsets = [0, 9], sizes = [17, 64], strides = [1, 1]} : vector<17x80xf32> to vector<17x64xf32>
    %slice3A_264 = vector.extract_strided_slice %slice3A_253 {offsets = [0, 10], sizes = [17, 64], strides = [1, 1]} : vector<17x80xf32> to vector<17x64xf32>
    %slice3A_265 = vector.extract_strided_slice %slice3A_253 {offsets = [0, 11], sizes = [17, 64], strides = [1, 1]} : vector<17x80xf32> to vector<17x64xf32>
    %slice3A_266 = vector.extract_strided_slice %slice3A_253 {offsets = [0, 12], sizes = [17, 64], strides = [1, 1]} : vector<17x80xf32> to vector<17x64xf32>
    %slice3A_267 = vector.extract_strided_slice %slice3A_253 {offsets = [0, 13], sizes = [17, 64], strides = [1, 1]} : vector<17x80xf32> to vector<17x64xf32>
    %slice3A_268 = vector.extract_strided_slice %slice3A_253 {offsets = [0, 14], sizes = [17, 64], strides = [1, 1]} : vector<17x80xf32> to vector<17x64xf32>
    %slice3A_269 = vector.extract_strided_slice %slice3A_253 {offsets = [0, 15], sizes = [17, 64], strides = [1, 1]} : vector<17x80xf32> to vector<17x64xf32>
    %slice3A_270 = vector.extract_strided_slice %slice3A_253 {offsets = [0, 16], sizes = [17, 64], strides = [1, 1]} : vector<17x80xf32> to vector<17x64xf32>
    %stack3A_271 = vector.shape_cast %slice3A_254 : vector<17x64xf32> to vector<17x1x64xf32>
    %stack3A_272 = vector.shape_cast %slice3A_255 : vector<17x64xf32> to vector<17x1x64xf32>
    %stack3A_273 = vector.shape_cast %slice3A_256 : vector<17x64xf32> to vector<17x1x64xf32>
    %stack3A_274 = vector.shape_cast %slice3A_257 : vector<17x64xf32> to vector<17x1x64xf32>
    %stack3A_275 = vector.shape_cast %slice3A_258 : vector<17x64xf32> to vector<17x1x64xf32>
    %stack3A_276 = vector.shape_cast %slice3A_259 : vector<17x64xf32> to vector<17x1x64xf32>
    %stack3A_277 = vector.shape_cast %slice3A_260 : vector<17x64xf32> to vector<17x1x64xf32>
    %stack3A_278 = vector.shape_cast %slice3A_261 : vector<17x64xf32> to vector<17x1x64xf32>
    %stack3A_279 = vector.shape_cast %slice3A_262 : vector<17x64xf32> to vector<17x1x64xf32>
    %stack3A_280 = vector.shape_cast %slice3A_263 : vector<17x64xf32> to vector<17x1x64xf32>
    %stack3A_281 = vector.shape_cast %slice3A_264 : vector<17x64xf32> to vector<17x1x64xf32>
    %stack3A_282 = vector.shape_cast %slice3A_265 : vector<17x64xf32> to vector<17x1x64xf32>
    %stack3A_283 = vector.shape_cast %slice3A_266 : vector<17x64xf32> to vector<17x1x64xf32>
    %stack3A_284 = vector.shape_cast %slice3A_267 : vector<17x64xf32> to vector<17x1x64xf32>
    %stack3A_285 = vector.shape_cast %slice3A_268 : vector<17x64xf32> to vector<17x1x64xf32>
    %stack3A_286 = vector.shape_cast %slice3A_269 : vector<17x64xf32> to vector<17x1x64xf32>
    %stack3A_287 = vector.shape_cast %slice3A_270 : vector<17x64xf32> to vector<17x1x64xf32>
    %stack3A_288 = tpu.concatenate %stack3A_271, %stack3A_272, %stack3A_273, %stack3A_274, %stack3A_275, %stack3A_276, %stack3A_277, %stack3A_278, %stack3A_279, %stack3A_280, %stack3A_281, %stack3A_282, %stack3A_283, %stack3A_284, %stack3A_285, %stack3A_286, %stack3A_287 in 1 : vector<17x1x64xf32>, vector<17x1x64xf32>, vector<17x1x64xf32>, vector<17x1x64xf32>, vector<17x1x64xf32>, vector<17x1x64xf32>, vector<17x1x64xf32>, vector<17x1x64xf32>, vector<17x1x64xf32>, vector<17x1x64xf32>, vector<17x1x64xf32>, vector<17x1x64xf32>, vector<17x1x64xf32>, vector<17x1x64xf32>, vector<17x1x64xf32>, vector<17x1x64xf32>, vector<17x1x64xf32> -> vector<17x17x64xf32>
    %reshape3A_289 = vector.shape_cast %stack3A_288 : vector<17x17x64xf32> to vector<289x64xf32>
    %dot_general3A_290 = arith.constant dense<0.000000e+00> : vector<50x64xf32>
    %dot_general3A_291 = tpu.matmul %get3A_200, %reshape3A_289, %dot_general3A_290 {dimension_numbers = #tpu.dot_dimension_numbers<[1], [0], [0], [1], [0, 0, 1, 1], [], []>, transpose_lhs_hint = false} : vector<50x289xf32>, vector<289x64xf32>, vector<50x64xf32> -> vector<50x64xf32>
    %add3A_292 = vector.broadcast %get3A_205 : vector<50x1xf32> to vector<50x64xf32>
    %add3A_293 = arith.addf %dot_general3A_291, %add3A_292 : vector<50x64xf32>
    %swap3A_294 = arith.constant 0 : index
    %swap3A_295 = arith.constant 0 : index
    %swap3A_296 = arith.constant 0 : index
    %swap3A_297 = arith.constant 1 : index
    %swap3A_298 = arith.constant 0 : index
    %swap3A_299 = vector.load %arg15[%swap3A_294, %swap3A_295, %swap3A_296, %swap3A_297, %swap3A_298] : memref<3x50x2x5x64xf32, #tpu.memory_space<vmem>>, vector<1x50x1x1x64xf32>
    %swap3A_300 = vector.shape_cast %swap3A_299 : vector<1x50x1x1x64xf32> to vector<50x64xf32>
    %swap3A_301 = vector.shape_cast %add3A_293 : vector<50x64xf32> to vector<1x50x1x1x64xf32>
    tpu.vector_store %arg15[%swap3A_294, %swap3A_295, %swap3A_296, %swap3A_297, %swap3A_298], %swap3A_301 {strides = array<i32>} : memref<3x50x2x5x64xf32, #tpu.memory_space<vmem>>, vector<1x50x1x1x64xf32>,
    %slice3A_302 = vector.extract_strided_slice %get3A_195 {offsets = [2, 0], sizes = [17, 80], strides = [1, 1]} : vector<21x80xf32> to vector<17x80xf32>
    %slice3A_303 = vector.extract_strided_slice %slice3A_302 {offsets = [0, 0], sizes = [17, 64], strides = [1, 1]} : vector<17x80xf32> to vector<17x64xf32>
    %slice3A_304 = vector.extract_strided_slice %slice3A_302 {offsets = [0, 1], sizes = [17, 64], strides = [1, 1]} : vector<17x80xf32> to vector<17x64xf32>
    %slice3A_305 = vector.extract_strided_slice %slice3A_302 {offsets = [0, 2], sizes = [17, 64], strides = [1, 1]} : vector<17x80xf32> to vector<17x64xf32>
    %slice3A_306 = vector.extract_strided_slice %slice3A_302 {offsets = [0, 3], sizes = [17, 64], strides = [1, 1]} : vector<17x80xf32> to vector<17x64xf32>
    %slice3A_307 = vector.extract_strided_slice %slice3A_302 {offsets = [0, 4], sizes = [17, 64], strides = [1, 1]} : vector<17x80xf32> to vector<17x64xf32>
    %slice3A_308 = vector.extract_strided_slice %slice3A_302 {offsets = [0, 5], sizes = [17, 64], strides = [1, 1]} : vector<17x80xf32> to vector<17x64xf32>
    %slice3A_309 = vector.extract_strided_slice %slice3A_302 {offsets = [0, 6], sizes = [17, 64], strides = [1, 1]} : vector<17x80xf32> to vector<17x64xf32>
    %slice3A_310 = vector.extract_strided_slice %slice3A_302 {offsets = [0, 7], sizes = [17, 64], strides = [1, 1]} : vector<17x80xf32> to vector<17x64xf32>
    %slice3A_311 = vector.extract_strided_slice %slice3A_302 {offsets = [0, 8], sizes = [17, 64], strides = [1, 1]} : vector<17x80xf32> to vector<17x64xf32>
    %slice3A_312 = vector.extract_strided_slice %slice3A_302 {offsets = [0, 9], sizes = [17, 64], strides = [1, 1]} : vector<17x80xf32> to vector<17x64xf32>
    %slice3A_313 = vector.extract_strided_slice %slice3A_302 {offsets = [0, 10], sizes = [17, 64], strides = [1, 1]} : vector<17x80xf32> to vector<17x64xf32>
    %slice3A_314 = vector.extract_strided_slice %slice3A_302 {offsets = [0, 11], sizes = [17, 64], strides = [1, 1]} : vector<17x80xf32> to vector<17x64xf32>
    %slice3A_315 = vector.extract_strided_slice %slice3A_302 {offsets = [0, 12], sizes = [17, 64], strides = [1, 1]} : vector<17x80xf32> to vector<17x64xf32>
    %slice3A_316 = vector.extract_strided_slice %slice3A_302 {offsets = [0, 13], sizes = [17, 64], strides = [1, 1]} : vector<17x80xf32> to vector<17x64xf32>
    %slice3A_317 = vector.extract_strided_slice %slice3A_302 {offsets = [0, 14], sizes = [17, 64], strides = [1, 1]} : vector<17x80xf32> to vector<17x64xf32>
    %slice3A_318 = vector.extract_strided_slice %slice3A_302 {offsets = [0, 15], sizes = [17, 64], strides = [1, 1]} : vector<17x80xf32> to vector<17x64xf32>
    %slice3A_319 = vector.extract_strided_slice %slice3A_302 {offsets = [0, 16], sizes = [17, 64], strides = [1, 1]} : vector<17x80xf32> to vector<17x64xf32>
    %stack3A_320 = vector.shape_cast %slice3A_303 : vector<17x64xf32> to vector<17x1x64xf32>
    %stack3A_321 = vector.shape_cast %slice3A_304 : vector<17x64xf32> to vector<17x1x64xf32>
    %stack3A_322 = vector.shape_cast %slice3A_305 : vector<17x64xf32> to vector<17x1x64xf32>
    %stack3A_323 = vector.shape_cast %slice3A_306 : vector<17x64xf32> to vector<17x1x64xf32>
    %stack3A_324 = vector.shape_cast %slice3A_307 : vector<17x64xf32> to vector<17x1x64xf32>
    %stack3A_325 = vector.shape_cast %slice3A_308 : vector<17x64xf32> to vector<17x1x64xf32>
    %stack3A_326 = vector.shape_cast %slice3A_309 : vector<17x64xf32> to vector<17x1x64xf32>
    %stack3A_327 = vector.shape_cast %slice3A_310 : vector<17x64xf32> to vector<17x1x64xf32>
    %stack3A_328 = vector.shape_cast %slice3A_311 : vector<17x64xf32> to vector<17x1x64xf32>
    %stack3A_329 = vector.shape_cast %slice3A_312 : vector<17x64xf32> to vector<17x1x64xf32>
    %stack3A_330 = vector.shape_cast %slice3A_313 : vector<17x64xf32> to vector<17x1x64xf32>
    %stack3A_331 = vector.shape_cast %slice3A_314 : vector<17x64xf32> to vector<17x1x64xf32>
    %stack3A_332 = vector.shape_cast %slice3A_315 : vector<17x64xf32> to vector<17x1x64xf32>
    %stack3A_333 = vector.shape_cast %slice3A_316 : vector<17x64xf32> to vector<17x1x64xf32>
    %stack3A_334 = vector.shape_cast %slice3A_317 : vector<17x64xf32> to vector<17x1x64xf32>
    %stack3A_335 = vector.shape_cast %slice3A_318 : vector<17x64xf32> to vector<17x1x64xf32>
    %stack3A_336 = vector.shape_cast %slice3A_319 : vector<17x64xf32> to vector<17x1x64xf32>
    %stack3A_337 = tpu.concatenate %stack3A_320, %stack3A_321, %stack3A_322, %stack3A_323, %stack3A_324, %stack3A_325, %stack3A_326, %stack3A_327, %stack3A_328, %stack3A_329, %stack3A_330, %stack3A_331, %stack3A_332, %stack3A_333, %stack3A_334, %stack3A_335, %stack3A_336 in 1 : vector<17x1x64xf32>, vector<17x1x64xf32>, vector<17x1x64xf32>, vector<17x1x64xf32>, vector<17x1x64xf32>, vector<17x1x64xf32>, vector<17x1x64xf32>, vector<17x1x64xf32>, vector<17x1x64xf32>, vector<17x1x64xf32>, vector<17x1x64xf32>, vector<17x1x64xf32>, vector<17x1x64xf32>, vector<17x1x64xf32>, vector<17x1x64xf32>, vector<17x1x64xf32>, vector<17x1x64xf32> -> vector<17x17x64xf32>
    %reshape3A_338 = vector.shape_cast %stack3A_337 : vector<17x17x64xf32> to vector<289x64xf32>
    %dot_general3A_339 = arith.constant dense<0.000000e+00> : vector<50x64xf32>
    %dot_general3A_340 = tpu.matmul %get3A_200, %reshape3A_338, %dot_general3A_339 {dimension_numbers = #tpu.dot_dimension_numbers<[1], [0], [0], [1], [0, 0, 1, 1], [], []>, transpose_lhs_hint = false} : vector<50x289xf32>, vector<289x64xf32>, vector<50x64xf32> -> vector<50x64xf32>
    %add3A_341 = vector.broadcast %get3A_205 : vector<50x1xf32> to vector<50x64xf32>
    %add3A_342 = arith.addf %dot_general3A_340, %add3A_341 : vector<50x64xf32>
    %swap3A_343 = arith.constant 0 : index
    %swap3A_344 = arith.constant 0 : index
    %swap3A_345 = arith.constant 0 : index
    %swap3A_346 = arith.constant 2 : index
    %swap3A_347 = arith.constant 0 : index
    %swap3A_348 = vector.load %arg15[%swap3A_343, %swap3A_344, %swap3A_345, %swap3A_346, %swap3A_347] : memref<3x50x2x5x64xf32, #tpu.memory_space<vmem>>, vector<1x50x1x1x64xf32>
    %swap3A_349 = vector.shape_cast %swap3A_348 : vector<1x50x1x1x64xf32> to vector<50x64xf32>
    %swap3A_350 = vector.shape_cast %add3A_342 : vector<50x64xf32> to vector<1x50x1x1x64xf32>
    tpu.vector_store %arg15[%swap3A_343, %swap3A_344, %swap3A_345, %swap3A_346, %swap3A_347], %swap3A_350 {strides = array<i32>} : memref<3x50x2x5x64xf32, #tpu.memory_space<vmem>>, vector<1x50x1x1x64xf32>,
    %slice3A_351 = vector.extract_strided_slice %get3A_195 {offsets = [3, 0], sizes = [17, 80], strides = [1, 1]} : vector<21x80xf32> to vector<17x80xf32>
    %slice3A_352 = vector.extract_strided_slice %slice3A_351 {offsets = [0, 0], sizes = [17, 64], strides = [1, 1]} : vector<17x80xf32> to vector<17x64xf32>
    %slice3A_353 = vector.extract_strided_slice %slice3A_351 {offsets = [0, 1], sizes = [17, 64], strides = [1, 1]} : vector<17x80xf32> to vector<17x64xf32>
    %slice3A_354 = vector.extract_strided_slice %slice3A_351 {offsets = [0, 2], sizes = [17, 64], strides = [1, 1]} : vector<17x80xf32> to vector<17x64xf32>
    %slice3A_355 = vector.extract_strided_slice %slice3A_351 {offsets = [0, 3], sizes = [17, 64], strides = [1, 1]} : vector<17x80xf32> to vector<17x64xf32>
    %slice3A_356 = vector.extract_strided_slice %slice3A_351 {offsets = [0, 4], sizes = [17, 64], strides = [1, 1]} : vector<17x80xf32> to vector<17x64xf32>
    %slice3A_357 = vector.extract_strided_slice %slice3A_351 {offsets = [0, 5], sizes = [17, 64], strides = [1, 1]} : vector<17x80xf32> to vector<17x64xf32>
    %slice3A_358 = vector.extract_strided_slice %slice3A_351 {offsets = [0, 6], sizes = [17, 64], strides = [1, 1]} : vector<17x80xf32> to vector<17x64xf32>
    %slice3A_359 = vector.extract_strided_slice %slice3A_351 {offsets = [0, 7], sizes = [17, 64], strides = [1, 1]} : vector<17x80xf32> to vector<17x64xf32>
    %slice3A_360 = vector.extract_strided_slice %slice3A_351 {offsets = [0, 8], sizes = [17, 64], strides = [1, 1]} : vector<17x80xf32> to vector<17x64xf32>
    %slice3A_361 = vector.extract_strided_slice %slice3A_351 {offsets = [0, 9], sizes = [17, 64], strides = [1, 1]} : vector<17x80xf32> to vector<17x64xf32>
    %slice3A_362 = vector.extract_strided_slice %slice3A_351 {offsets = [0, 10], sizes = [17, 64], strides = [1, 1]} : vector<17x80xf32> to vector<17x64xf32>
    %slice3A_363 = vector.extract_strided_slice %slice3A_351 {offsets = [0, 11], sizes = [17, 64], strides = [1, 1]} : vector<17x80xf32> to vector<17x64xf32>
    %slice3A_364 = vector.extract_strided_slice %slice3A_351 {offsets = [0, 12], sizes = [17, 64], strides = [1, 1]} : vector<17x80xf32> to vector<17x64xf32>
    %slice3A_365 = vector.extract_strided_slice %slice3A_351 {offsets = [0, 13], sizes = [17, 64], strides = [1, 1]} : vector<17x80xf32> to vector<17x64xf32>
    %slice3A_366 = vector.extract_strided_slice %slice3A_351 {offsets = [0, 14], sizes = [17, 64], strides = [1, 1]} : vector<17x80xf32> to vector<17x64xf32>
    %slice3A_367 = vector.extract_strided_slice %slice3A_351 {offsets = [0, 15], sizes = [17, 64], strides = [1, 1]} : vector<17x80xf32> to vector<17x64xf32>
    %slice3A_368 = vector.extract_strided_slice %slice3A_351 {offsets = [0, 16], sizes = [17, 64], strides = [1, 1]} : vector<17x80xf32> to vector<17x64xf32>
    %stack3A_369 = vector.shape_cast %slice3A_352 : vector<17x64xf32> to vector<17x1x64xf32>
    %stack3A_370 = vector.shape_cast %slice3A_353 : vector<17x64xf32> to vector<17x1x64xf32>
    %stack3A_371 = vector.shape_cast %slice3A_354 : vector<17x64xf32> to vector<17x1x64xf32>
    %stack3A_372 = vector.shape_cast %slice3A_355 : vector<17x64xf32> to vector<17x1x64xf32>
    %stack3A_373 = vector.shape_cast %slice3A_356 : vector<17x64xf32> to vector<17x1x64xf32>
    %stack3A_374 = vector.shape_cast %slice3A_357 : vector<17x64xf32> to vector<17x1x64xf32>
    %stack3A_375 = vector.shape_cast %slice3A_358 : vector<17x64xf32> to vector<17x1x64xf32>
    %stack3A_376 = vector.shape_cast %slice3A_359 : vector<17x64xf32> to vector<17x1x64xf32>
    %stack3A_377 = vector.shape_cast %slice3A_360 : vector<17x64xf32> to vector<17x1x64xf32>
    %stack3A_378 = vector.shape_cast %slice3A_361 : vector<17x64xf32> to vector<17x1x64xf32>
    %stack3A_379 = vector.shape_cast %slice3A_362 : vector<17x64xf32> to vector<17x1x64xf32>
    %stack3A_380 = vector.shape_cast %slice3A_363 : vector<17x64xf32> to vector<17x1x64xf32>
    %stack3A_381 = vector.shape_cast %slice3A_364 : vector<17x64xf32> to vector<17x1x64xf32>
    %stack3A_382 = vector.shape_cast %slice3A_365 : vector<17x64xf32> to vector<17x1x64xf32>
    %stack3A_383 = vector.shape_cast %slice3A_366 : vector<17x64xf32> to vector<17x1x64xf32>
    %stack3A_384 = vector.shape_cast %slice3A_367 : vector<17x64xf32> to vector<17x1x64xf32>
    %stack3A_385 = vector.shape_cast %slice3A_368 : vector<17x64xf32> to vector<17x1x64xf32>
    %stack3A_386 = tpu.concatenate %stack3A_369, %stack3A_370, %stack3A_371, %stack3A_372, %stack3A_373, %stack3A_374, %stack3A_375, %stack3A_376, %stack3A_377, %stack3A_378, %stack3A_379, %stack3A_380, %stack3A_381, %stack3A_382, %stack3A_383, %stack3A_384, %stack3A_385 in 1 : vector<17x1x64xf32>, vector<17x1x64xf32>, vector<17x1x64xf32>, vector<17x1x64xf32>, vector<17x1x64xf32>, vector<17x1x64xf32>, vector<17x1x64xf32>, vector<17x1x64xf32>, vector<17x1x64xf32>, vector<17x1x64xf32>, vector<17x1x64xf32>, vector<17x1x64xf32>, vector<17x1x64xf32>, vector<17x1x64xf32>, vector<17x1x64xf32>, vector<17x1x64xf32>, vector<17x1x64xf32> -> vector<17x17x64xf32>
    %reshape3A_387 = vector.shape_cast %stack3A_386 : vector<17x17x64xf32> to vector<289x64xf32>
    %dot_general3A_388 = arith.constant dense<0.000000e+00> : vector<50x64xf32>
    %dot_general3A_389 = tpu.matmul %get3A_200, %reshape3A_387, %dot_general3A_388 {dimension_numbers = #tpu.dot_dimension_numbers<[1], [0], [0], [1], [0, 0, 1, 1], [], []>, transpose_lhs_hint = false} : vector<50x289xf32>, vector<289x64xf32>, vector<50x64xf32> -> vector<50x64xf32>
    %add3A_390 = vector.broadcast %get3A_205 : vector<50x1xf32> to vector<50x64xf32>
    %add3A_391 = arith.addf %dot_general3A_389, %add3A_390 : vector<50x64xf32>
    %swap3A_392 = arith.constant 0 : index
    %swap3A_393 = arith.constant 0 : index
    %swap3A_394 = arith.constant 0 : index
    %swap3A_395 = arith.constant 3 : index
    %swap3A_396 = arith.constant 0 : index
    %swap3A_397 = vector.load %arg15[%swap3A_392, %swap3A_393, %swap3A_394, %swap3A_395, %swap3A_396] : memref<3x50x2x5x64xf32, #tpu.memory_space<vmem>>, vector<1x50x1x1x64xf32>
    %swap3A_398 = vector.shape_cast %swap3A_397 : vector<1x50x1x1x64xf32> to vector<50x64xf32>
    %swap3A_399 = vector.shape_cast %add3A_391 : vector<50x64xf32> to vector<1x50x1x1x64xf32>
    tpu.vector_store %arg15[%swap3A_392, %swap3A_393, %swap3A_394, %swap3A_395, %swap3A_396], %swap3A_399 {strides = array<i32>} : memref<3x50x2x5x64xf32, #tpu.memory_space<vmem>>, vector<1x50x1x1x64xf32>,
    %slice3A_400 = vector.extract_strided_slice %get3A_195 {offsets = [4, 0], sizes = [17, 80], strides = [1, 1]} : vector<21x80xf32> to vector<17x80xf32>
    %slice3A_401 = vector.extract_strided_slice %slice3A_400 {offsets = [0, 0], sizes = [17, 64], strides = [1, 1]} : vector<17x80xf32> to vector<17x64xf32>
    %slice3A_402 = vector.extract_strided_slice %slice3A_400 {offsets = [0, 1], sizes = [17, 64], strides = [1, 1]} : vector<17x80xf32> to vector<17x64xf32>
    %slice3A_403 = vector.extract_strided_slice %slice3A_400 {offsets = [0, 2], sizes = [17, 64], strides = [1, 1]} : vector<17x80xf32> to vector<17x64xf32>
    %slice3A_404 = vector.extract_strided_slice %slice3A_400 {offsets = [0, 3], sizes = [17, 64], strides = [1, 1]} : vector<17x80xf32> to vector<17x64xf32>
    %slice3A_405 = vector.extract_strided_slice %slice3A_400 {offsets = [0, 4], sizes = [17, 64], strides = [1, 1]} : vector<17x80xf32> to vector<17x64xf32>
    %slice3A_406 = vector.extract_strided_slice %slice3A_400 {offsets = [0, 5], sizes = [17, 64], strides = [1, 1]} : vector<17x80xf32> to vector<17x64xf32>
    %slice3A_407 = vector.extract_strided_slice %slice3A_400 {offsets = [0, 6], sizes = [17, 64], strides = [1, 1]} : vector<17x80xf32> to vector<17x64xf32>
    %slice3A_408 = vector.extract_strided_slice %slice3A_400 {offsets = [0, 7], sizes = [17, 64], strides = [1, 1]} : vector<17x80xf32> to vector<17x64xf32>
    %slice3A_409 = vector.extract_strided_slice %slice3A_400 {offsets = [0, 8], sizes = [17, 64], strides = [1, 1]} : vector<17x80xf32> to vector<17x64xf32>
    %slice3A_410 = vector.extract_strided_slice %slice3A_400 {offsets = [0, 9], sizes = [17, 64], strides = [1, 1]} : vector<17x80xf32> to vector<17x64xf32>
    %slice3A_411 = vector.extract_strided_slice %slice3A_400 {offsets = [0, 10], sizes = [17, 64], strides = [1, 1]} : vector<17x80xf32> to vector<17x64xf32>
    %slice3A_412 = vector.extract_strided_slice %slice3A_400 {offsets = [0, 11], sizes = [17, 64], strides = [1, 1]} : vector<17x80xf32> to vector<17x64xf32>
    %slice3A_413 = vector.extract_strided_slice %slice3A_400 {offsets = [0, 12], sizes = [17, 64], strides = [1, 1]} : vector<17x80xf32> to vector<17x64xf32>
    %slice3A_414 = vector.extract_strided_slice %slice3A_400 {offsets = [0, 13], sizes = [17, 64], strides = [1, 1]} : vector<17x80xf32> to vector<17x64xf32>
    %slice3A_415 = vector.extract_strided_slice %slice3A_400 {offsets = [0, 14], sizes = [17, 64], strides = [1, 1]} : vector<17x80xf32> to vector<17x64xf32>
    %slice3A_416 = vector.extract_strided_slice %slice3A_400 {offsets = [0, 15], sizes = [17, 64], strides = [1, 1]} : vector<17x80xf32> to vector<17x64xf32>
    %slice3A_417 = vector.extract_strided_slice %slice3A_400 {offsets = [0, 16], sizes = [17, 64], strides = [1, 1]} : vector<17x80xf32> to vector<17x64xf32>
    %stack3A_418 = vector.shape_cast %slice3A_401 : vector<17x64xf32> to vector<17x1x64xf32>
    %stack3A_419 = vector.shape_cast %slice3A_402 : vector<17x64xf32> to vector<17x1x64xf32>
    %stack3A_420 = vector.shape_cast %slice3A_403 : vector<17x64xf32> to vector<17x1x64xf32>
    %stack3A_421 = vector.shape_cast %slice3A_404 : vector<17x64xf32> to vector<17x1x64xf32>
    %stack3A_422 = vector.shape_cast %slice3A_405 : vector<17x64xf32> to vector<17x1x64xf32>
    %stack3A_423 = vector.shape_cast %slice3A_406 : vector<17x64xf32> to vector<17x1x64xf32>
    %stack3A_424 = vector.shape_cast %slice3A_407 : vector<17x64xf32> to vector<17x1x64xf32>
    %stack3A_425 = vector.shape_cast %slice3A_408 : vector<17x64xf32> to vector<17x1x64xf32>
    %stack3A_426 = vector.shape_cast %slice3A_409 : vector<17x64xf32> to vector<17x1x64xf32>
    %stack3A_427 = vector.shape_cast %slice3A_410 : vector<17x64xf32> to vector<17x1x64xf32>
    %stack3A_428 = vector.shape_cast %slice3A_411 : vector<17x64xf32> to vector<17x1x64xf32>
    %stack3A_429 = vector.shape_cast %slice3A_412 : vector<17x64xf32> to vector<17x1x64xf32>
    %stack3A_430 = vector.shape_cast %slice3A_413 : vector<17x64xf32> to vector<17x1x64xf32>
    %stack3A_431 = vector.shape_cast %slice3A_414 : vector<17x64xf32> to vector<17x1x64xf32>
    %stack3A_432 = vector.shape_cast %slice3A_415 : vector<17x64xf32> to vector<17x1x64xf32>
    %stack3A_433 = vector.shape_cast %slice3A_416 : vector<17x64xf32> to vector<17x1x64xf32>
    %stack3A_434 = vector.shape_cast %slice3A_417 : vector<17x64xf32> to vector<17x1x64xf32>
    %stack3A_435 = tpu.concatenate %stack3A_418, %stack3A_419, %stack3A_420, %stack3A_421, %stack3A_422, %stack3A_423, %stack3A_424, %stack3A_425, %stack3A_426, %stack3A_427, %stack3A_428, %stack3A_429, %stack3A_430, %stack3A_431, %stack3A_432, %stack3A_433, %stack3A_434 in 1 : vector<17x1x64xf32>, vector<17x1x64xf32>, vector<17x1x64xf32>, vector<17x1x64xf32>, vector<17x1x64xf32>, vector<17x1x64xf32>, vector<17x1x64xf32>, vector<17x1x64xf32>, vector<17x1x64xf32>, vector<17x1x64xf32>, vector<17x1x64xf32>, vector<17x1x64xf32>, vector<17x1x64xf32>, vector<17x1x64xf32>, vector<17x1x64xf32>, vector<17x1x64xf32>, vector<17x1x64xf32> -> vector<17x17x64xf32>
    %reshape3A_436 = vector.shape_cast %stack3A_435 : vector<17x17x64xf32> to vector<289x64xf32>
    %dot_general3A_437 = arith.constant dense<0.000000e+00> : vector<50x64xf32>
    %dot_general3A_438 = tpu.matmul %get3A_200, %reshape3A_436, %dot_general3A_437 {dimension_numbers = #tpu.dot_dimension_numbers<[1], [0], [0], [1], [0, 0, 1, 1], [], []>, transpose_lhs_hint = false} : vector<50x289xf32>, vector<289x64xf32>, vector<50x64xf32> -> vector<50x64xf32>
    %add3A_439 = vector.broadcast %get3A_205 : vector<50x1xf32> to vector<50x64xf32>
    %add3A_440 = arith.addf %dot_general3A_438, %add3A_439 : vector<50x64xf32>
    %swap3A_441 = arith.constant 0 : index
    %swap3A_442 = arith.constant 0 : index
    %swap3A_443 = arith.constant 0 : index
    %swap3A_444 = arith.constant 4 : index
    %swap3A_445 = arith.constant 0 : index
    %swap3A_446 = vector.load %arg15[%swap3A_441, %swap3A_442, %swap3A_443, %swap3A_444, %swap3A_445] : memref<3x50x2x5x64xf32, #tpu.memory_space<vmem>>, vector<1x50x1x1x64xf32>
    %swap3A_447 = vector.shape_cast %swap3A_446 : vector<1x50x1x1x64xf32> to vector<50x64xf32>
    %swap3A_448 = vector.shape_cast %add3A_440 : vector<50x64xf32> to vector<1x50x1x1x64xf32>
    tpu.vector_store %arg15[%swap3A_441, %swap3A_442, %swap3A_443, %swap3A_444, %swap3A_445], %swap3A_448 {strides = array<i32>} : memref<3x50x2x5x64xf32, #tpu.memory_space<vmem>>, vector<1x50x1x1x64xf32>,
    %get3A_449 = arith.constant 1 : index
    %get3A_450 = arith.constant 0 : index
    %get3A_451 = arith.constant 0 : index
    %get3A_452 = vector.load %arg7[%get3A_449, %get3A_450, %get3A_451] : memref<6x21x80xf32, #tpu.memory_space<vmem>>, vector<1x21x80xf32>
    %get3A_453 = vector.shape_cast %get3A_452 : vector<1x21x80xf32> to vector<21x80xf32>
    %get3A_454 = arith.constant 1 : index
    %get3A_455 = arith.constant 0 : index
    %get3A_456 = arith.constant 0 : index
    %get3A_457 = vector.load %arg8[%get3A_454, %get3A_455, %get3A_456] : memref<6x50x289xf32, #tpu.memory_space<vmem>>, vector<1x50x289xf32>
    %get3A_458 = vector.shape_cast %get3A_457 : vector<1x50x289xf32> to vector<50x289xf32>
    %get3A_459 = arith.constant 1 : index
    %get3A_460 = arith.constant 0 : index
    %get3A_461 = arith.constant 0 : index
    %get3A_462 = vector.load %arg9[%get3A_459, %get3A_460, %get3A_461] : memref<6x50x1xf32, #tpu.memory_space<vmem>>, vector<1x50x1xf32>
    %get3A_463 = vector.shape_cast %get3A_462 : vector<1x50x1xf32> to vector<50x1xf32>
    %slice3A_464 = vector.extract_strided_slice %get3A_453 {offsets = [0, 0], sizes = [17, 80], strides = [1, 1]} : vector<21x80xf32> to vector<17x80xf32>
    %slice3A_465 = vector.extract_strided_slice %slice3A_464 {offsets = [0, 0], sizes = [17, 64], strides = [1, 1]} : vector<17x80xf32> to vector<17x64xf32>
    %slice3A_466 = vector.extract_strided_slice %slice3A_464 {offsets = [0, 1], sizes = [17, 64], strides = [1, 1]} : vector<17x80xf32> to vector<17x64xf32>
    %slice3A_467 = vector.extract_strided_slice %slice3A_464 {offsets = [0, 2], sizes = [17, 64], strides = [1, 1]} : vector<17x80xf32> to vector<17x64xf32>
    %slice3A_468 = vector.extract_strided_slice %slice3A_464 {offsets = [0, 3], sizes = [17, 64], strides = [1, 1]} : vector<17x80xf32> to vector<17x64xf32>
    %slice3A_469 = vector.extract_strided_slice %slice3A_464 {offsets = [0, 4], sizes = [17, 64], strides = [1, 1]} : vector<17x80xf32> to vector<17x64xf32>
    %slice3A_470 = vector.extract_strided_slice %slice3A_464 {offsets = [0, 5], sizes = [17, 64], strides = [1, 1]} : vector<17x80xf32> to vector<17x64xf32>
    %slice3A_471 = vector.extract_strided_slice %slice3A_464 {offsets = [0, 6], sizes = [17, 64], strides = [1, 1]} : vector<17x80xf32> to vector<17x64xf32>
    %slice3A_472 = vector.extract_strided_slice %slice3A_464 {offsets = [0, 7], sizes = [17, 64], strides = [1, 1]} : vector<17x80xf32> to vector<17x64xf32>
    %slice3A_473 = vector.extract_strided_slice %slice3A_464 {offsets = [0, 8], sizes = [17, 64], strides = [1, 1]} : vector<17x80xf32> to vector<17x64xf32>
    %slice3A_474 = vector.extract_strided_slice %slice3A_464 {offsets = [0, 9], sizes = [17, 64], strides = [1, 1]} : vector<17x80xf32> to vector<17x64xf32>
    %slice3A_475 = vector.extract_strided_slice %slice3A_464 {offsets = [0, 10], sizes = [17, 64], strides = [1, 1]} : vector<17x80xf32> to vector<17x64xf32>
    %slice3A_476 = vector.extract_strided_slice %slice3A_464 {offsets = [0, 11], sizes = [17, 64], strides = [1, 1]} : vector<17x80xf32> to vector<17x64xf32>
    %slice3A_477 = vector.extract_strided_slice %slice3A_464 {offsets = [0, 12], sizes = [17, 64], strides = [1, 1]} : vector<17x80xf32> to vector<17x64xf32>
    %slice3A_478 = vector.extract_strided_slice %slice3A_464 {offsets = [0, 13], sizes = [17, 64], strides = [1, 1]} : vector<17x80xf32> to vector<17x64xf32>
    %slice3A_479 = vector.extract_strided_slice %slice3A_464 {offsets = [0, 14], sizes = [17, 64], strides = [1, 1]} : vector<17x80xf32> to vector<17x64xf32>
    %slice3A_480 = vector.extract_strided_slice %slice3A_464 {offsets = [0, 15], sizes = [17, 64], strides = [1, 1]} : vector<17x80xf32> to vector<17x64xf32>
    %slice3A_481 = vector.extract_strided_slice %slice3A_464 {offsets = [0, 16], sizes = [17, 64], strides = [1, 1]} : vector<17x80xf32> to vector<17x64xf32>
    %stack3A_482 = vector.shape_cast %slice3A_465 : vector<17x64xf32> to vector<17x1x64xf32>
    %stack3A_483 = vector.shape_cast %slice3A_466 : vector<17x64xf32> to vector<17x1x64xf32>
    %stack3A_484 = vector.shape_cast %slice3A_467 : vector<17x64xf32> to vector<17x1x64xf32>
    %stack3A_485 = vector.shape_cast %slice3A_468 : vector<17x64xf32> to vector<17x1x64xf32>
    %stack3A_486 = vector.shape_cast %slice3A_469 : vector<17x64xf32> to vector<17x1x64xf32>
    %stack3A_487 = vector.shape_cast %slice3A_470 : vector<17x64xf32> to vector<17x1x64xf32>
    %stack3A_488 = vector.shape_cast %slice3A_471 : vector<17x64xf32> to vector<17x1x64xf32>
    %stack3A_489 = vector.shape_cast %slice3A_472 : vector<17x64xf32> to vector<17x1x64xf32>
    %stack3A_490 = vector.shape_cast %slice3A_473 : vector<17x64xf32> to vector<17x1x64xf32>
    %stack3A_491 = vector.shape_cast %slice3A_474 : vector<17x64xf32> to vector<17x1x64xf32>
    %stack3A_492 = vector.shape_cast %slice3A_475 : vector<17x64xf32> to vector<17x1x64xf32>
    %stack3A_493 = vector.shape_cast %slice3A_476 : vector<17x64xf32> to vector<17x1x64xf32>
    %stack3A_494 = vector.shape_cast %slice3A_477 : vector<17x64xf32> to vector<17x1x64xf32>
    %stack3A_495 = vector.shape_cast %slice3A_478 : vector<17x64xf32> to vector<17x1x64xf32>
    %stack3A_496 = vector.shape_cast %slice3A_479 : vector<17x64xf32> to vector<17x1x64xf32>
    %stack3A_497 = vector.shape_cast %slice3A_480 : vector<17x64xf32> to vector<17x1x64xf32>
    %stack3A_498 = vector.shape_cast %slice3A_481 : vector<17x64xf32> to vector<17x1x64xf32>
    %stack3A_499 = tpu.concatenate %stack3A_482, %stack3A_483, %stack3A_484, %stack3A_485, %stack3A_486, %stack3A_487, %stack3A_488, %stack3A_489, %stack3A_490, %stack3A_491, %stack3A_492, %stack3A_493, %stack3A_494, %stack3A_495, %stack3A_496, %stack3A_497, %stack3A_498 in 1 : vector<17x1x64xf32>, vector<17x1x64xf32>, vector<17x1x64xf32>, vector<17x1x64xf32>, vector<17x1x64xf32>, vector<17x1x64xf32>, vector<17x1x64xf32>, vector<17x1x64xf32>, vector<17x1x64xf32>, vector<17x1x64xf32>, vector<17x1x64xf32>, vector<17x1x64xf32>, vector<17x1x64xf32>, vector<17x1x64xf32>, vector<17x1x64xf32>, vector<17x1x64xf32>, vector<17x1x64xf32> -> vector<17x17x64xf32>
    %reshape3A_500 = vector.shape_cast %stack3A_499 : vector<17x17x64xf32> to vector<289x64xf32>
    %dot_general3A_501 = arith.constant dense<0.000000e+00> : vector<50x64xf32>
    %dot_general3A_502 = tpu.matmul %get3A_458, %reshape3A_500, %dot_general3A_501 {dimension_numbers = #tpu.dot_dimension_numbers<[1], [0], [0], [1], [0, 0, 1, 1], [], []>, transpose_lhs_hint = false} : vector<50x289xf32>, vector<289x64xf32>, vector<50x64xf32> -> vector<50x64xf32>
    %add3A_503 = vector.broadcast %get3A_463 : vector<50x1xf32> to vector<50x64xf32>
    %add3A_504 = arith.addf %dot_general3A_502, %add3A_503 : vector<50x64xf32>
    %swap3A_505 = arith.constant 0 : index
    %swap3A_506 = arith.constant 0 : index
    %swap3A_507 = arith.constant 1 : index
    %swap3A_508 = arith.constant 0 : index
    %swap3A_509 = arith.constant 0 : index
    %swap3A_510 = vector.load %arg15[%swap3A_505, %swap3A_506, %swap3A_507, %swap3A_508, %swap3A_509] : memref<3x50x2x5x64xf32, #tpu.memory_space<vmem>>, vector<1x50x1x1x64xf32>
    %swap3A_511 = vector.shape_cast %swap3A_510 : vector<1x50x1x1x64xf32> to vector<50x64xf32>
    %swap3A_512 = vector.shape_cast %add3A_504 : vector<50x64xf32> to vector<1x50x1x1x64xf32>
    tpu.vector_store %arg15[%swap3A_505, %swap3A_506, %swap3A_507, %swap3A_508, %swap3A_509], %swap3A_512 {strides = array<i32>} : memref<3x50x2x5x64xf32, #tpu.memory_space<vmem>>, vector<1x50x1x1x64xf32>,
    %slice3A_513 = vector.extract_strided_slice %get3A_453 {offsets = [1, 0], sizes = [17, 80], strides = [1, 1]} : vector<21x80xf32> to vector<17x80xf32>
    %slice3A_514 = vector.extract_strided_slice %slice3A_513 {offsets = [0, 0], sizes = [17, 64], strides = [1, 1]} : vector<17x80xf32> to vector<17x64xf32>
    %slice3A_515 = vector.extract_strided_slice %slice3A_513 {offsets = [0, 1], sizes = [17, 64], strides = [1, 1]} : vector<17x80xf32> to vector<17x64xf32>
    %slice3A_516 = vector.extract_strided_slice %slice3A_513 {offsets = [0, 2], sizes = [17, 64], strides = [1, 1]} : vector<17x80xf32> to vector<17x64xf32>
    %slice3A_517 = vector.extract_strided_slice %slice3A_513 {offsets = [0, 3], sizes = [17, 64], strides = [1, 1]} : vector<17x80xf32> to vector<17x64xf32>
    %slice3A_518 = vector.extract_strided_slice %slice3A_513 {offsets = [0, 4], sizes = [17, 64], strides = [1, 1]} : vector<17x80xf32> to vector<17x64xf32>
    %slice3A_519 = vector.extract_strided_slice %slice3A_513 {offsets = [0, 5], sizes = [17, 64], strides = [1, 1]} : vector<17x80xf32> to vector<17x64xf32>
    %slice3A_520 = vector.extract_strided_slice %slice3A_513 {offsets = [0, 6], sizes = [17, 64], strides = [1, 1]} : vector<17x80xf32> to vector<17x64xf32>
    %slice3A_521 = vector.extract_strided_slice %slice3A_513 {offsets = [0, 7], sizes = [17, 64], strides = [1, 1]} : vector<17x80xf32> to vector<17x64xf32>
    %slice3A_522 = vector.extract_strided_slice %slice3A_513 {offsets = [0, 8], sizes = [17, 64], strides = [1, 1]} : vector<17x80xf32> to vector<17x64xf32>
    %slice3A_523 = vector.extract_strided_slice %slice3A_513 {offsets = [0, 9], sizes = [17, 64], strides = [1, 1]} : vector<17x80xf32> to vector<17x64xf32>
    %slice3A_524 = vector.extract_strided_slice %slice3A_513 {offsets = [0, 10], sizes = [17, 64], strides = [1, 1]} : vector<17x80xf32> to vector<17x64xf32>
    %slice3A_525 = vector.extract_strided_slice %slice3A_513 {offsets = [0, 11], sizes = [17, 64], strides = [1, 1]} : vector<17x80xf32> to vector<17x64xf32>
    %slice3A_526 = vector.extract_strided_slice %slice3A_513 {offsets = [0, 12], sizes = [17, 64], strides = [1, 1]} : vector<17x80xf32> to vector<17x64xf32>
    %slice3A_527 = vector.extract_strided_slice %slice3A_513 {offsets = [0, 13], sizes = [17, 64], strides = [1, 1]} : vector<17x80xf32> to vector<17x64xf32>
    %slice3A_528 = vector.extract_strided_slice %slice3A_513 {offsets = [0, 14], sizes = [17, 64], strides = [1, 1]} : vector<17x80xf32> to vector<17x64xf32>
    %slice3A_529 = vector.extract_strided_slice %slice3A_513 {offsets = [0, 15], sizes = [17, 64], strides = [1, 1]} : vector<17x80xf32> to vector<17x64xf32>
    %slice3A_530 = vector.extract_strided_slice %slice3A_513 {offsets = [0, 16], sizes = [17, 64], strides = [1, 1]} : vector<17x80xf32> to vector<17x64xf32>
    %stack3A_531 = vector.shape_cast %slice3A_514 : vector<17x64xf32> to vector<17x1x64xf32>
    %stack3A_532 = vector.shape_cast %slice3A_515 : vector<17x64xf32> to vector<17x1x64xf32>
    %stack3A_533 = vector.shape_cast %slice3A_516 : vector<17x64xf32> to vector<17x1x64xf32>
    %stack3A_534 = vector.shape_cast %slice3A_517 : vector<17x64xf32> to vector<17x1x64xf32>
    %stack3A_535 = vector.shape_cast %slice3A_518 : vector<17x64xf32> to vector<17x1x64xf32>
    %stack3A_536 = vector.shape_cast %slice3A_519 : vector<17x64xf32> to vector<17x1x64xf32>
    %stack3A_537 = vector.shape_cast %slice3A_520 : vector<17x64xf32> to vector<17x1x64xf32>
    %stack3A_538 = vector.shape_cast %slice3A_521 : vector<17x64xf32> to vector<17x1x64xf32>
    %stack3A_539 = vector.shape_cast %slice3A_522 : vector<17x64xf32> to vector<17x1x64xf32>
    %stack3A_540 = vector.shape_cast %slice3A_523 : vector<17x64xf32> to vector<17x1x64xf32>
    %stack3A_541 = vector.shape_cast %slice3A_524 : vector<17x64xf32> to vector<17x1x64xf32>
    %stack3A_542 = vector.shape_cast %slice3A_525 : vector<17x64xf32> to vector<17x1x64xf32>
    %stack3A_543 = vector.shape_cast %slice3A_526 : vector<17x64xf32> to vector<17x1x64xf32>
    %stack3A_544 = vector.shape_cast %slice3A_527 : vector<17x64xf32> to vector<17x1x64xf32>
    %stack3A_545 = vector.shape_cast %slice3A_528 : vector<17x64xf32> to vector<17x1x64xf32>
    %stack3A_546 = vector.shape_cast %slice3A_529 : vector<17x64xf32> to vector<17x1x64xf32>
    %stack3A_547 = vector.shape_cast %slice3A_530 : vector<17x64xf32> to vector<17x1x64xf32>
    %stack3A_548 = tpu.concatenate %stack3A_531, %stack3A_532, %stack3A_533, %stack3A_534, %stack3A_535, %stack3A_536, %stack3A_537, %stack3A_538, %stack3A_539, %stack3A_540, %stack3A_541, %stack3A_542, %stack3A_543, %stack3A_544, %stack3A_545, %stack3A_546, %stack3A_547 in 1 : vector<17x1x64xf32>, vector<17x1x64xf32>, vector<17x1x64xf32>, vector<17x1x64xf32>, vector<17x1x64xf32>, vector<17x1x64xf32>, vector<17x1x64xf32>, vector<17x1x64xf32>, vector<17x1x64xf32>, vector<17x1x64xf32>, vector<17x1x64xf32>, vector<17x1x64xf32>, vector<17x1x64xf32>, vector<17x1x64xf32>, vector<17x1x64xf32>, vector<17x1x64xf32>, vector<17x1x64xf32> -> vector<17x17x64xf32>
    %reshape3A_549 = vector.shape_cast %stack3A_548 : vector<17x17x64xf32> to vector<289x64xf32>
    %dot_general3A_550 = arith.constant dense<0.000000e+00> : vector<50x64xf32>
    %dot_general3A_551 = tpu.matmul %get3A_458, %reshape3A_549, %dot_general3A_550 {dimension_numbers = #tpu.dot_dimension_numbers<[1], [0], [0], [1], [0, 0, 1, 1], [], []>, transpose_lhs_hint = false} : vector<50x289xf32>, vector<289x64xf32>, vector<50x64xf32> -> vector<50x64xf32>
    %add3A_552 = vector.broadcast %get3A_463 : vector<50x1xf32> to vector<50x64xf32>
    %add3A_553 = arith.addf %dot_general3A_551, %add3A_552 : vector<50x64xf32>
    %swap3A_554 = arith.constant 0 : index
    %swap3A_555 = arith.constant 0 : index
    %swap3A_556 = arith.constant 1 : index
    %swap3A_557 = arith.constant 1 : index
    %swap3A_558 = arith.constant 0 : index
    %swap3A_559 = vector.load %arg15[%swap3A_554, %swap3A_555, %swap3A_556, %swap3A_557, %swap3A_558] : memref<3x50x2x5x64xf32, #tpu.memory_space<vmem>>, vector<1x50x1x1x64xf32>
    %swap3A_560 = vector.shape_cast %swap3A_559 : vector<1x50x1x1x64xf32> to vector<50x64xf32>
    %swap3A_561 = vector.shape_cast %add3A_553 : vector<50x64xf32> to vector<1x50x1x1x64xf32>
    tpu.vector_store %arg15[%swap3A_554, %swap3A_555, %swap3A_556, %swap3A_557, %swap3A_558], %swap3A_561 {strides = array<i32>} : memref<3x50x2x5x64xf32, #tpu.memory_space<vmem>>, vector<1x50x1x1x64xf32>,
    %slice3A_562 = vector.extract_strided_slice %get3A_453 {offsets = [2, 0], sizes = [17, 80], strides = [1, 1]} : vector<21x80xf32> to vector<17x80xf32>
    %slice3A_563 = vector.extract_strided_slice %slice3A_562 {offsets = [0, 0], sizes = [17, 64], strides = [1, 1]} : vector<17x80xf32> to vector<17x64xf32>
    %slice3A_564 = vector.extract_strided_slice %slice3A_562 {offsets = [0, 1], sizes = [17, 64], strides = [1, 1]} : vector<17x80xf32> to vector<17x64xf32>
    %slice3A_565 = vector.extract_strided_slice %slice3A_562 {offsets = [0, 2], sizes = [17, 64], strides = [1, 1]} : vector<17x80xf32> to vector<17x64xf32>
    %slice3A_566 = vector.extract_strided_slice %slice3A_562 {offsets = [0, 3], sizes = [17, 64], strides = [1, 1]} : vector<17x80xf32> to vector<17x64xf32>
    %slice3A_567 = vector.extract_strided_slice %slice3A_562 {offsets = [0, 4], sizes = [17, 64], strides = [1, 1]} : vector<17x80xf32> to vector<17x64xf32>
    %slice3A_568 = vector.extract_strided_slice %slice3A_562 {offsets = [0, 5], sizes = [17, 64], strides = [1, 1]} : vector<17x80xf32> to vector<17x64xf32>
    %slice3A_569 = vector.extract_strided_slice %slice3A_562 {offsets = [0, 6], sizes = [17, 64], strides = [1, 1]} : vector<17x80xf32> to vector<17x64xf32>
    %slice3A_570 = vector.extract_strided_slice %slice3A_562 {offsets = [0, 7], sizes = [17, 64], strides = [1, 1]} : vector<17x80xf32> to vector<17x64xf32>
    %slice3A_571 = vector.extract_strided_slice %slice3A_562 {offsets = [0, 8], sizes = [17, 64], strides = [1, 1]} : vector<17x80xf32> to vector<17x64xf32>
    %slice3A_572 = vector.extract_strided_slice %slice3A_562 {offsets = [0, 9], sizes = [17, 64], strides = [1, 1]} : vector<17x80xf32> to vector<17x64xf32>
    %slice3A_573 = vector.extract_strided_slice %slice3A_562 {offsets = [0, 10], sizes = [17, 64], strides = [1, 1]} : vector<17x80xf32> to vector<17x64xf32>
    %slice3A_574 = vector.extract_strided_slice %slice3A_562 {offsets = [0, 11], sizes = [17, 64], strides = [1, 1]} : vector<17x80xf32> to vector<17x64xf32>
    %slice3A_575 = vector.extract_strided_slice %slice3A_562 {offsets = [0, 12], sizes = [17, 64], strides = [1, 1]} : vector<17x80xf32> to vector<17x64xf32>
    %slice3A_576 = vector.extract_strided_slice %slice3A_562 {offsets = [0, 13], sizes = [17, 64], strides = [1, 1]} : vector<17x80xf32> to vector<17x64xf32>
    %slice3A_577 = vector.extract_strided_slice %slice3A_562 {offsets = [0, 14], sizes = [17, 64], strides = [1, 1]} : vector<17x80xf32> to vector<17x64xf32>
    %slice3A_578 = vector.extract_strided_slice %slice3A_562 {offsets = [0, 15], sizes = [17, 64], strides = [1, 1]} : vector<17x80xf32> to vector<17x64xf32>
    %slice3A_579 = vector.extract_strided_slice %slice3A_562 {offsets = [0, 16], sizes = [17, 64], strides = [1, 1]} : vector<17x80xf32> to vector<17x64xf32>
    %stack3A_580 = vector.shape_cast %slice3A_563 : vector<17x64xf32> to vector<17x1x64xf32>
    %stack3A_581 = vector.shape_cast %slice3A_564 : vector<17x64xf32> to vector<17x1x64xf32>
    %stack3A_582 = vector.shape_cast %slice3A_565 : vector<17x64xf32> to vector<17x1x64xf32>
    %stack3A_583 = vector.shape_cast %slice3A_566 : vector<17x64xf32> to vector<17x1x64xf32>
    %stack3A_584 = vector.shape_cast %slice3A_567 : vector<17x64xf32> to vector<17x1x64xf32>
    %stack3A_585 = vector.shape_cast %slice3A_568 : vector<17x64xf32> to vector<17x1x64xf32>
    %stack3A_586 = vector.shape_cast %slice3A_569 : vector<17x64xf32> to vector<17x1x64xf32>
    %stack3A_587 = vector.shape_cast %slice3A_570 : vector<17x64xf32> to vector<17x1x64xf32>
    %stack3A_588 = vector.shape_cast %slice3A_571 : vector<17x64xf32> to vector<17x1x64xf32>
    %stack3A_589 = vector.shape_cast %slice3A_572 : vector<17x64xf32> to vector<17x1x64xf32>
    %stack3A_590 = vector.shape_cast %slice3A_573 : vector<17x64xf32> to vector<17x1x64xf32>
    %stack3A_591 = vector.shape_cast %slice3A_574 : vector<17x64xf32> to vector<17x1x64xf32>
    %stack3A_592 = vector.shape_cast %slice3A_575 : vector<17x64xf32> to vector<17x1x64xf32>
    %stack3A_593 = vector.shape_cast %slice3A_576 : vector<17x64xf32> to vector<17x1x64xf32>
    %stack3A_594 = vector.shape_cast %slice3A_577 : vector<17x64xf32> to vector<17x1x64xf32>
    %stack3A_595 = vector.shape_cast %slice3A_578 : vector<17x64xf32> to vector<17x1x64xf32>
    %stack3A_596 = vector.shape_cast %slice3A_579 : vector<17x64xf32> to vector<17x1x64xf32>
    %stack3A_597 = tpu.concatenate %stack3A_580, %stack3A_581, %stack3A_582, %stack3A_583, %stack3A_584, %stack3A_585, %stack3A_586, %stack3A_587, %stack3A_588, %stack3A_589, %stack3A_590, %stack3A_591, %stack3A_592, %stack3A_593, %stack3A_594, %stack3A_595, %stack3A_596 in 1 : vector<17x1x64xf32>, vector<17x1x64xf32>, vector<17x1x64xf32>, vector<17x1x64xf32>, vector<17x1x64xf32>, vector<17x1x64xf32>, vector<17x1x64xf32>, vector<17x1x64xf32>, vector<17x1x64xf32>, vector<17x1x64xf32>, vector<17x1x64xf32>, vector<17x1x64xf32>, vector<17x1x64xf32>, vector<17x1x64xf32>, vector<17x1x64xf32>, vector<17x1x64xf32>, vector<17x1x64xf32> -> vector<17x17x64xf32>
    %reshape3A_598 = vector.shape_cast %stack3A_597 : vector<17x17x64xf32> to vector<289x64xf32>
    %dot_general3A_599 = arith.constant dense<0.000000e+00> : vector<50x64xf32>
    %dot_general3A_600 = tpu.matmul %get3A_458, %reshape3A_598, %dot_general3A_599 {dimension_numbers = #tpu.dot_dimension_numbers<[1], [0], [0], [1], [0, 0, 1, 1], [], []>, transpose_lhs_hint = false} : vector<50x289xf32>, vector<289x64xf32>, vector<50x64xf32> -> vector<50x64xf32>
    %add3A_601 = vector.broadcast %get3A_463 : vector<50x1xf32> to vector<50x64xf32>
    %add3A_602 = arith.addf %dot_general3A_600, %add3A_601 : vector<50x64xf32>
    %swap3A_603 = arith.constant 0 : index
    %swap3A_604 = arith.constant 0 : index
    %swap3A_605 = arith.constant 1 : index
    %swap3A_606 = arith.constant 2 : index
    %swap3A_607 = arith.constant 0 : index
    %swap3A_608 = vector.load %arg15[%swap3A_603, %swap3A_604, %swap3A_605, %swap3A_606, %swap3A_607] : memref<3x50x2x5x64xf32, #tpu.memory_space<vmem>>, vector<1x50x1x1x64xf32>
    %swap3A_609 = vector.shape_cast %swap3A_608 : vector<1x50x1x1x64xf32> to vector<50x64xf32>
    %swap3A_610 = vector.shape_cast %add3A_602 : vector<50x64xf32> to vector<1x50x1x1x64xf32>
    tpu.vector_store %arg15[%swap3A_603, %swap3A_604, %swap3A_605, %swap3A_606, %swap3A_607], %swap3A_610 {strides = array<i32>} : memref<3x50x2x5x64xf32, #tpu.memory_space<vmem>>, vector<1x50x1x1x64xf32>,
    %slice3A_611 = vector.extract_strided_slice %get3A_453 {offsets = [3, 0], sizes = [17, 80], strides = [1, 1]} : vector<21x80xf32> to vector<17x80xf32>
    %slice3A_612 = vector.extract_strided_slice %slice3A_611 {offsets = [0, 0], sizes = [17, 64], strides = [1, 1]} : vector<17x80xf32> to vector<17x64xf32>
    %slice3A_613 = vector.extract_strided_slice %slice3A_611 {offsets = [0, 1], sizes = [17, 64], strides = [1, 1]} : vector<17x80xf32> to vector<17x64xf32>
    %slice3A_614 = vector.extract_strided_slice %slice3A_611 {offsets = [0, 2], sizes = [17, 64], strides = [1, 1]} : vector<17x80xf32> to vector<17x64xf32>
    %slice3A_615 = vector.extract_strided_slice %slice3A_611 {offsets = [0, 3], sizes = [17, 64], strides = [1, 1]} : vector<17x80xf32> to vector<17x64xf32>
    %slice3A_616 = vector.extract_strided_slice %slice3A_611 {offsets = [0, 4], sizes = [17, 64], strides = [1, 1]} : vector<17x80xf32> to vector<17x64xf32>
    %slice3A_617 = vector.extract_strided_slice %slice3A_611 {offsets = [0, 5], sizes = [17, 64], strides = [1, 1]} : vector<17x80xf32> to vector<17x64xf32>
    %slice3A_618 = vector.extract_strided_slice %slice3A_611 {offsets = [0, 6], sizes = [17, 64], strides = [1, 1]} : vector<17x80xf32> to vector<17x64xf32>
    %slice3A_619 = vector.extract_strided_slice %slice3A_611 {offsets = [0, 7], sizes = [17, 64], strides = [1, 1]} : vector<17x80xf32> to vector<17x64xf32>
    %slice3A_620 = vector.extract_strided_slice %slice3A_611 {offsets = [0, 8], sizes = [17, 64], strides = [1, 1]} : vector<17x80xf32> to vector<17x64xf32>
    %slice3A_621 = vector.extract_strided_slice %slice3A_611 {offsets = [0, 9], sizes = [17, 64], strides = [1, 1]} : vector<17x80xf32> to vector<17x64xf32>
    %slice3A_622 = vector.extract_strided_slice %slice3A_611 {offsets = [0, 10], sizes = [17, 64], strides = [1, 1]} : vector<17x80xf32> to vector<17x64xf32>
    %slice3A_623 = vector.extract_strided_slice %slice3A_611 {offsets = [0, 11], sizes = [17, 64], strides = [1, 1]} : vector<17x80xf32> to vector<17x64xf32>
    %slice3A_624 = vector.extract_strided_slice %slice3A_611 {offsets = [0, 12], sizes = [17, 64], strides = [1, 1]} : vector<17x80xf32> to vector<17x64xf32>
    %slice3A_625 = vector.extract_strided_slice %slice3A_611 {offsets = [0, 13], sizes = [17, 64], strides = [1, 1]} : vector<17x80xf32> to vector<17x64xf32>
    %slice3A_626 = vector.extract_strided_slice %slice3A_611 {offsets = [0, 14], sizes = [17, 64], strides = [1, 1]} : vector<17x80xf32> to vector<17x64xf32>
    %slice3A_627 = vector.extract_strided_slice %slice3A_611 {offsets = [0, 15], sizes = [17, 64], strides = [1, 1]} : vector<17x80xf32> to vector<17x64xf32>
    %slice3A_628 = vector.extract_strided_slice %slice3A_611 {offsets = [0, 16], sizes = [17, 64], strides = [1, 1]} : vector<17x80xf32> to vector<17x64xf32>
    %stack3A_629 = vector.shape_cast %slice3A_612 : vector<17x64xf32> to vector<17x1x64xf32>
    %stack3A_630 = vector.shape_cast %slice3A_613 : vector<17x64xf32> to vector<17x1x64xf32>
    %stack3A_631 = vector.shape_cast %slice3A_614 : vector<17x64xf32> to vector<17x1x64xf32>
    %stack3A_632 = vector.shape_cast %slice3A_615 : vector<17x64xf32> to vector<17x1x64xf32>
    %stack3A_633 = vector.shape_cast %slice3A_616 : vector<17x64xf32> to vector<17x1x64xf32>
    %stack3A_634 = vector.shape_cast %slice3A_617 : vector<17x64xf32> to vector<17x1x64xf32>
    %stack3A_635 = vector.shape_cast %slice3A_618 : vector<17x64xf32> to vector<17x1x64xf32>
    %stack3A_636 = vector.shape_cast %slice3A_619 : vector<17x64xf32> to vector<17x1x64xf32>
    %stack3A_637 = vector.shape_cast %slice3A_620 : vector<17x64xf32> to vector<17x1x64xf32>
    %stack3A_638 = vector.shape_cast %slice3A_621 : vector<17x64xf32> to vector<17x1x64xf32>
    %stack3A_639 = vector.shape_cast %slice3A_622 : vector<17x64xf32> to vector<17x1x64xf32>
    %stack3A_640 = vector.shape_cast %slice3A_623 : vector<17x64xf32> to vector<17x1x64xf32>
    %stack3A_641 = vector.shape_cast %slice3A_624 : vector<17x64xf32> to vector<17x1x64xf32>
    %stack3A_642 = vector.shape_cast %slice3A_625 : vector<17x64xf32> to vector<17x1x64xf32>
    %stack3A_643 = vector.shape_cast %slice3A_626 : vector<17x64xf32> to vector<17x1x64xf32>
    %stack3A_644 = vector.shape_cast %slice3A_627 : vector<17x64xf32> to vector<17x1x64xf32>
    %stack3A_645 = vector.shape_cast %slice3A_628 : vector<17x64xf32> to vector<17x1x64xf32>
    %stack3A_646 = tpu.concatenate %stack3A_629, %stack3A_630, %stack3A_631, %stack3A_632, %stack3A_633, %stack3A_634, %stack3A_635, %stack3A_636, %stack3A_637, %stack3A_638, %stack3A_639, %stack3A_640, %stack3A_641, %stack3A_642, %stack3A_643, %stack3A_644, %stack3A_645 in 1 : vector<17x1x64xf32>, vector<17x1x64xf32>, vector<17x1x64xf32>, vector<17x1x64xf32>, vector<17x1x64xf32>, vector<17x1x64xf32>, vector<17x1x64xf32>, vector<17x1x64xf32>, vector<17x1x64xf32>, vector<17x1x64xf32>, vector<17x1x64xf32>, vector<17x1x64xf32>, vector<17x1x64xf32>, vector<17x1x64xf32>, vector<17x1x64xf32>, vector<17x1x64xf32>, vector<17x1x64xf32> -> vector<17x17x64xf32>
    %reshape3A_647 = vector.shape_cast %stack3A_646 : vector<17x17x64xf32> to vector<289x64xf32>
    %dot_general3A_648 = arith.constant dense<0.000000e+00> : vector<50x64xf32>
    %dot_general3A_649 = tpu.matmul %get3A_458, %reshape3A_647, %dot_general3A_648 {dimension_numbers = #tpu.dot_dimension_numbers<[1], [0], [0], [1], [0, 0, 1, 1], [], []>, transpose_lhs_hint = false} : vector<50x289xf32>, vector<289x64xf32>, vector<50x64xf32> -> vector<50x64xf32>
    %add3A_650 = vector.broadcast %get3A_463 : vector<50x1xf32> to vector<50x64xf32>
    %add3A_651 = arith.addf %dot_general3A_649, %add3A_650 : vector<50x64xf32>
    %swap3A_652 = arith.constant 0 : index
    %swap3A_653 = arith.constant 0 : index
    %swap3A_654 = arith.constant 1 : index
    %swap3A_655 = arith.constant 3 : index
    %swap3A_656 = arith.constant 0 : index
    %swap3A_657 = vector.load %arg15[%swap3A_652, %swap3A_653, %swap3A_654, %swap3A_655, %swap3A_656] : memref<3x50x2x5x64xf32, #tpu.memory_space<vmem>>, vector<1x50x1x1x64xf32>
    %swap3A_658 = vector.shape_cast %swap3A_657 : vector<1x50x1x1x64xf32> to vector<50x64xf32>
    %swap3A_659 = vector.shape_cast %add3A_651 : vector<50x64xf32> to vector<1x50x1x1x64xf32>
    tpu.vector_store %arg15[%swap3A_652, %swap3A_653, %swap3A_654, %swap3A_655, %swap3A_656], %swap3A_659 {strides = array<i32>} : memref<3x50x2x5x64xf32, #tpu.memory_space<vmem>>, vector<1x50x1x1x64xf32>,
    %slice3A_660 = vector.extract_strided_slice %get3A_453 {offsets = [4, 0], sizes = [17, 80], strides = [1, 1]} : vector<21x80xf32> to vector<17x80xf32>
    %slice3A_661 = vector.extract_strided_slice %slice3A_660 {offsets = [0, 0], sizes = [17, 64], strides = [1, 1]} : vector<17x80xf32> to vector<17x64xf32>
    %slice3A_662 = vector.extract_strided_slice %slice3A_660 {offsets = [0, 1], sizes = [17, 64], strides = [1, 1]} : vector<17x80xf32> to vector<17x64xf32>
    %slice3A_663 = vector.extract_strided_slice %slice3A_660 {offsets = [0, 2], sizes = [17, 64], strides = [1, 1]} : vector<17x80xf32> to vector<17x64xf32>
    %slice3A_664 = vector.extract_strided_slice %slice3A_660 {offsets = [0, 3], sizes = [17, 64], strides = [1, 1]} : vector<17x80xf32> to vector<17x64xf32>
    %slice3A_665 = vector.extract_strided_slice %slice3A_660 {offsets = [0, 4], sizes = [17, 64], strides = [1, 1]} : vector<17x80xf32> to vector<17x64xf32>
    %slice3A_666 = vector.extract_strided_slice %slice3A_660 {offsets = [0, 5], sizes = [17, 64], strides = [1, 1]} : vector<17x80xf32> to vector<17x64xf32>
    %slice3A_667 = vector.extract_strided_slice %slice3A_660 {offsets = [0, 6], sizes = [17, 64], strides = [1, 1]} : vector<17x80xf32> to vector<17x64xf32>
    %slice3A_668 = vector.extract_strided_slice %slice3A_660 {offsets = [0, 7], sizes = [17, 64], strides = [1, 1]} : vector<17x80xf32> to vector<17x64xf32>
    %slice3A_669 = vector.extract_strided_slice %slice3A_660 {offsets = [0, 8], sizes = [17, 64], strides = [1, 1]} : vector<17x80xf32> to vector<17x64xf32>
    %slice3A_670 = vector.extract_strided_slice %slice3A_660 {offsets = [0, 9], sizes = [17, 64], strides = [1, 1]} : vector<17x80xf32> to vector<17x64xf32>
    %slice3A_671 = vector.extract_strided_slice %slice3A_660 {offsets = [0, 10], sizes = [17, 64], strides = [1, 1]} : vector<17x80xf32> to vector<17x64xf32>
    %slice3A_672 = vector.extract_strided_slice %slice3A_660 {offsets = [0, 11], sizes = [17, 64], strides = [1, 1]} : vector<17x80xf32> to vector<17x64xf32>
    %slice3A_673 = vector.extract_strided_slice %slice3A_660 {offsets = [0, 12], sizes = [17, 64], strides = [1, 1]} : vector<17x80xf32> to vector<17x64xf32>
    %slice3A_674 = vector.extract_strided_slice %slice3A_660 {offsets = [0, 13], sizes = [17, 64], strides = [1, 1]} : vector<17x80xf32> to vector<17x64xf32>
    %slice3A_675 = vector.extract_strided_slice %slice3A_660 {offsets = [0, 14], sizes = [17, 64], strides = [1, 1]} : vector<17x80xf32> to vector<17x64xf32>
    %slice3A_676 = vector.extract_strided_slice %slice3A_660 {offsets = [0, 15], sizes = [17, 64], strides = [1, 1]} : vector<17x80xf32> to vector<17x64xf32>
    %slice3A_677 = vector.extract_strided_slice %slice3A_660 {offsets = [0, 16], sizes = [17, 64], strides = [1, 1]} : vector<17x80xf32> to vector<17x64xf32>
    %stack3A_678 = vector.shape_cast %slice3A_661 : vector<17x64xf32> to vector<17x1x64xf32>
    %stack3A_679 = vector.shape_cast %slice3A_662 : vector<17x64xf32> to vector<17x1x64xf32>
    %stack3A_680 = vector.shape_cast %slice3A_663 : vector<17x64xf32> to vector<17x1x64xf32>
    %stack3A_681 = vector.shape_cast %slice3A_664 : vector<17x64xf32> to vector<17x1x64xf32>
    %stack3A_682 = vector.shape_cast %slice3A_665 : vector<17x64xf32> to vector<17x1x64xf32>
    %stack3A_683 = vector.shape_cast %slice3A_666 : vector<17x64xf32> to vector<17x1x64xf32>
    %stack3A_684 = vector.shape_cast %slice3A_667 : vector<17x64xf32> to vector<17x1x64xf32>
    %stack3A_685 = vector.shape_cast %slice3A_668 : vector<17x64xf32> to vector<17x1x64xf32>
    %stack3A_686 = vector.shape_cast %slice3A_669 : vector<17x64xf32> to vector<17x1x64xf32>
    %stack3A_687 = vector.shape_cast %slice3A_670 : vector<17x64xf32> to vector<17x1x64xf32>
    %stack3A_688 = vector.shape_cast %slice3A_671 : vector<17x64xf32> to vector<17x1x64xf32>
    %stack3A_689 = vector.shape_cast %slice3A_672 : vector<17x64xf32> to vector<17x1x64xf32>
    %stack3A_690 = vector.shape_cast %slice3A_673 : vector<17x64xf32> to vector<17x1x64xf32>
    %stack3A_691 = vector.shape_cast %slice3A_674 : vector<17x64xf32> to vector<17x1x64xf32>
    %stack3A_692 = vector.shape_cast %slice3A_675 : vector<17x64xf32> to vector<17x1x64xf32>
    %stack3A_693 = vector.shape_cast %slice3A_676 : vector<17x64xf32> to vector<17x1x64xf32>
    %stack3A_694 = vector.shape_cast %slice3A_677 : vector<17x64xf32> to vector<17x1x64xf32>
    %stack3A_695 = tpu.concatenate %stack3A_678, %stack3A_679, %stack3A_680, %stack3A_681, %stack3A_682, %stack3A_683, %stack3A_684, %stack3A_685, %stack3A_686, %stack3A_687, %stack3A_688, %stack3A_689, %stack3A_690, %stack3A_691, %stack3A_692, %stack3A_693, %stack3A_694 in 1 : vector<17x1x64xf32>, vector<17x1x64xf32>, vector<17x1x64xf32>, vector<17x1x64xf32>, vector<17x1x64xf32>, vector<17x1x64xf32>, vector<17x1x64xf32>, vector<17x1x64xf32>, vector<17x1x64xf32>, vector<17x1x64xf32>, vector<17x1x64xf32>, vector<17x1x64xf32>, vector<17x1x64xf32>, vector<17x1x64xf32>, vector<17x1x64xf32>, vector<17x1x64xf32>, vector<17x1x64xf32> -> vector<17x17x64xf32>
    %reshape3A_696 = vector.shape_cast %stack3A_695 : vector<17x17x64xf32> to vector<289x64xf32>
    %dot_general3A_697 = arith.constant dense<0.000000e+00> : vector<50x64xf32>
    %dot_general3A_698 = tpu.matmul %get3A_458, %reshape3A_696, %dot_general3A_697 {dimension_numbers = #tpu.dot_dimension_numbers<[1], [0], [0], [1], [0, 0, 1, 1], [], []>, transpose_lhs_hint = false} : vector<50x289xf32>, vector<289x64xf32>, vector<50x64xf32> -> vector<50x64xf32>
    %add3A_699 = vector.broadcast %get3A_463 : vector<50x1xf32> to vector<50x64xf32>
    %add3A_700 = arith.addf %dot_general3A_698, %add3A_699 : vector<50x64xf32>
    %swap3A_701 = arith.constant 0 : index
    %swap3A_702 = arith.constant 0 : index
    %swap3A_703 = arith.constant 1 : index
    %swap3A_704 = arith.constant 4 : index
    %swap3A_705 = arith.constant 0 : index
    %swap3A_706 = vector.load %arg15[%swap3A_701, %swap3A_702, %swap3A_703, %swap3A_704, %swap3A_705] : memref<3x50x2x5x64xf32, #tpu.memory_space<vmem>>, vector<1x50x1x1x64xf32>
    %swap3A_707 = vector.shape_cast %swap3A_706 : vector<1x50x1x1x64xf32> to vector<50x64xf32>
    %swap3A_708 = vector.shape_cast %add3A_700 : vector<50x64xf32> to vector<1x50x1x1x64xf32>
    tpu.vector_store %arg15[%swap3A_701, %swap3A_702, %swap3A_703, %swap3A_704, %swap3A_705], %swap3A_708 {strides = array<i32>} : memref<3x50x2x5x64xf32, #tpu.memory_space<vmem>>, vector<1x50x1x1x64xf32>,
    %get3A_709 = arith.constant 2 : index
    %get3A_710 = arith.constant 0 : index
    %get3A_711 = arith.constant 0 : index
    %get3A_712 = vector.load %arg7[%get3A_709, %get3A_710, %get3A_711] : memref<6x21x80xf32, #tpu.memory_space<vmem>>, vector<1x21x80xf32>
    %get3A_713 = vector.shape_cast %get3A_712 : vector<1x21x80xf32> to vector<21x80xf32>
    %get3A_714 = arith.constant 2 : index
    %get3A_715 = arith.constant 0 : index
    %get3A_716 = arith.constant 0 : index
    %get3A_717 = vector.load %arg8[%get3A_714, %get3A_715, %get3A_716] : memref<6x50x289xf32, #tpu.memory_space<vmem>>, vector<1x50x289xf32>
    %get3A_718 = vector.shape_cast %get3A_717 : vector<1x50x289xf32> to vector<50x289xf32>
    %get3A_719 = arith.constant 2 : index
    %get3A_720 = arith.constant 0 : index
    %get3A_721 = arith.constant 0 : index
    %get3A_722 = vector.load %arg9[%get3A_719, %get3A_720, %get3A_721] : memref<6x50x1xf32, #tpu.memory_space<vmem>>, vector<1x50x1xf32>
    %get3A_723 = vector.shape_cast %get3A_722 : vector<1x50x1xf32> to vector<50x1xf32>
    %slice3A_724 = vector.extract_strided_slice %get3A_713 {offsets = [0, 0], sizes = [17, 80], strides = [1, 1]} : vector<21x80xf32> to vector<17x80xf32>
    %slice3A_725 = vector.extract_strided_slice %slice3A_724 {offsets = [0, 0], sizes = [17, 64], strides = [1, 1]} : vector<17x80xf32> to vector<17x64xf32>
    %slice3A_726 = vector.extract_strided_slice %slice3A_724 {offsets = [0, 1], sizes = [17, 64], strides = [1, 1]} : vector<17x80xf32> to vector<17x64xf32>
    %slice3A_727 = vector.extract_strided_slice %slice3A_724 {offsets = [0, 2], sizes = [17, 64], strides = [1, 1]} : vector<17x80xf32> to vector<17x64xf32>
    %slice3A_728 = vector.extract_strided_slice %slice3A_724 {offsets = [0, 3], sizes = [17, 64], strides = [1, 1]} : vector<17x80xf32> to vector<17x64xf32>
    %slice3A_729 = vector.extract_strided_slice %slice3A_724 {offsets = [0, 4], sizes = [17, 64], strides = [1, 1]} : vector<17x80xf32> to vector<17x64xf32>
    %slice3A_730 = vector.extract_strided_slice %slice3A_724 {offsets = [0, 5], sizes = [17, 64], strides = [1, 1]} : vector<17x80xf32> to vector<17x64xf32>
    %slice3A_731 = vector.extract_strided_slice %slice3A_724 {offsets = [0, 6], sizes = [17, 64], strides = [1, 1]} : vector<17x80xf32> to vector<17x64xf32>
    %slice3A_732 = vector.extract_strided_slice %slice3A_724 {offsets = [0, 7], sizes = [17, 64], strides = [1, 1]} : vector<17x80xf32> to vector<17x64xf32>
    %slice3A_733 = vector.extract_strided_slice %slice3A_724 {offsets = [0, 8], sizes = [17, 64], strides = [1, 1]} : vector<17x80xf32> to vector<17x64xf32>
    %slice3A_734 = vector.extract_strided_slice %slice3A_724 {offsets = [0, 9], sizes = [17, 64], strides = [1, 1]} : vector<17x80xf32> to vector<17x64xf32>
    %slice3A_735 = vector.extract_strided_slice %slice3A_724 {offsets = [0, 10], sizes = [17, 64], strides = [1, 1]} : vector<17x80xf32> to vector<17x64xf32>
    %slice3A_736 = vector.extract_strided_slice %slice3A_724 {offsets = [0, 11], sizes = [17, 64], strides = [1, 1]} : vector<17x80xf32> to vector<17x64xf32>
    %slice3A_737 = vector.extract_strided_slice %slice3A_724 {offsets = [0, 12], sizes = [17, 64], strides = [1, 1]} : vector<17x80xf32> to vector<17x64xf32>
    %slice3A_738 = vector.extract_strided_slice %slice3A_724 {offsets = [0, 13], sizes = [17, 64], strides = [1, 1]} : vector<17x80xf32> to vector<17x64xf32>
    %slice3A_739 = vector.extract_strided_slice %slice3A_724 {offsets = [0, 14], sizes = [17, 64], strides = [1, 1]} : vector<17x80xf32> to vector<17x64xf32>
    %slice3A_740 = vector.extract_strided_slice %slice3A_724 {offsets = [0, 15], sizes = [17, 64], strides = [1, 1]} : vector<17x80xf32> to vector<17x64xf32>
    %slice3A_741 = vector.extract_strided_slice %slice3A_724 {offsets = [0, 16], sizes = [17, 64], strides = [1, 1]} : vector<17x80xf32> to vector<17x64xf32>
    %stack3A_742 = vector.shape_cast %slice3A_725 : vector<17x64xf32> to vector<17x1x64xf32>
    %stack3A_743 = vector.shape_cast %slice3A_726 : vector<17x64xf32> to vector<17x1x64xf32>
    %stack3A_744 = vector.shape_cast %slice3A_727 : vector<17x64xf32> to vector<17x1x64xf32>
    %stack3A_745 = vector.shape_cast %slice3A_728 : vector<17x64xf32> to vector<17x1x64xf32>
    %stack3A_746 = vector.shape_cast %slice3A_729 : vector<17x64xf32> to vector<17x1x64xf32>
    %stack3A_747 = vector.shape_cast %slice3A_730 : vector<17x64xf32> to vector<17x1x64xf32>
    %stack3A_748 = vector.shape_cast %slice3A_731 : vector<17x64xf32> to vector<17x1x64xf32>
    %stack3A_749 = vector.shape_cast %slice3A_732 : vector<17x64xf32> to vector<17x1x64xf32>
    %stack3A_750 = vector.shape_cast %slice3A_733 : vector<17x64xf32> to vector<17x1x64xf32>
    %stack3A_751 = vector.shape_cast %slice3A_734 : vector<17x64xf32> to vector<17x1x64xf32>
    %stack3A_752 = vector.shape_cast %slice3A_735 : vector<17x64xf32> to vector<17x1x64xf32>
    %stack3A_753 = vector.shape_cast %slice3A_736 : vector<17x64xf32> to vector<17x1x64xf32>
    %stack3A_754 = vector.shape_cast %slice3A_737 : vector<17x64xf32> to vector<17x1x64xf32>
    %stack3A_755 = vector.shape_cast %slice3A_738 : vector<17x64xf32> to vector<17x1x64xf32>
    %stack3A_756 = vector.shape_cast %slice3A_739 : vector<17x64xf32> to vector<17x1x64xf32>
    %stack3A_757 = vector.shape_cast %slice3A_740 : vector<17x64xf32> to vector<17x1x64xf32>
    %stack3A_758 = vector.shape_cast %slice3A_741 : vector<17x64xf32> to vector<17x1x64xf32>
    %stack3A_759 = tpu.concatenate %stack3A_742, %stack3A_743, %stack3A_744, %stack3A_745, %stack3A_746, %stack3A_747, %stack3A_748, %stack3A_749, %stack3A_750, %stack3A_751, %stack3A_752, %stack3A_753, %stack3A_754, %stack3A_755, %stack3A_756, %stack3A_757, %stack3A_758 in 1 : vector<17x1x64xf32>, vector<17x1x64xf32>, vector<17x1x64xf32>, vector<17x1x64xf32>, vector<17x1x64xf32>, vector<17x1x64xf32>, vector<17x1x64xf32>, vector<17x1x64xf32>, vector<17x1x64xf32>, vector<17x1x64xf32>, vector<17x1x64xf32>, vector<17x1x64xf32>, vector<17x1x64xf32>, vector<17x1x64xf32>, vector<17x1x64xf32>, vector<17x1x64xf32>, vector<17x1x64xf32> -> vector<17x17x64xf32>
    %reshape3A_760 = vector.shape_cast %stack3A_759 : vector<17x17x64xf32> to vector<289x64xf32>
    %dot_general3A_761 = arith.constant dense<0.000000e+00> : vector<50x64xf32>
    %dot_general3A_762 = tpu.matmul %get3A_718, %reshape3A_760, %dot_general3A_761 {dimension_numbers = #tpu.dot_dimension_numbers<[1], [0], [0], [1], [0, 0, 1, 1], [], []>, transpose_lhs_hint = false} : vector<50x289xf32>, vector<289x64xf32>, vector<50x64xf32> -> vector<50x64xf32>
    %add3A_763 = vector.broadcast %get3A_723 : vector<50x1xf32> to vector<50x64xf32>
    %add3A_764 = arith.addf %dot_general3A_762, %add3A_763 : vector<50x64xf32>
    %swap3A_765 = arith.constant 1 : index
    %swap3A_766 = arith.constant 0 : index
    %swap3A_767 = arith.constant 0 : index
    %swap3A_768 = arith.constant 0 : index
    %swap3A_769 = arith.constant 0 : index
    %swap3A_770 = vector.load %arg15[%swap3A_765, %swap3A_766, %swap3A_767, %swap3A_768, %swap3A_769] : memref<3x50x2x5x64xf32, #tpu.memory_space<vmem>>, vector<1x50x1x1x64xf32>
    %swap3A_771 = vector.shape_cast %swap3A_770 : vector<1x50x1x1x64xf32> to vector<50x64xf32>
    %swap3A_772 = vector.shape_cast %add3A_764 : vector<50x64xf32> to vector<1x50x1x1x64xf32>
    tpu.vector_store %arg15[%swap3A_765, %swap3A_766, %swap3A_767, %swap3A_768, %swap3A_769], %swap3A_772 {strides = array<i32>} : memref<3x50x2x5x64xf32, #tpu.memory_space<vmem>>, vector<1x50x1x1x64xf32>,
    %slice3A_773 = vector.extract_strided_slice %get3A_713 {offsets = [1, 0], sizes = [17, 80], strides = [1, 1]} : vector<21x80xf32> to vector<17x80xf32>
    %slice3A_774 = vector.extract_strided_slice %slice3A_773 {offsets = [0, 0], sizes = [17, 64], strides = [1, 1]} : vector<17x80xf32> to vector<17x64xf32>
    %slice3A_775 = vector.extract_strided_slice %slice3A_773 {offsets = [0, 1], sizes = [17, 64], strides = [1, 1]} : vector<17x80xf32> to vector<17x64xf32>
    %slice3A_776 = vector.extract_strided_slice %slice3A_773 {offsets = [0, 2], sizes = [17, 64], strides = [1, 1]} : vector<17x80xf32> to vector<17x64xf32>
    %slice3A_777 = vector.extract_strided_slice %slice3A_773 {offsets = [0, 3], sizes = [17, 64], strides = [1, 1]} : vector<17x80xf32> to vector<17x64xf32>
    %slice3A_778 = vector.extract_strided_slice %slice3A_773 {offsets = [0, 4], sizes = [17, 64], strides = [1, 1]} : vector<17x80xf32> to vector<17x64xf32>
    %slice3A_779 = vector.extract_strided_slice %slice3A_773 {offsets = [0, 5], sizes = [17, 64], strides = [1, 1]} : vector<17x80xf32> to vector<17x64xf32>
    %slice3A_780 = vector.extract_strided_slice %slice3A_773 {offsets = [0, 6], sizes = [17, 64], strides = [1, 1]} : vector<17x80xf32> to vector<17x64xf32>
    %slice3A_781 = vector.extract_strided_slice %slice3A_773 {offsets = [0, 7], sizes = [17, 64], strides = [1, 1]} : vector<17x80xf32> to vector<17x64xf32>
    %slice3A_782 = vector.extract_strided_slice %slice3A_773 {offsets = [0, 8], sizes = [17, 64], strides = [1, 1]} : vector<17x80xf32> to vector<17x64xf32>
    %slice3A_783 = vector.extract_strided_slice %slice3A_773 {offsets = [0, 9], sizes = [17, 64], strides = [1, 1]} : vector<17x80xf32> to vector<17x64xf32>
    %slice3A_784 = vector.extract_strided_slice %slice3A_773 {offsets = [0, 10], sizes = [17, 64], strides = [1, 1]} : vector<17x80xf32> to vector<17x64xf32>
    %slice3A_785 = vector.extract_strided_slice %slice3A_773 {offsets = [0, 11], sizes = [17, 64], strides = [1, 1]} : vector<17x80xf32> to vector<17x64xf32>
    %slice3A_786 = vector.extract_strided_slice %slice3A_773 {offsets = [0, 12], sizes = [17, 64], strides = [1, 1]} : vector<17x80xf32> to vector<17x64xf32>
    %slice3A_787 = vector.extract_strided_slice %slice3A_773 {offsets = [0, 13], sizes = [17, 64], strides = [1, 1]} : vector<17x80xf32> to vector<17x64xf32>
    %slice3A_788 = vector.extract_strided_slice %slice3A_773 {offsets = [0, 14], sizes = [17, 64], strides = [1, 1]} : vector<17x80xf32> to vector<17x64xf32>
    %slice3A_789 = vector.extract_strided_slice %slice3A_773 {offsets = [0, 15], sizes = [17, 64], strides = [1, 1]} : vector<17x80xf32> to vector<17x64xf32>
    %slice3A_790 = vector.extract_strided_slice %slice3A_773 {offsets = [0, 16], sizes = [17, 64], strides = [1, 1]} : vector<17x80xf32> to vector<17x64xf32>
    %stack3A_791 = vector.shape_cast %slice3A_774 : vector<17x64xf32> to vector<17x1x64xf32>
    %stack3A_792 = vector.shape_cast %slice3A_775 : vector<17x64xf32> to vector<17x1x64xf32>
    %stack3A_793 = vector.shape_cast %slice3A_776 : vector<17x64xf32> to vector<17x1x64xf32>
    %stack3A_794 = vector.shape_cast %slice3A_777 : vector<17x64xf32> to vector<17x1x64xf32>
    %stack3A_795 = vector.shape_cast %slice3A_778 : vector<17x64xf32> to vector<17x1x64xf32>
    %stack3A_796 = vector.shape_cast %slice3A_779 : vector<17x64xf32> to vector<17x1x64xf32>
    %stack3A_797 = vector.shape_cast %slice3A_780 : vector<17x64xf32> to vector<17x1x64xf32>
    %stack3A_798 = vector.shape_cast %slice3A_781 : vector<17x64xf32> to vector<17x1x64xf32>
    %stack3A_799 = vector.shape_cast %slice3A_782 : vector<17x64xf32> to vector<17x1x64xf32>
    %stack3A_800 = vector.shape_cast %slice3A_783 : vector<17x64xf32> to vector<17x1x64xf32>
    %stack3A_801 = vector.shape_cast %slice3A_784 : vector<17x64xf32> to vector<17x1x64xf32>
    %stack3A_802 = vector.shape_cast %slice3A_785 : vector<17x64xf32> to vector<17x1x64xf32>
    %stack3A_803 = vector.shape_cast %slice3A_786 : vector<17x64xf32> to vector<17x1x64xf32>
    %stack3A_804 = vector.shape_cast %slice3A_787 : vector<17x64xf32> to vector<17x1x64xf32>
    %stack3A_805 = vector.shape_cast %slice3A_788 : vector<17x64xf32> to vector<17x1x64xf32>
    %stack3A_806 = vector.shape_cast %slice3A_789 : vector<17x64xf32> to vector<17x1x64xf32>
    %stack3A_807 = vector.shape_cast %slice3A_790 : vector<17x64xf32> to vector<17x1x64xf32>
    %stack3A_808 = tpu.concatenate %stack3A_791, %stack3A_792, %stack3A_793, %stack3A_794, %stack3A_795, %stack3A_796, %stack3A_797, %stack3A_798, %stack3A_799, %stack3A_800, %stack3A_801, %stack3A_802, %stack3A_803, %stack3A_804, %stack3A_805, %stack3A_806, %stack3A_807 in 1 : vector<17x1x64xf32>, vector<17x1x64xf32>, vector<17x1x64xf32>, vector<17x1x64xf32>, vector<17x1x64xf32>, vector<17x1x64xf32>, vector<17x1x64xf32>, vector<17x1x64xf32>, vector<17x1x64xf32>, vector<17x1x64xf32>, vector<17x1x64xf32>, vector<17x1x64xf32>, vector<17x1x64xf32>, vector<17x1x64xf32>, vector<17x1x64xf32>, vector<17x1x64xf32>, vector<17x1x64xf32> -> vector<17x17x64xf32>
    %reshape3A_809 = vector.shape_cast %stack3A_808 : vector<17x17x64xf32> to vector<289x64xf32>
    %dot_general3A_810 = arith.constant dense<0.000000e+00> : vector<50x64xf32>
    %dot_general3A_811 = tpu.matmul %get3A_718, %reshape3A_809, %dot_general3A_810 {dimension_numbers = #tpu.dot_dimension_numbers<[1], [0], [0], [1], [0, 0, 1, 1], [], []>, transpose_lhs_hint = false} : vector<50x289xf32>, vector<289x64xf32>, vector<50x64xf32> -> vector<50x64xf32>
    %add3A_812 = vector.broadcast %get3A_723 : vector<50x1xf32> to vector<50x64xf32>
    %add3A_813 = arith.addf %dot_general3A_811, %add3A_812 : vector<50x64xf32>
    %swap3A_814 = arith.constant 1 : index
    %swap3A_815 = arith.constant 0 : index
    %swap3A_816 = arith.constant 0 : index
    %swap3A_817 = arith.constant 1 : index
    %swap3A_818 = arith.constant 0 : index
    %swap3A_819 = vector.load %arg15[%swap3A_814, %swap3A_815, %swap3A_816, %swap3A_817, %swap3A_818] : memref<3x50x2x5x64xf32, #tpu.memory_space<vmem>>, vector<1x50x1x1x64xf32>
    %swap3A_820 = vector.shape_cast %swap3A_819 : vector<1x50x1x1x64xf32> to vector<50x64xf32>
    %swap3A_821 = vector.shape_cast %add3A_813 : vector<50x64xf32> to vector<1x50x1x1x64xf32>
    tpu.vector_store %arg15[%swap3A_814, %swap3A_815, %swap3A_816, %swap3A_817, %swap3A_818], %swap3A_821 {strides = array<i32>} : memref<3x50x2x5x64xf32, #tpu.memory_space<vmem>>, vector<1x50x1x1x64xf32>,
    %slice3A_822 = vector.extract_strided_slice %get3A_713 {offsets = [2, 0], sizes = [17, 80], strides = [1, 1]} : vector<21x80xf32> to vector<17x80xf32>
    %slice3A_823 = vector.extract_strided_slice %slice3A_822 {offsets = [0, 0], sizes = [17, 64], strides = [1, 1]} : vector<17x80xf32> to vector<17x64xf32>
    %slice3A_824 = vector.extract_strided_slice %slice3A_822 {offsets = [0, 1], sizes = [17, 64], strides = [1, 1]} : vector<17x80xf32> to vector<17x64xf32>
    %slice3A_825 = vector.extract_strided_slice %slice3A_822 {offsets = [0, 2], sizes = [17, 64], strides = [1, 1]} : vector<17x80xf32> to vector<17x64xf32>
    %slice3A_826 = vector.extract_strided_slice %slice3A_822 {offsets = [0, 3], sizes = [17, 64], strides = [1, 1]} : vector<17x80xf32> to vector<17x64xf32>
    %slice3A_827 = vector.extract_strided_slice %slice3A_822 {offsets = [0, 4], sizes = [17, 64], strides = [1, 1]} : vector<17x80xf32> to vector<17x64xf32>
    %slice3A_828 = vector.extract_strided_slice %slice3A_822 {offsets = [0, 5], sizes = [17, 64], strides = [1, 1]} : vector<17x80xf32> to vector<17x64xf32>
    %slice3A_829 = vector.extract_strided_slice %slice3A_822 {offsets = [0, 6], sizes = [17, 64], strides = [1, 1]} : vector<17x80xf32> to vector<17x64xf32>
    %slice3A_830 = vector.extract_strided_slice %slice3A_822 {offsets = [0, 7], sizes = [17, 64], strides = [1, 1]} : vector<17x80xf32> to vector<17x64xf32>
    %slice3A_831 = vector.extract_strided_slice %slice3A_822 {offsets = [0, 8], sizes = [17, 64], strides = [1, 1]} : vector<17x80xf32> to vector<17x64xf32>
    %slice3A_832 = vector.extract_strided_slice %slice3A_822 {offsets = [0, 9], sizes = [17, 64], strides = [1, 1]} : vector<17x80xf32> to vector<17x64xf32>
    %slice3A_833 = vector.extract_strided_slice %slice3A_822 {offsets = [0, 10], sizes = [17, 64], strides = [1, 1]} : vector<17x80xf32> to vector<17x64xf32>
    %slice3A_834 = vector.extract_strided_slice %slice3A_822 {offsets = [0, 11], sizes = [17, 64], strides = [1, 1]} : vector<17x80xf32> to vector<17x64xf32>
    %slice3A_835 = vector.extract_strided_slice %slice3A_822 {offsets = [0, 12], sizes = [17, 64], strides = [1, 1]} : vector<17x80xf32> to vector<17x64xf32>
    %slice3A_836 = vector.extract_strided_slice %slice3A_822 {offsets = [0, 13], sizes = [17, 64], strides = [1, 1]} : vector<17x80xf32> to vector<17x64xf32>
    %slice3A_837 = vector.extract_strided_slice %slice3A_822 {offsets = [0, 14], sizes = [17, 64], strides = [1, 1]} : vector<17x80xf32> to vector<17x64xf32>
    %slice3A_838 = vector.extract_strided_slice %slice3A_822 {offsets = [0, 15], sizes = [17, 64], strides = [1, 1]} : vector<17x80xf32> to vector<17x64xf32>
    %slice3A_839 = vector.extract_strided_slice %slice3A_822 {offsets = [0, 16], sizes = [17, 64], strides = [1, 1]} : vector<17x80xf32> to vector<17x64xf32>
    %stack3A_840 = vector.shape_cast %slice3A_823 : vector<17x64xf32> to vector<17x1x64xf32>
    %stack3A_841 = vector.shape_cast %slice3A_824 : vector<17x64xf32> to vector<17x1x64xf32>
    %stack3A_842 = vector.shape_cast %slice3A_825 : vector<17x64xf32> to vector<17x1x64xf32>
    %stack3A_843 = vector.shape_cast %slice3A_826 : vector<17x64xf32> to vector<17x1x64xf32>
    %stack3A_844 = vector.shape_cast %slice3A_827 : vector<17x64xf32> to vector<17x1x64xf32>
    %stack3A_845 = vector.shape_cast %slice3A_828 : vector<17x64xf32> to vector<17x1x64xf32>
    %stack3A_846 = vector.shape_cast %slice3A_829 : vector<17x64xf32> to vector<17x1x64xf32>
    %stack3A_847 = vector.shape_cast %slice3A_830 : vector<17x64xf32> to vector<17x1x64xf32>
    %stack3A_848 = vector.shape_cast %slice3A_831 : vector<17x64xf32> to vector<17x1x64xf32>
    %stack3A_849 = vector.shape_cast %slice3A_832 : vector<17x64xf32> to vector<17x1x64xf32>
    %stack3A_850 = vector.shape_cast %slice3A_833 : vector<17x64xf32> to vector<17x1x64xf32>
    %stack3A_851 = vector.shape_cast %slice3A_834 : vector<17x64xf32> to vector<17x1x64xf32>
    %stack3A_852 = vector.shape_cast %slice3A_835 : vector<17x64xf32> to vector<17x1x64xf32>
    %stack3A_853 = vector.shape_cast %slice3A_836 : vector<17x64xf32> to vector<17x1x64xf32>
    %stack3A_854 = vector.shape_cast %slice3A_837 : vector<17x64xf32> to vector<17x1x64xf32>
    %stack3A_855 = vector.shape_cast %slice3A_838 : vector<17x64xf32> to vector<17x1x64xf32>
    %stack3A_856 = vector.shape_cast %slice3A_839 : vector<17x64xf32> to vector<17x1x64xf32>
    %stack3A_857 = tpu.concatenate %stack3A_840, %stack3A_841, %stack3A_842, %stack3A_843, %stack3A_844, %stack3A_845, %stack3A_846, %stack3A_847, %stack3A_848, %stack3A_849, %stack3A_850, %stack3A_851, %stack3A_852, %stack3A_853, %stack3A_854, %stack3A_855, %stack3A_856 in 1 : vector<17x1x64xf32>, vector<17x1x64xf32>, vector<17x1x64xf32>, vector<17x1x64xf32>, vector<17x1x64xf32>, vector<17x1x64xf32>, vector<17x1x64xf32>, vector<17x1x64xf32>, vector<17x1x64xf32>, vector<17x1x64xf32>, vector<17x1x64xf32>, vector<17x1x64xf32>, vector<17x1x64xf32>, vector<17x1x64xf32>, vector<17x1x64xf32>, vector<17x1x64xf32>, vector<17x1x64xf32> -> vector<17x17x64xf32>
    %reshape3A_858 = vector.shape_cast %stack3A_857 : vector<17x17x64xf32> to vector<289x64xf32>
    %dot_general3A_859 = arith.constant dense<0.000000e+00> : vector<50x64xf32>
    %dot_general3A_860 = tpu.matmul %get3A_718, %reshape3A_858, %dot_general3A_859 {dimension_numbers = #tpu.dot_dimension_numbers<[1], [0], [0], [1], [0, 0, 1, 1], [], []>, transpose_lhs_hint = false} : vector<50x289xf32>, vector<289x64xf32>, vector<50x64xf32> -> vector<50x64xf32>
    %add3A_861 = vector.broadcast %get3A_723 : vector<50x1xf32> to vector<50x64xf32>
    %add3A_862 = arith.addf %dot_general3A_860, %add3A_861 : vector<50x64xf32>
    %swap3A_863 = arith.constant 1 : index
    %swap3A_864 = arith.constant 0 : index
    %swap3A_865 = arith.constant 0 : index
    %swap3A_866 = arith.constant 2 : index
    %swap3A_867 = arith.constant 0 : index
    %swap3A_868 = vector.load %arg15[%swap3A_863, %swap3A_864, %swap3A_865, %swap3A_866, %swap3A_867] : memref<3x50x2x5x64xf32, #tpu.memory_space<vmem>>, vector<1x50x1x1x64xf32>
    %swap3A_869 = vector.shape_cast %swap3A_868 : vector<1x50x1x1x64xf32> to vector<50x64xf32>
    %swap3A_870 = vector.shape_cast %add3A_862 : vector<50x64xf32> to vector<1x50x1x1x64xf32>
    tpu.vector_store %arg15[%swap3A_863, %swap3A_864, %swap3A_865, %swap3A_866, %swap3A_867], %swap3A_870 {strides = array<i32>} : memref<3x50x2x5x64xf32, #tpu.memory_space<vmem>>, vector<1x50x1x1x64xf32>,
    %slice3A_871 = vector.extract_strided_slice %get3A_713 {offsets = [3, 0], sizes = [17, 80], strides = [1, 1]} : vector<21x80xf32> to vector<17x80xf32>
    %slice3A_872 = vector.extract_strided_slice %slice3A_871 {offsets = [0, 0], sizes = [17, 64], strides = [1, 1]} : vector<17x80xf32> to vector<17x64xf32>
    %slice3A_873 = vector.extract_strided_slice %slice3A_871 {offsets = [0, 1], sizes = [17, 64], strides = [1, 1]} : vector<17x80xf32> to vector<17x64xf32>
    %slice3A_874 = vector.extract_strided_slice %slice3A_871 {offsets = [0, 2], sizes = [17, 64], strides = [1, 1]} : vector<17x80xf32> to vector<17x64xf32>
    %slice3A_875 = vector.extract_strided_slice %slice3A_871 {offsets = [0, 3], sizes = [17, 64], strides = [1, 1]} : vector<17x80xf32> to vector<17x64xf32>
    %slice3A_876 = vector.extract_strided_slice %slice3A_871 {offsets = [0, 4], sizes = [17, 64], strides = [1, 1]} : vector<17x80xf32> to vector<17x64xf32>
    %slice3A_877 = vector.extract_strided_slice %slice3A_871 {offsets = [0, 5], sizes = [17, 64], strides = [1, 1]} : vector<17x80xf32> to vector<17x64xf32>
    %slice3A_878 = vector.extract_strided_slice %slice3A_871 {offsets = [0, 6], sizes = [17, 64], strides = [1, 1]} : vector<17x80xf32> to vector<17x64xf32>
    %slice3A_879 = vector.extract_strided_slice %slice3A_871 {offsets = [0, 7], sizes = [17, 64], strides = [1, 1]} : vector<17x80xf32> to vector<17x64xf32>
    %slice3A_880 = vector.extract_strided_slice %slice3A_871 {offsets = [0, 8], sizes = [17, 64], strides = [1, 1]} : vector<17x80xf32> to vector<17x64xf32>
    %slice3A_881 = vector.extract_strided_slice %slice3A_871 {offsets = [0, 9], sizes = [17, 64], strides = [1, 1]} : vector<17x80xf32> to vector<17x64xf32>
    %slice3A_882 = vector.extract_strided_slice %slice3A_871 {offsets = [0, 10], sizes = [17, 64], strides = [1, 1]} : vector<17x80xf32> to vector<17x64xf32>
    %slice3A_883 = vector.extract_strided_slice %slice3A_871 {offsets = [0, 11], sizes = [17, 64], strides = [1, 1]} : vector<17x80xf32> to vector<17x64xf32>
    %slice3A_884 = vector.extract_strided_slice %slice3A_871 {offsets = [0, 12], sizes = [17, 64], strides = [1, 1]} : vector<17x80xf32> to vector<17x64xf32>
    %slice3A_885 = vector.extract_strided_slice %slice3A_871 {offsets = [0, 13], sizes = [17, 64], strides = [1, 1]} : vector<17x80xf32> to vector<17x64xf32>
    %slice3A_886 = vector.extract_strided_slice %slice3A_871 {offsets = [0, 14], sizes = [17, 64], strides = [1, 1]} : vector<17x80xf32> to vector<17x64xf32>
    %slice3A_887 = vector.extract_strided_slice %slice3A_871 {offsets = [0, 15], sizes = [17, 64], strides = [1, 1]} : vector<17x80xf32> to vector<17x64xf32>
    %slice3A_888 = vector.extract_strided_slice %slice3A_871 {offsets = [0, 16], sizes = [17, 64], strides = [1, 1]} : vector<17x80xf32> to vector<17x64xf32>
    %stack3A_889 = vector.shape_cast %slice3A_872 : vector<17x64xf32> to vector<17x1x64xf32>
    %stack3A_890 = vector.shape_cast %slice3A_873 : vector<17x64xf32> to vector<17x1x64xf32>
    %stack3A_891 = vector.shape_cast %slice3A_874 : vector<17x64xf32> to vector<17x1x64xf32>
    %stack3A_892 = vector.shape_cast %slice3A_875 : vector<17x64xf32> to vector<17x1x64xf32>
    %stack3A_893 = vector.shape_cast %slice3A_876 : vector<17x64xf32> to vector<17x1x64xf32>
    %stack3A_894 = vector.shape_cast %slice3A_877 : vector<17x64xf32> to vector<17x1x64xf32>
    %stack3A_895 = vector.shape_cast %slice3A_878 : vector<17x64xf32> to vector<17x1x64xf32>
    %stack3A_896 = vector.shape_cast %slice3A_879 : vector<17x64xf32> to vector<17x1x64xf32>
    %stack3A_897 = vector.shape_cast %slice3A_880 : vector<17x64xf32> to vector<17x1x64xf32>
    %stack3A_898 = vector.shape_cast %slice3A_881 : vector<17x64xf32> to vector<17x1x64xf32>
    %stack3A_899 = vector.shape_cast %slice3A_882 : vector<17x64xf32> to vector<17x1x64xf32>
    %stack3A_900 = vector.shape_cast %slice3A_883 : vector<17x64xf32> to vector<17x1x64xf32>
    %stack3A_901 = vector.shape_cast %slice3A_884 : vector<17x64xf32> to vector<17x1x64xf32>
    %stack3A_902 = vector.shape_cast %slice3A_885 : vector<17x64xf32> to vector<17x1x64xf32>
    %stack3A_903 = vector.shape_cast %slice3A_886 : vector<17x64xf32> to vector<17x1x64xf32>
    %stack3A_904 = vector.shape_cast %slice3A_887 : vector<17x64xf32> to vector<17x1x64xf32>
    %stack3A_905 = vector.shape_cast %slice3A_888 : vector<17x64xf32> to vector<17x1x64xf32>
    %stack3A_906 = tpu.concatenate %stack3A_889, %stack3A_890, %stack3A_891, %stack3A_892, %stack3A_893, %stack3A_894, %stack3A_895, %stack3A_896, %stack3A_897, %stack3A_898, %stack3A_899, %stack3A_900, %stack3A_901, %stack3A_902, %stack3A_903, %stack3A_904, %stack3A_905 in 1 : vector<17x1x64xf32>, vector<17x1x64xf32>, vector<17x1x64xf32>, vector<17x1x64xf32>, vector<17x1x64xf32>, vector<17x1x64xf32>, vector<17x1x64xf32>, vector<17x1x64xf32>, vector<17x1x64xf32>, vector<17x1x64xf32>, vector<17x1x64xf32>, vector<17x1x64xf32>, vector<17x1x64xf32>, vector<17x1x64xf32>, vector<17x1x64xf32>, vector<17x1x64xf32>, vector<17x1x64xf32> -> vector<17x17x64xf32>
    %reshape3A_907 = vector.shape_cast %stack3A_906 : vector<17x17x64xf32> to vector<289x64xf32>
    %dot_general3A_908 = arith.constant dense<0.000000e+00> : vector<50x64xf32>
    %dot_general3A_909 = tpu.matmul %get3A_718, %reshape3A_907, %dot_general3A_908 {dimension_numbers = #tpu.dot_dimension_numbers<[1], [0], [0], [1], [0, 0, 1, 1], [], []>, transpose_lhs_hint = false} : vector<50x289xf32>, vector<289x64xf32>, vector<50x64xf32> -> vector<50x64xf32>
    %add3A_910 = vector.broadcast %get3A_723 : vector<50x1xf32> to vector<50x64xf32>
    %add3A_911 = arith.addf %dot_general3A_909, %add3A_910 : vector<50x64xf32>
    %swap3A_912 = arith.constant 1 : index
    %swap3A_913 = arith.constant 0 : index
    %swap3A_914 = arith.constant 0 : index
    %swap3A_915 = arith.constant 3 : index
    %swap3A_916 = arith.constant 0 : index
    %swap3A_917 = vector.load %arg15[%swap3A_912, %swap3A_913, %swap3A_914, %swap3A_915, %swap3A_916] : memref<3x50x2x5x64xf32, #tpu.memory_space<vmem>>, vector<1x50x1x1x64xf32>
    %swap3A_918 = vector.shape_cast %swap3A_917 : vector<1x50x1x1x64xf32> to vector<50x64xf32>
    %swap3A_919 = vector.shape_cast %add3A_911 : vector<50x64xf32> to vector<1x50x1x1x64xf32>
    tpu.vector_store %arg15[%swap3A_912, %swap3A_913, %swap3A_914, %swap3A_915, %swap3A_916], %swap3A_919 {strides = array<i32>} : memref<3x50x2x5x64xf32, #tpu.memory_space<vmem>>, vector<1x50x1x1x64xf32>,
    %slice3A_920 = vector.extract_strided_slice %get3A_713 {offsets = [4, 0], sizes = [17, 80], strides = [1, 1]} : vector<21x80xf32> to vector<17x80xf32>
    %slice3A_921 = vector.extract_strided_slice %slice3A_920 {offsets = [0, 0], sizes = [17, 64], strides = [1, 1]} : vector<17x80xf32> to vector<17x64xf32>
    %slice3A_922 = vector.extract_strided_slice %slice3A_920 {offsets = [0, 1], sizes = [17, 64], strides = [1, 1]} : vector<17x80xf32> to vector<17x64xf32>
    %slice3A_923 = vector.extract_strided_slice %slice3A_920 {offsets = [0, 2], sizes = [17, 64], strides = [1, 1]} : vector<17x80xf32> to vector<17x64xf32>
    %slice3A_924 = vector.extract_strided_slice %slice3A_920 {offsets = [0, 3], sizes = [17, 64], strides = [1, 1]} : vector<17x80xf32> to vector<17x64xf32>
    %slice3A_925 = vector.extract_strided_slice %slice3A_920 {offsets = [0, 4], sizes = [17, 64], strides = [1, 1]} : vector<17x80xf32> to vector<17x64xf32>
    %slice3A_926 = vector.extract_strided_slice %slice3A_920 {offsets = [0, 5], sizes = [17, 64], strides = [1, 1]} : vector<17x80xf32> to vector<17x64xf32>
    %slice3A_927 = vector.extract_strided_slice %slice3A_920 {offsets = [0, 6], sizes = [17, 64], strides = [1, 1]} : vector<17x80xf32> to vector<17x64xf32>
    %slice3A_928 = vector.extract_strided_slice %slice3A_920 {offsets = [0, 7], sizes = [17, 64], strides = [1, 1]} : vector<17x80xf32> to vector<17x64xf32>
    %slice3A_929 = vector.extract_strided_slice %slice3A_920 {offsets = [0, 8], sizes = [17, 64], strides = [1, 1]} : vector<17x80xf32> to vector<17x64xf32>
    %slice3A_930 = vector.extract_strided_slice %slice3A_920 {offsets = [0, 9], sizes = [17, 64], strides = [1, 1]} : vector<17x80xf32> to vector<17x64xf32>
    %slice3A_931 = vector.extract_strided_slice %slice3A_920 {offsets = [0, 10], sizes = [17, 64], strides = [1, 1]} : vector<17x80xf32> to vector<17x64xf32>
    %slice3A_932 = vector.extract_strided_slice %slice3A_920 {offsets = [0, 11], sizes = [17, 64], strides = [1, 1]} : vector<17x80xf32> to vector<17x64xf32>
    %slice3A_933 = vector.extract_strided_slice %slice3A_920 {offsets = [0, 12], sizes = [17, 64], strides = [1, 1]} : vector<17x80xf32> to vector<17x64xf32>
    %slice3A_934 = vector.extract_strided_slice %slice3A_920 {offsets = [0, 13], sizes = [17, 64], strides = [1, 1]} : vector<17x80xf32> to vector<17x64xf32>
    %slice3A_935 = vector.extract_strided_slice %slice3A_920 {offsets = [0, 14], sizes = [17, 64], strides = [1, 1]} : vector<17x80xf32> to vector<17x64xf32>
    %slice3A_936 = vector.extract_strided_slice %slice3A_920 {offsets = [0, 15], sizes = [17, 64], strides = [1, 1]} : vector<17x80xf32> to vector<17x64xf32>
    %slice3A_937 = vector.extract_strided_slice %slice3A_920 {offsets = [0, 16], sizes = [17, 64], strides = [1, 1]} : vector<17x80xf32> to vector<17x64xf32>
    %stack3A_938 = vector.shape_cast %slice3A_921 : vector<17x64xf32> to vector<17x1x64xf32>
    %stack3A_939 = vector.shape_cast %slice3A_922 : vector<17x64xf32> to vector<17x1x64xf32>
    %stack3A_940 = vector.shape_cast %slice3A_923 : vector<17x64xf32> to vector<17x1x64xf32>
    %stack3A_941 = vector.shape_cast %slice3A_924 : vector<17x64xf32> to vector<17x1x64xf32>
    %stack3A_942 = vector.shape_cast %slice3A_925 : vector<17x64xf32> to vector<17x1x64xf32>
    %stack3A_943 = vector.shape_cast %slice3A_926 : vector<17x64xf32> to vector<17x1x64xf32>
    %stack3A_944 = vector.shape_cast %slice3A_927 : vector<17x64xf32> to vector<17x1x64xf32>
    %stack3A_945 = vector.shape_cast %slice3A_928 : vector<17x64xf32> to vector<17x1x64xf32>
    %stack3A_946 = vector.shape_cast %slice3A_929 : vector<17x64xf32> to vector<17x1x64xf32>
    %stack3A_947 = vector.shape_cast %slice3A_930 : vector<17x64xf32> to vector<17x1x64xf32>
    %stack3A_948 = vector.shape_cast %slice3A_931 : vector<17x64xf32> to vector<17x1x64xf32>
    %stack3A_949 = vector.shape_cast %slice3A_932 : vector<17x64xf32> to vector<17x1x64xf32>
    %stack3A_950 = vector.shape_cast %slice3A_933 : vector<17x64xf32> to vector<17x1x64xf32>
    %stack3A_951 = vector.shape_cast %slice3A_934 : vector<17x64xf32> to vector<17x1x64xf32>
    %stack3A_952 = vector.shape_cast %slice3A_935 : vector<17x64xf32> to vector<17x1x64xf32>
    %stack3A_953 = vector.shape_cast %slice3A_936 : vector<17x64xf32> to vector<17x1x64xf32>
    %stack3A_954 = vector.shape_cast %slice3A_937 : vector<17x64xf32> to vector<17x1x64xf32>
    %stack3A_955 = tpu.concatenate %stack3A_938, %stack3A_939, %stack3A_940, %stack3A_941, %stack3A_942, %stack3A_943, %stack3A_944, %stack3A_945, %stack3A_946, %stack3A_947, %stack3A_948, %stack3A_949, %stack3A_950, %stack3A_951, %stack3A_952, %stack3A_953, %stack3A_954 in 1 : vector<17x1x64xf32>, vector<17x1x64xf32>, vector<17x1x64xf32>, vector<17x1x64xf32>, vector<17x1x64xf32>, vector<17x1x64xf32>, vector<17x1x64xf32>, vector<17x1x64xf32>, vector<17x1x64xf32>, vector<17x1x64xf32>, vector<17x1x64xf32>, vector<17x1x64xf32>, vector<17x1x64xf32>, vector<17x1x64xf32>, vector<17x1x64xf32>, vector<17x1x64xf32>, vector<17x1x64xf32> -> vector<17x17x64xf32>
    %reshape3A_956 = vector.shape_cast %stack3A_955 : vector<17x17x64xf32> to vector<289x64xf32>
    %dot_general3A_957 = arith.constant dense<0.000000e+00> : vector<50x64xf32>
    %dot_general3A_958 = tpu.matmul %get3A_718, %reshape3A_956, %dot_general3A_957 {dimension_numbers = #tpu.dot_dimension_numbers<[1], [0], [0], [1], [0, 0, 1, 1], [], []>, transpose_lhs_hint = false} : vector<50x289xf32>, vector<289x64xf32>, vector<50x64xf32> -> vector<50x64xf32>
    %add3A_959 = vector.broadcast %get3A_723 : vector<50x1xf32> to vector<50x64xf32>
    %add3A_960 = arith.addf %dot_general3A_958, %add3A_959 : vector<50x64xf32>
    %swap3A_961 = arith.constant 1 : index
    %swap3A_962 = arith.constant 0 : index
    %swap3A_963 = arith.constant 0 : index
    %swap3A_964 = arith.constant 4 : index
    %swap3A_965 = arith.constant 0 : index
    %swap3A_966 = vector.load %arg15[%swap3A_961, %swap3A_962, %swap3A_963, %swap3A_964, %swap3A_965] : memref<3x50x2x5x64xf32, #tpu.memory_space<vmem>>, vector<1x50x1x1x64xf32>
    %swap3A_967 = vector.shape_cast %swap3A_966 : vector<1x50x1x1x64xf32> to vector<50x64xf32>
    %swap3A_968 = vector.shape_cast %add3A_960 : vector<50x64xf32> to vector<1x50x1x1x64xf32>
    tpu.vector_store %arg15[%swap3A_961, %swap3A_962, %swap3A_963, %swap3A_964, %swap3A_965], %swap3A_968 {strides = array<i32>} : memref<3x50x2x5x64xf32, #tpu.memory_space<vmem>>, vector<1x50x1x1x64xf32>,
    %get3A_969 = arith.constant 3 : index
    %get3A_970 = arith.constant 0 : index
    %get3A_971 = arith.constant 0 : index
    %get3A_972 = vector.load %arg7[%get3A_969, %get3A_970, %get3A_971] : memref<6x21x80xf32, #tpu.memory_space<vmem>>, vector<1x21x80xf32>
    %get3A_973 = vector.shape_cast %get3A_972 : vector<1x21x80xf32> to vector<21x80xf32>
    %get3A_974 = arith.constant 3 : index
    %get3A_975 = arith.constant 0 : index
    %get3A_976 = arith.constant 0 : index
    %get3A_977 = vector.load %arg8[%get3A_974, %get3A_975, %get3A_976] : memref<6x50x289xf32, #tpu.memory_space<vmem>>, vector<1x50x289xf32>
    %get3A_978 = vector.shape_cast %get3A_977 : vector<1x50x289xf32> to vector<50x289xf32>
    %get3A_979 = arith.constant 3 : index
    %get3A_980 = arith.constant 0 : index
    %get3A_981 = arith.constant 0 : index
    %get3A_982 = vector.load %arg9[%get3A_979, %get3A_980, %get3A_981] : memref<6x50x1xf32, #tpu.memory_space<vmem>>, vector<1x50x1xf32>
    %get3A_983 = vector.shape_cast %get3A_982 : vector<1x50x1xf32> to vector<50x1xf32>
    %slice3A_984 = vector.extract_strided_slice %get3A_973 {offsets = [0, 0], sizes = [17, 80], strides = [1, 1]} : vector<21x80xf32> to vector<17x80xf32>
    %slice3A_985 = vector.extract_strided_slice %slice3A_984 {offsets = [0, 0], sizes = [17, 64], strides = [1, 1]} : vector<17x80xf32> to vector<17x64xf32>
    %slice3A_986 = vector.extract_strided_slice %slice3A_984 {offsets = [0, 1], sizes = [17, 64], strides = [1, 1]} : vector<17x80xf32> to vector<17x64xf32>
    %slice3A_987 = vector.extract_strided_slice %slice3A_984 {offsets = [0, 2], sizes = [17, 64], strides = [1, 1]} : vector<17x80xf32> to vector<17x64xf32>
    %slice3A_988 = vector.extract_strided_slice %slice3A_984 {offsets = [0, 3], sizes = [17, 64], strides = [1, 1]} : vector<17x80xf32> to vector<17x64xf32>
    %slice3A_989 = vector.extract_strided_slice %slice3A_984 {offsets = [0, 4], sizes = [17, 64], strides = [1, 1]} : vector<17x80xf32> to vector<17x64xf32>
    %slice3A_990 = vector.extract_strided_slice %slice3A_984 {offsets = [0, 5], sizes = [17, 64], strides = [1, 1]} : vector<17x80xf32> to vector<17x64xf32>
    %slice3A_991 = vector.extract_strided_slice %slice3A_984 {offsets = [0, 6], sizes = [17, 64], strides = [1, 1]} : vector<17x80xf32> to vector<17x64xf32>
    %slice3A_992 = vector.extract_strided_slice %slice3A_984 {offsets = [0, 7], sizes = [17, 64], strides = [1, 1]} : vector<17x80xf32> to vector<17x64xf32>
    %slice3A_993 = vector.extract_strided_slice %slice3A_984 {offsets = [0, 8], sizes = [17, 64], strides = [1, 1]} : vector<17x80xf32> to vector<17x64xf32>
    %slice3A_994 = vector.extract_strided_slice %slice3A_984 {offsets = [0, 9], sizes = [17, 64], strides = [1, 1]} : vector<17x80xf32> to vector<17x64xf32>
    %slice3A_995 = vector.extract_strided_slice %slice3A_984 {offsets = [0, 10], sizes = [17, 64], strides = [1, 1]} : vector<17x80xf32> to vector<17x64xf32>
    %slice3A_996 = vector.extract_strided_slice %slice3A_984 {offsets = [0, 11], sizes = [17, 64], strides = [1, 1]} : vector<17x80xf32> to vector<17x64xf32>
    %slice3A_997 = vector.extract_strided_slice %slice3A_984 {offsets = [0, 12], sizes = [17, 64], strides = [1, 1]} : vector<17x80xf32> to vector<17x64xf32>
    %slice3A_998 = vector.extract_strided_slice %slice3A_984 {offsets = [0, 13], sizes = [17, 64], strides = [1, 1]} : vector<17x80xf32> to vector<17x64xf32>
    %slice3A_999 = vector.extract_strided_slice %slice3A_984 {offsets = [0, 14], sizes = [17, 64], strides = [1, 1]} : vector<17x80xf32> to vector<17x64xf32>
    %slice3A_1000 = vector.extract_strided_slice %slice3A_984 {offsets = [0, 15], sizes = [17, 64], strides = [1, 1]} : vector<17x80xf32> to vector<17x64xf32>
    %slice3A_1001 = vector.extract_strided_slice %slice3A_984 {offsets = [0, 16], sizes = [17, 64], strides = [1, 1]} : vector<17x80xf32> to vector<17x64xf32>
    %stack3A_1002 = vector.shape_cast %slice3A_985 : vector<17x64xf32> to vector<17x1x64xf32>
    %stack3A_1003 = vector.shape_cast %slice3A_986 : vector<17x64xf32> to vector<17x1x64xf32>
    %stack3A_1004 = vector.shape_cast %slice3A_987 : vector<17x64xf32> to vector<17x1x64xf32>
    %stack3A_1005 = vector.shape_cast %slice3A_988 : vector<17x64xf32> to vector<17x1x64xf32>
    %stack3A_1006 = vector.shape_cast %slice3A_989 : vector<17x64xf32> to vector<17x1x64xf32>
    %stack3A_1007 = vector.shape_cast %slice3A_990 : vector<17x64xf32> to vector<17x1x64xf32>
    %stack3A_1008 = vector.shape_cast %slice3A_991 : vector<17x64xf32> to vector<17x1x64xf32>
    %stack3A_1009 = vector.shape_cast %slice3A_992 : vector<17x64xf32> to vector<17x1x64xf32>
    %stack3A_1010 = vector.shape_cast %slice3A_993 : vector<17x64xf32> to vector<17x1x64xf32>
    %stack3A_1011 = vector.shape_cast %slice3A_994 : vector<17x64xf32> to vector<17x1x64xf32>
    %stack3A_1012 = vector.shape_cast %slice3A_995 : vector<17x64xf32> to vector<17x1x64xf32>
    %stack3A_1013 = vector.shape_cast %slice3A_996 : vector<17x64xf32> to vector<17x1x64xf32>
    %stack3A_1014 = vector.shape_cast %slice3A_997 : vector<17x64xf32> to vector<17x1x64xf32>
    %stack3A_1015 = vector.shape_cast %slice3A_998 : vector<17x64xf32> to vector<17x1x64xf32>
    %stack3A_1016 = vector.shape_cast %slice3A_999 : vector<17x64xf32> to vector<17x1x64xf32>
    %stack3A_1017 = vector.shape_cast %slice3A_1000 : vector<17x64xf32> to vector<17x1x64xf32>
    %stack3A_1018 = vector.shape_cast %slice3A_1001 : vector<17x64xf32> to vector<17x1x64xf32>
    %stack3A_1019 = tpu.concatenate %stack3A_1002, %stack3A_1003, %stack3A_1004, %stack3A_1005, %stack3A_1006, %stack3A_1007, %stack3A_1008, %stack3A_1009, %stack3A_1010, %stack3A_1011, %stack3A_1012, %stack3A_1013, %stack3A_1014, %stack3A_1015, %stack3A_1016, %stack3A_1017, %stack3A_1018 in 1 : vector<17x1x64xf32>, vector<17x1x64xf32>, vector<17x1x64xf32>, vector<17x1x64xf32>, vector<17x1x64xf32>, vector<17x1x64xf32>, vector<17x1x64xf32>, vector<17x1x64xf32>, vector<17x1x64xf32>, vector<17x1x64xf32>, vector<17x1x64xf32>, vector<17x1x64xf32>, vector<17x1x64xf32>, vector<17x1x64xf32>, vector<17x1x64xf32>, vector<17x1x64xf32>, vector<17x1x64xf32> -> vector<17x17x64xf32>
    %reshape3A_1020 = vector.shape_cast %stack3A_1019 : vector<17x17x64xf32> to vector<289x64xf32>
    %dot_general3A_1021 = arith.constant dense<0.000000e+00> : vector<50x64xf32>
    %dot_general3A_1022 = tpu.matmul %get3A_978, %reshape3A_1020, %dot_general3A_1021 {dimension_numbers = #tpu.dot_dimension_numbers<[1], [0], [0], [1], [0, 0, 1, 1], [], []>, transpose_lhs_hint = false} : vector<50x289xf32>, vector<289x64xf32>, vector<50x64xf32> -> vector<50x64xf32>
    %add3A_1023 = vector.broadcast %get3A_983 : vector<50x1xf32> to vector<50x64xf32>
    %add3A_1024 = arith.addf %dot_general3A_1022, %add3A_1023 : vector<50x64xf32>
    %swap3A_1025 = arith.constant 1 : index
    %swap3A_1026 = arith.constant 0 : index
    %swap3A_1027 = arith.constant 1 : index
    %swap3A_1028 = arith.constant 0 : index
    %swap3A_1029 = arith.constant 0 : index
    %swap3A_1030 = vector.load %arg15[%swap3A_1025, %swap3A_1026, %swap3A_1027, %swap3A_1028, %swap3A_1029] : memref<3x50x2x5x64xf32, #tpu.memory_space<vmem>>, vector<1x50x1x1x64xf32>
    %swap3A_1031 = vector.shape_cast %swap3A_1030 : vector<1x50x1x1x64xf32> to vector<50x64xf32>
    %swap3A_1032 = vector.shape_cast %add3A_1024 : vector<50x64xf32> to vector<1x50x1x1x64xf32>
    tpu.vector_store %arg15[%swap3A_1025, %swap3A_1026, %swap3A_1027, %swap3A_1028, %swap3A_1029], %swap3A_1032 {strides = array<i32>} : memref<3x50x2x5x64xf32, #tpu.memory_space<vmem>>, vector<1x50x1x1x64xf32>,
    %slice3A_1033 = vector.extract_strided_slice %get3A_973 {offsets = [1, 0], sizes = [17, 80], strides = [1, 1]} : vector<21x80xf32> to vector<17x80xf32>
    %slice3A_1034 = vector.extract_strided_slice %slice3A_1033 {offsets = [0, 0], sizes = [17, 64], strides = [1, 1]} : vector<17x80xf32> to vector<17x64xf32>
    %slice3A_1035 = vector.extract_strided_slice %slice3A_1033 {offsets = [0, 1], sizes = [17, 64], strides = [1, 1]} : vector<17x80xf32> to vector<17x64xf32>
    %slice3A_1036 = vector.extract_strided_slice %slice3A_1033 {offsets = [0, 2], sizes = [17, 64], strides = [1, 1]} : vector<17x80xf32> to vector<17x64xf32>
    %slice3A_1037 = vector.extract_strided_slice %slice3A_1033 {offsets = [0, 3], sizes = [17, 64], strides = [1, 1]} : vector<17x80xf32> to vector<17x64xf32>
    %slice3A_1038 = vector.extract_strided_slice %slice3A_1033 {offsets = [0, 4], sizes = [17, 64], strides = [1, 1]} : vector<17x80xf32> to vector<17x64xf32>
    %slice3A_1039 = vector.extract_strided_slice %slice3A_1033 {offsets = [0, 5], sizes = [17, 64], strides = [1, 1]} : vector<17x80xf32> to vector<17x64xf32>
    %slice3A_1040 = vector.extract_strided_slice %slice3A_1033 {offsets = [0, 6], sizes = [17, 64], strides = [1, 1]} : vector<17x80xf32> to vector<17x64xf32>
    %slice3A_1041 = vector.extract_strided_slice %slice3A_1033 {offsets = [0, 7], sizes = [17, 64], strides = [1, 1]} : vector<17x80xf32> to vector<17x64xf32>
    %slice3A_1042 = vector.extract_strided_slice %slice3A_1033 {offsets = [0, 8], sizes = [17, 64], strides = [1, 1]} : vector<17x80xf32> to vector<17x64xf32>
    %slice3A_1043 = vector.extract_strided_slice %slice3A_1033 {offsets = [0, 9], sizes = [17, 64], strides = [1, 1]} : vector<17x80xf32> to vector<17x64xf32>
    %slice3A_1044 = vector.extract_strided_slice %slice3A_1033 {offsets = [0, 10], sizes = [17, 64], strides = [1, 1]} : vector<17x80xf32> to vector<17x64xf32>
    %slice3A_1045 = vector.extract_strided_slice %slice3A_1033 {offsets = [0, 11], sizes = [17, 64], strides = [1, 1]} : vector<17x80xf32> to vector<17x64xf32>
    %slice3A_1046 = vector.extract_strided_slice %slice3A_1033 {offsets = [0, 12], sizes = [17, 64], strides = [1, 1]} : vector<17x80xf32> to vector<17x64xf32>
    %slice3A_1047 = vector.extract_strided_slice %slice3A_1033 {offsets = [0, 13], sizes = [17, 64], strides = [1, 1]} : vector<17x80xf32> to vector<17x64xf32>
    %slice3A_1048 = vector.extract_strided_slice %slice3A_1033 {offsets = [0, 14], sizes = [17, 64], strides = [1, 1]} : vector<17x80xf32> to vector<17x64xf32>
    %slice3A_1049 = vector.extract_strided_slice %slice3A_1033 {offsets = [0, 15], sizes = [17, 64], strides = [1, 1]} : vector<17x80xf32> to vector<17x64xf32>
    %slice3A_1050 = vector.extract_strided_slice %slice3A_1033 {offsets = [0, 16], sizes = [17, 64], strides = [1, 1]} : vector<17x80xf32> to vector<17x64xf32>
    %stack3A_1051 = vector.shape_cast %slice3A_1034 : vector<17x64xf32> to vector<17x1x64xf32>
    %stack3A_1052 = vector.shape_cast %slice3A_1035 : vector<17x64xf32> to vector<17x1x64xf32>
    %stack3A_1053 = vector.shape_cast %slice3A_1036 : vector<17x64xf32> to vector<17x1x64xf32>
    %stack3A_1054 = vector.shape_cast %slice3A_1037 : vector<17x64xf32> to vector<17x1x64xf32>
    %stack3A_1055 = vector.shape_cast %slice3A_1038 : vector<17x64xf32> to vector<17x1x64xf32>
    %stack3A_1056 = vector.shape_cast %slice3A_1039 : vector<17x64xf32> to vector<17x1x64xf32>
    %stack3A_1057 = vector.shape_cast %slice3A_1040 : vector<17x64xf32> to vector<17x1x64xf32>
    %stack3A_1058 = vector.shape_cast %slice3A_1041 : vector<17x64xf32> to vector<17x1x64xf32>
    %stack3A_1059 = vector.shape_cast %slice3A_1042 : vector<17x64xf32> to vector<17x1x64xf32>
    %stack3A_1060 = vector.shape_cast %slice3A_1043 : vector<17x64xf32> to vector<17x1x64xf32>
    %stack3A_1061 = vector.shape_cast %slice3A_1044 : vector<17x64xf32> to vector<17x1x64xf32>
    %stack3A_1062 = vector.shape_cast %slice3A_1045 : vector<17x64xf32> to vector<17x1x64xf32>
    %stack3A_1063 = vector.shape_cast %slice3A_1046 : vector<17x64xf32> to vector<17x1x64xf32>
    %stack3A_1064 = vector.shape_cast %slice3A_1047 : vector<17x64xf32> to vector<17x1x64xf32>
    %stack3A_1065 = vector.shape_cast %slice3A_1048 : vector<17x64xf32> to vector<17x1x64xf32>
    %stack3A_1066 = vector.shape_cast %slice3A_1049 : vector<17x64xf32> to vector<17x1x64xf32>
    %stack3A_1067 = vector.shape_cast %slice3A_1050 : vector<17x64xf32> to vector<17x1x64xf32>
    %stack3A_1068 = tpu.concatenate %stack3A_1051, %stack3A_1052, %stack3A_1053, %stack3A_1054, %stack3A_1055, %stack3A_1056, %stack3A_1057, %stack3A_1058, %stack3A_1059, %stack3A_1060, %stack3A_1061, %stack3A_1062, %stack3A_1063, %stack3A_1064, %stack3A_1065, %stack3A_1066, %stack3A_1067 in 1 : vector<17x1x64xf32>, vector<17x1x64xf32>, vector<17x1x64xf32>, vector<17x1x64xf32>, vector<17x1x64xf32>, vector<17x1x64xf32>, vector<17x1x64xf32>, vector<17x1x64xf32>, vector<17x1x64xf32>, vector<17x1x64xf32>, vector<17x1x64xf32>, vector<17x1x64xf32>, vector<17x1x64xf32>, vector<17x1x64xf32>, vector<17x1x64xf32>, vector<17x1x64xf32>, vector<17x1x64xf32> -> vector<17x17x64xf32>
    %reshape3A_1069 = vector.shape_cast %stack3A_1068 : vector<17x17x64xf32> to vector<289x64xf32>
    %dot_general3A_1070 = arith.constant dense<0.000000e+00> : vector<50x64xf32>
    %dot_general3A_1071 = tpu.matmul %get3A_978, %reshape3A_1069, %dot_general3A_1070 {dimension_numbers = #tpu.dot_dimension_numbers<[1], [0], [0], [1], [0, 0, 1, 1], [], []>, transpose_lhs_hint = false} : vector<50x289xf32>, vector<289x64xf32>, vector<50x64xf32> -> vector<50x64xf32>
    %add3A_1072 = vector.broadcast %get3A_983 : vector<50x1xf32> to vector<50x64xf32>
    %add3A_1073 = arith.addf %dot_general3A_1071, %add3A_1072 : vector<50x64xf32>
    %swap3A_1074 = arith.constant 1 : index
    %swap3A_1075 = arith.constant 0 : index
    %swap3A_1076 = arith.constant 1 : index
    %swap3A_1077 = arith.constant 1 : index
    %swap3A_1078 = arith.constant 0 : index
    %swap3A_1079 = vector.load %arg15[%swap3A_1074, %swap3A_1075, %swap3A_1076, %swap3A_1077, %swap3A_1078] : memref<3x50x2x5x64xf32, #tpu.memory_space<vmem>>, vector<1x50x1x1x64xf32>
    %swap3A_1080 = vector.shape_cast %swap3A_1079 : vector<1x50x1x1x64xf32> to vector<50x64xf32>
    %swap3A_1081 = vector.shape_cast %add3A_1073 : vector<50x64xf32> to vector<1x50x1x1x64xf32>
    tpu.vector_store %arg15[%swap3A_1074, %swap3A_1075, %swap3A_1076, %swap3A_1077, %swap3A_1078], %swap3A_1081 {strides = array<i32>} : memref<3x50x2x5x64xf32, #tpu.memory_space<vmem>>, vector<1x50x1x1x64xf32>,
    %slice3A_1082 = vector.extract_strided_slice %get3A_973 {offsets = [2, 0], sizes = [17, 80], strides = [1, 1]} : vector<21x80xf32> to vector<17x80xf32>
    %slice3A_1083 = vector.extract_strided_slice %slice3A_1082 {offsets = [0, 0], sizes = [17, 64], strides = [1, 1]} : vector<17x80xf32> to vector<17x64xf32>
    %slice3A_1084 = vector.extract_strided_slice %slice3A_1082 {offsets = [0, 1], sizes = [17, 64], strides = [1, 1]} : vector<17x80xf32> to vector<17x64xf32>
    %slice3A_1085 = vector.extract_strided_slice %slice3A_1082 {offsets = [0, 2], sizes = [17, 64], strides = [1, 1]} : vector<17x80xf32> to vector<17x64xf32>
    %slice3A_1086 = vector.extract_strided_slice %slice3A_1082 {offsets = [0, 3], sizes = [17, 64], strides = [1, 1]} : vector<17x80xf32> to vector<17x64xf32>
    %slice3A_1087 = vector.extract_strided_slice %slice3A_1082 {offsets = [0, 4], sizes = [17, 64], strides = [1, 1]} : vector<17x80xf32> to vector<17x64xf32>
    %slice3A_1088 = vector.extract_strided_slice %slice3A_1082 {offsets = [0, 5], sizes = [17, 64], strides = [1, 1]} : vector<17x80xf32> to vector<17x64xf32>
    %slice3A_1089 = vector.extract_strided_slice %slice3A_1082 {offsets = [0, 6], sizes = [17, 64], strides = [1, 1]} : vector<17x80xf32> to vector<17x64xf32>
    %slice3A_1090 = vector.extract_strided_slice %slice3A_1082 {offsets = [0, 7], sizes = [17, 64], strides = [1, 1]} : vector<17x80xf32> to vector<17x64xf32>
    %slice3A_1091 = vector.extract_strided_slice %slice3A_1082 {offsets = [0, 8], sizes = [17, 64], strides = [1, 1]} : vector<17x80xf32> to vector<17x64xf32>
    %slice3A_1092 = vector.extract_strided_slice %slice3A_1082 {offsets = [0, 9], sizes = [17, 64], strides = [1, 1]} : vector<17x80xf32> to vector<17x64xf32>
    %slice3A_1093 = vector.extract_strided_slice %slice3A_1082 {offsets = [0, 10], sizes = [17, 64], strides = [1, 1]} : vector<17x80xf32> to vector<17x64xf32>
    %slice3A_1094 = vector.extract_strided_slice %slice3A_1082 {offsets = [0, 11], sizes = [17, 64], strides = [1, 1]} : vector<17x80xf32> to vector<17x64xf32>
    %slice3A_1095 = vector.extract_strided_slice %slice3A_1082 {offsets = [0, 12], sizes = [17, 64], strides = [1, 1]} : vector<17x80xf32> to vector<17x64xf32>
    %slice3A_1096 = vector.extract_strided_slice %slice3A_1082 {offsets = [0, 13], sizes = [17, 64], strides = [1, 1]} : vector<17x80xf32> to vector<17x64xf32>
    %slice3A_1097 = vector.extract_strided_slice %slice3A_1082 {offsets = [0, 14], sizes = [17, 64], strides = [1, 1]} : vector<17x80xf32> to vector<17x64xf32>
    %slice3A_1098 = vector.extract_strided_slice %slice3A_1082 {offsets = [0, 15], sizes = [17, 64], strides = [1, 1]} : vector<17x80xf32> to vector<17x64xf32>
    %slice3A_1099 = vector.extract_strided_slice %slice3A_1082 {offsets = [0, 16], sizes = [17, 64], strides = [1, 1]} : vector<17x80xf32> to vector<17x64xf32>
    %stack3A_1100 = vector.shape_cast %slice3A_1083 : vector<17x64xf32> to vector<17x1x64xf32>
    %stack3A_1101 = vector.shape_cast %slice3A_1084 : vector<17x64xf32> to vector<17x1x64xf32>
    %stack3A_1102 = vector.shape_cast %slice3A_1085 : vector<17x64xf32> to vector<17x1x64xf32>
    %stack3A_1103 = vector.shape_cast %slice3A_1086 : vector<17x64xf32> to vector<17x1x64xf32>
    %stack3A_1104 = vector.shape_cast %slice3A_1087 : vector<17x64xf32> to vector<17x1x64xf32>
    %stack3A_1105 = vector.shape_cast %slice3A_1088 : vector<17x64xf32> to vector<17x1x64xf32>
    %stack3A_1106 = vector.shape_cast %slice3A_1089 : vector<17x64xf32> to vector<17x1x64xf32>
    %stack3A_1107 = vector.shape_cast %slice3A_1090 : vector<17x64xf32> to vector<17x1x64xf32>
    %stack3A_1108 = vector.shape_cast %slice3A_1091 : vector<17x64xf32> to vector<17x1x64xf32>
    %stack3A_1109 = vector.shape_cast %slice3A_1092 : vector<17x64xf32> to vector<17x1x64xf32>
    %stack3A_1110 = vector.shape_cast %slice3A_1093 : vector<17x64xf32> to vector<17x1x64xf32>
    %stack3A_1111 = vector.shape_cast %slice3A_1094 : vector<17x64xf32> to vector<17x1x64xf32>
    %stack3A_1112 = vector.shape_cast %slice3A_1095 : vector<17x64xf32> to vector<17x1x64xf32>
    %stack3A_1113 = vector.shape_cast %slice3A_1096 : vector<17x64xf32> to vector<17x1x64xf32>
    %stack3A_1114 = vector.shape_cast %slice3A_1097 : vector<17x64xf32> to vector<17x1x64xf32>
    %stack3A_1115 = vector.shape_cast %slice3A_1098 : vector<17x64xf32> to vector<17x1x64xf32>
    %stack3A_1116 = vector.shape_cast %slice3A_1099 : vector<17x64xf32> to vector<17x1x64xf32>
    %stack3A_1117 = tpu.concatenate %stack3A_1100, %stack3A_1101, %stack3A_1102, %stack3A_1103, %stack3A_1104, %stack3A_1105, %stack3A_1106, %stack3A_1107, %stack3A_1108, %stack3A_1109, %stack3A_1110, %stack3A_1111, %stack3A_1112, %stack3A_1113, %stack3A_1114, %stack3A_1115, %stack3A_1116 in 1 : vector<17x1x64xf32>, vector<17x1x64xf32>, vector<17x1x64xf32>, vector<17x1x64xf32>, vector<17x1x64xf32>, vector<17x1x64xf32>, vector<17x1x64xf32>, vector<17x1x64xf32>, vector<17x1x64xf32>, vector<17x1x64xf32>, vector<17x1x64xf32>, vector<17x1x64xf32>, vector<17x1x64xf32>, vector<17x1x64xf32>, vector<17x1x64xf32>, vector<17x1x64xf32>, vector<17x1x64xf32> -> vector<17x17x64xf32>
    %reshape3A_1118 = vector.shape_cast %stack3A_1117 : vector<17x17x64xf32> to vector<289x64xf32>
    %dot_general3A_1119 = arith.constant dense<0.000000e+00> : vector<50x64xf32>
    %dot_general3A_1120 = tpu.matmul %get3A_978, %reshape3A_1118, %dot_general3A_1119 {dimension_numbers = #tpu.dot_dimension_numbers<[1], [0], [0], [1], [0, 0, 1, 1], [], []>, transpose_lhs_hint = false} : vector<50x289xf32>, vector<289x64xf32>, vector<50x64xf32> -> vector<50x64xf32>
    %add3A_1121 = vector.broadcast %get3A_983 : vector<50x1xf32> to vector<50x64xf32>
    %add3A_1122 = arith.addf %dot_general3A_1120, %add3A_1121 : vector<50x64xf32>
    %swap3A_1123 = arith.constant 1 : index
    %swap3A_1124 = arith.constant 0 : index
    %swap3A_1125 = arith.constant 1 : index
    %swap3A_1126 = arith.constant 2 : index
    %swap3A_1127 = arith.constant 0 : index
    %swap3A_1128 = vector.load %arg15[%swap3A_1123, %swap3A_1124, %swap3A_1125, %swap3A_1126, %swap3A_1127] : memref<3x50x2x5x64xf32, #tpu.memory_space<vmem>>, vector<1x50x1x1x64xf32>
    %swap3A_1129 = vector.shape_cast %swap3A_1128 : vector<1x50x1x1x64xf32> to vector<50x64xf32>
    %swap3A_1130 = vector.shape_cast %add3A_1122 : vector<50x64xf32> to vector<1x50x1x1x64xf32>
    tpu.vector_store %arg15[%swap3A_1123, %swap3A_1124, %swap3A_1125, %swap3A_1126, %swap3A_1127], %swap3A_1130 {strides = array<i32>} : memref<3x50x2x5x64xf32, #tpu.memory_space<vmem>>, vector<1x50x1x1x64xf32>,
    %slice3A_1131 = vector.extract_strided_slice %get3A_973 {offsets = [3, 0], sizes = [17, 80], strides = [1, 1]} : vector<21x80xf32> to vector<17x80xf32>
    %slice3A_1132 = vector.extract_strided_slice %slice3A_1131 {offsets = [0, 0], sizes = [17, 64], strides = [1, 1]} : vector<17x80xf32> to vector<17x64xf32>
    %slice3A_1133 = vector.extract_strided_slice %slice3A_1131 {offsets = [0, 1], sizes = [17, 64], strides = [1, 1]} : vector<17x80xf32> to vector<17x64xf32>
    %slice3A_1134 = vector.extract_strided_slice %slice3A_1131 {offsets = [0, 2], sizes = [17, 64], strides = [1, 1]} : vector<17x80xf32> to vector<17x64xf32>
    %slice3A_1135 = vector.extract_strided_slice %slice3A_1131 {offsets = [0, 3], sizes = [17, 64], strides = [1, 1]} : vector<17x80xf32> to vector<17x64xf32>
    %slice3A_1136 = vector.extract_strided_slice %slice3A_1131 {offsets = [0, 4], sizes = [17, 64], strides = [1, 1]} : vector<17x80xf32> to vector<17x64xf32>
    %slice3A_1137 = vector.extract_strided_slice %slice3A_1131 {offsets = [0, 5], sizes = [17, 64], strides = [1, 1]} : vector<17x80xf32> to vector<17x64xf32>
    %slice3A_1138 = vector.extract_strided_slice %slice3A_1131 {offsets = [0, 6], sizes = [17, 64], strides = [1, 1]} : vector<17x80xf32> to vector<17x64xf32>
    %slice3A_1139 = vector.extract_strided_slice %slice3A_1131 {offsets = [0, 7], sizes = [17, 64], strides = [1, 1]} : vector<17x80xf32> to vector<17x64xf32>
    %slice3A_1140 = vector.extract_strided_slice %slice3A_1131 {offsets = [0, 8], sizes = [17, 64], strides = [1, 1]} : vector<17x80xf32> to vector<17x64xf32>
    %slice3A_1141 = vector.extract_strided_slice %slice3A_1131 {offsets = [0, 9], sizes = [17, 64], strides = [1, 1]} : vector<17x80xf32> to vector<17x64xf32>
    %slice3A_1142 = vector.extract_strided_slice %slice3A_1131 {offsets = [0, 10], sizes = [17, 64], strides = [1, 1]} : vector<17x80xf32> to vector<17x64xf32>
    %slice3A_1143 = vector.extract_strided_slice %slice3A_1131 {offsets = [0, 11], sizes = [17, 64], strides = [1, 1]} : vector<17x80xf32> to vector<17x64xf32>
    %slice3A_1144 = vector.extract_strided_slice %slice3A_1131 {offsets = [0, 12], sizes = [17, 64], strides = [1, 1]} : vector<17x80xf32> to vector<17x64xf32>
    %slice3A_1145 = vector.extract_strided_slice %slice3A_1131 {offsets = [0, 13], sizes = [17, 64], strides = [1, 1]} : vector<17x80xf32> to vector<17x64xf32>
    %slice3A_1146 = vector.extract_strided_slice %slice3A_1131 {offsets = [0, 14], sizes = [17, 64], strides = [1, 1]} : vector<17x80xf32> to vector<17x64xf32>
    %slice3A_1147 = vector.extract_strided_slice %slice3A_1131 {offsets = [0, 15], sizes = [17, 64], strides = [1, 1]} : vector<17x80xf32> to vector<17x64xf32>
    %slice3A_1148 = vector.extract_strided_slice %slice3A_1131 {offsets = [0, 16], sizes = [17, 64], strides = [1, 1]} : vector<17x80xf32> to vector<17x64xf32>
    %stack3A_1149 = vector.shape_cast %slice3A_1132 : vector<17x64xf32> to vector<17x1x64xf32>
    %stack3A_1150 = vector.shape_cast %slice3A_1133 : vector<17x64xf32> to vector<17x1x64xf32>
    %stack3A_1151 = vector.shape_cast %slice3A_1134 : vector<17x64xf32> to vector<17x1x64xf32>
    %stack3A_1152 = vector.shape_cast %slice3A_1135 : vector<17x64xf32> to vector<17x1x64xf32>
    %stack3A_1153 = vector.shape_cast %slice3A_1136 : vector<17x64xf32> to vector<17x1x64xf32>
    %stack3A_1154 = vector.shape_cast %slice3A_1137 : vector<17x64xf32> to vector<17x1x64xf32>
    %stack3A_1155 = vector.shape_cast %slice3A_1138 : vector<17x64xf32> to vector<17x1x64xf32>
    %stack3A_1156 = vector.shape_cast %slice3A_1139 : vector<17x64xf32> to vector<17x1x64xf32>
    %stack3A_1157 = vector.shape_cast %slice3A_1140 : vector<17x64xf32> to vector<17x1x64xf32>
    %stack3A_1158 = vector.shape_cast %slice3A_1141 : vector<17x64xf32> to vector<17x1x64xf32>
    %stack3A_1159 = vector.shape_cast %slice3A_1142 : vector<17x64xf32> to vector<17x1x64xf32>
    %stack3A_1160 = vector.shape_cast %slice3A_1143 : vector<17x64xf32> to vector<17x1x64xf32>
    %stack3A_1161 = vector.shape_cast %slice3A_1144 : vector<17x64xf32> to vector<17x1x64xf32>
    %stack3A_1162 = vector.shape_cast %slice3A_1145 : vector<17x64xf32> to vector<17x1x64xf32>
    %stack3A_1163 = vector.shape_cast %slice3A_1146 : vector<17x64xf32> to vector<17x1x64xf32>
    %stack3A_1164 = vector.shape_cast %slice3A_1147 : vector<17x64xf32> to vector<17x1x64xf32>
    %stack3A_1165 = vector.shape_cast %slice3A_1148 : vector<17x64xf32> to vector<17x1x64xf32>
    %stack3A_1166 = tpu.concatenate %stack3A_1149, %stack3A_1150, %stack3A_1151, %stack3A_1152, %stack3A_1153, %stack3A_1154, %stack3A_1155, %stack3A_1156, %stack3A_1157, %stack3A_1158, %stack3A_1159, %stack3A_1160, %stack3A_1161, %stack3A_1162, %stack3A_1163, %stack3A_1164, %stack3A_1165 in 1 : vector<17x1x64xf32>, vector<17x1x64xf32>, vector<17x1x64xf32>, vector<17x1x64xf32>, vector<17x1x64xf32>, vector<17x1x64xf32>, vector<17x1x64xf32>, vector<17x1x64xf32>, vector<17x1x64xf32>, vector<17x1x64xf32>, vector<17x1x64xf32>, vector<17x1x64xf32>, vector<17x1x64xf32>, vector<17x1x64xf32>, vector<17x1x64xf32>, vector<17x1x64xf32>, vector<17x1x64xf32> -> vector<17x17x64xf32>
    %reshape3A_1167 = vector.shape_cast %stack3A_1166 : vector<17x17x64xf32> to vector<289x64xf32>
    %dot_general3A_1168 = arith.constant dense<0.000000e+00> : vector<50x64xf32>
    %dot_general3A_1169 = tpu.matmul %get3A_978, %reshape3A_1167, %dot_general3A_1168 {dimension_numbers = #tpu.dot_dimension_numbers<[1], [0], [0], [1], [0, 0, 1, 1], [], []>, transpose_lhs_hint = false} : vector<50x289xf32>, vector<289x64xf32>, vector<50x64xf32> -> vector<50x64xf32>
    %add3A_1170 = vector.broadcast %get3A_983 : vector<50x1xf32> to vector<50x64xf32>
    %add3A_1171 = arith.addf %dot_general3A_1169, %add3A_1170 : vector<50x64xf32>
    %swap3A_1172 = arith.constant 1 : index
    %swap3A_1173 = arith.constant 0 : index
    %swap3A_1174 = arith.constant 1 : index
    %swap3A_1175 = arith.constant 3 : index
    %swap3A_1176 = arith.constant 0 : index
    %swap3A_1177 = vector.load %arg15[%swap3A_1172, %swap3A_1173, %swap3A_1174, %swap3A_1175, %swap3A_1176] : memref<3x50x2x5x64xf32, #tpu.memory_space<vmem>>, vector<1x50x1x1x64xf32>
    %swap3A_1178 = vector.shape_cast %swap3A_1177 : vector<1x50x1x1x64xf32> to vector<50x64xf32>
    %swap3A_1179 = vector.shape_cast %add3A_1171 : vector<50x64xf32> to vector<1x50x1x1x64xf32>
    tpu.vector_store %arg15[%swap3A_1172, %swap3A_1173, %swap3A_1174, %swap3A_1175, %swap3A_1176], %swap3A_1179 {strides = array<i32>} : memref<3x50x2x5x64xf32, #tpu.memory_space<vmem>>, vector<1x50x1x1x64xf32>,
    %slice3A_1180 = vector.extract_strided_slice %get3A_973 {offsets = [4, 0], sizes = [17, 80], strides = [1, 1]} : vector<21x80xf32> to vector<17x80xf32>
    %slice3A_1181 = vector.extract_strided_slice %slice3A_1180 {offsets = [0, 0], sizes = [17, 64], strides = [1, 1]} : vector<17x80xf32> to vector<17x64xf32>
    %slice3A_1182 = vector.extract_strided_slice %slice3A_1180 {offsets = [0, 1], sizes = [17, 64], strides = [1, 1]} : vector<17x80xf32> to vector<17x64xf32>
    %slice3A_1183 = vector.extract_strided_slice %slice3A_1180 {offsets = [0, 2], sizes = [17, 64], strides = [1, 1]} : vector<17x80xf32> to vector<17x64xf32>
    %slice3A_1184 = vector.extract_strided_slice %slice3A_1180 {offsets = [0, 3], sizes = [17, 64], strides = [1, 1]} : vector<17x80xf32> to vector<17x64xf32>
    %slice3A_1185 = vector.extract_strided_slice %slice3A_1180 {offsets = [0, 4], sizes = [17, 64], strides = [1, 1]} : vector<17x80xf32> to vector<17x64xf32>
    %slice3A_1186 = vector.extract_strided_slice %slice3A_1180 {offsets = [0, 5], sizes = [17, 64], strides = [1, 1]} : vector<17x80xf32> to vector<17x64xf32>
    %slice3A_1187 = vector.extract_strided_slice %slice3A_1180 {offsets = [0, 6], sizes = [17, 64], strides = [1, 1]} : vector<17x80xf32> to vector<17x64xf32>
    %slice3A_1188 = vector.extract_strided_slice %slice3A_1180 {offsets = [0, 7], sizes = [17, 64], strides = [1, 1]} : vector<17x80xf32> to vector<17x64xf32>
    %slice3A_1189 = vector.extract_strided_slice %slice3A_1180 {offsets = [0, 8], sizes = [17, 64], strides = [1, 1]} : vector<17x80xf32> to vector<17x64xf32>
    %slice3A_1190 = vector.extract_strided_slice %slice3A_1180 {offsets = [0, 9], sizes = [17, 64], strides = [1, 1]} : vector<17x80xf32> to vector<17x64xf32>
    %slice3A_1191 = vector.extract_strided_slice %slice3A_1180 {offsets = [0, 10], sizes = [17, 64], strides = [1, 1]} : vector<17x80xf32> to vector<17x64xf32>
    %slice3A_1192 = vector.extract_strided_slice %slice3A_1180 {offsets = [0, 11], sizes = [17, 64], strides = [1, 1]} : vector<17x80xf32> to vector<17x64xf32>
    %slice3A_1193 = vector.extract_strided_slice %slice3A_1180 {offsets = [0, 12], sizes = [17, 64], strides = [1, 1]} : vector<17x80xf32> to vector<17x64xf32>
    %slice3A_1194 = vector.extract_strided_slice %slice3A_1180 {offsets = [0, 13], sizes = [17, 64], strides = [1, 1]} : vector<17x80xf32> to vector<17x64xf32>
    %slice3A_1195 = vector.extract_strided_slice %slice3A_1180 {offsets = [0, 14], sizes = [17, 64], strides = [1, 1]} : vector<17x80xf32> to vector<17x64xf32>
    %slice3A_1196 = vector.extract_strided_slice %slice3A_1180 {offsets = [0, 15], sizes = [17, 64], strides = [1, 1]} : vector<17x80xf32> to vector<17x64xf32>
    %slice3A_1197 = vector.extract_strided_slice %slice3A_1180 {offsets = [0, 16], sizes = [17, 64], strides = [1, 1]} : vector<17x80xf32> to vector<17x64xf32>
    %stack3A_1198 = vector.shape_cast %slice3A_1181 : vector<17x64xf32> to vector<17x1x64xf32>
    %stack3A_1199 = vector.shape_cast %slice3A_1182 : vector<17x64xf32> to vector<17x1x64xf32>
    %stack3A_1200 = vector.shape_cast %slice3A_1183 : vector<17x64xf32> to vector<17x1x64xf32>
    %stack3A_1201 = vector.shape_cast %slice3A_1184 : vector<17x64xf32> to vector<17x1x64xf32>
    %stack3A_1202 = vector.shape_cast %slice3A_1185 : vector<17x64xf32> to vector<17x1x64xf32>
    %stack3A_1203 = vector.shape_cast %slice3A_1186 : vector<17x64xf32> to vector<17x1x64xf32>
    %stack3A_1204 = vector.shape_cast %slice3A_1187 : vector<17x64xf32> to vector<17x1x64xf32>
    %stack3A_1205 = vector.shape_cast %slice3A_1188 : vector<17x64xf32> to vector<17x1x64xf32>
    %stack3A_1206 = vector.shape_cast %slice3A_1189 : vector<17x64xf32> to vector<17x1x64xf32>
    %stack3A_1207 = vector.shape_cast %slice3A_1190 : vector<17x64xf32> to vector<17x1x64xf32>
    %stack3A_1208 = vector.shape_cast %slice3A_1191 : vector<17x64xf32> to vector<17x1x64xf32>
    %stack3A_1209 = vector.shape_cast %slice3A_1192 : vector<17x64xf32> to vector<17x1x64xf32>
    %stack3A_1210 = vector.shape_cast %slice3A_1193 : vector<17x64xf32> to vector<17x1x64xf32>
    %stack3A_1211 = vector.shape_cast %slice3A_1194 : vector<17x64xf32> to vector<17x1x64xf32>
    %stack3A_1212 = vector.shape_cast %slice3A_1195 : vector<17x64xf32> to vector<17x1x64xf32>
    %stack3A_1213 = vector.shape_cast %slice3A_1196 : vector<17x64xf32> to vector<17x1x64xf32>
    %stack3A_1214 = vector.shape_cast %slice3A_1197 : vector<17x64xf32> to vector<17x1x64xf32>
    %stack3A_1215 = tpu.concatenate %stack3A_1198, %stack3A_1199, %stack3A_1200, %stack3A_1201, %stack3A_1202, %stack3A_1203, %stack3A_1204, %stack3A_1205, %stack3A_1206, %stack3A_1207, %stack3A_1208, %stack3A_1209, %stack3A_1210, %stack3A_1211, %stack3A_1212, %stack3A_1213, %stack3A_1214 in 1 : vector<17x1x64xf32>, vector<17x1x64xf32>, vector<17x1x64xf32>, vector<17x1x64xf32>, vector<17x1x64xf32>, vector<17x1x64xf32>, vector<17x1x64xf32>, vector<17x1x64xf32>, vector<17x1x64xf32>, vector<17x1x64xf32>, vector<17x1x64xf32>, vector<17x1x64xf32>, vector<17x1x64xf32>, vector<17x1x64xf32>, vector<17x1x64xf32>, vector<17x1x64xf32>, vector<17x1x64xf32> -> vector<17x17x64xf32>
    %reshape3A_1216 = vector.shape_cast %stack3A_1215 : vector<17x17x64xf32> to vector<289x64xf32>
    %dot_general3A_1217 = arith.constant dense<0.000000e+00> : vector<50x64xf32>
    %dot_general3A_1218 = tpu.matmul %get3A_978, %reshape3A_1216, %dot_general3A_1217 {dimension_numbers = #tpu.dot_dimension_numbers<[1], [0], [0], [1], [0, 0, 1, 1], [], []>, transpose_lhs_hint = false} : vector<50x289xf32>, vector<289x64xf32>, vector<50x64xf32> -> vector<50x64xf32>
    %add3A_1219 = vector.broadcast %get3A_983 : vector<50x1xf32> to vector<50x64xf32>
    %add3A_1220 = arith.addf %dot_general3A_1218, %add3A_1219 : vector<50x64xf32>
    %swap3A_1221 = arith.constant 1 : index
    %swap3A_1222 = arith.constant 0 : index
    %swap3A_1223 = arith.constant 1 : index
    %swap3A_1224 = arith.constant 4 : index
    %swap3A_1225 = arith.constant 0 : index
    %swap3A_1226 = vector.load %arg15[%swap3A_1221, %swap3A_1222, %swap3A_1223, %swap3A_1224, %swap3A_1225] : memref<3x50x2x5x64xf32, #tpu.memory_space<vmem>>, vector<1x50x1x1x64xf32>
    %swap3A_1227 = vector.shape_cast %swap3A_1226 : vector<1x50x1x1x64xf32> to vector<50x64xf32>
    %swap3A_1228 = vector.shape_cast %add3A_1220 : vector<50x64xf32> to vector<1x50x1x1x64xf32>
    tpu.vector_store %arg15[%swap3A_1221, %swap3A_1222, %swap3A_1223, %swap3A_1224, %swap3A_1225], %swap3A_1228 {strides = array<i32>} : memref<3x50x2x5x64xf32, #tpu.memory_space<vmem>>, vector<1x50x1x1x64xf32>,
    %get3A_1229 = arith.constant 4 : index
    %get3A_1230 = arith.constant 0 : index
    %get3A_1231 = arith.constant 0 : index
    %get3A_1232 = vector.load %arg7[%get3A_1229, %get3A_1230, %get3A_1231] : memref<6x21x80xf32, #tpu.memory_space<vmem>>, vector<1x21x80xf32>
    %get3A_1233 = vector.shape_cast %get3A_1232 : vector<1x21x80xf32> to vector<21x80xf32>
    %get3A_1234 = arith.constant 4 : index
    %get3A_1235 = arith.constant 0 : index
    %get3A_1236 = arith.constant 0 : index
    %get3A_1237 = vector.load %arg8[%get3A_1234, %get3A_1235, %get3A_1236] : memref<6x50x289xf32, #tpu.memory_space<vmem>>, vector<1x50x289xf32>
    %get3A_1238 = vector.shape_cast %get3A_1237 : vector<1x50x289xf32> to vector<50x289xf32>
    %get3A_1239 = arith.constant 4 : index
    %get3A_1240 = arith.constant 0 : index
    %get3A_1241 = arith.constant 0 : index
    %get3A_1242 = vector.load %arg9[%get3A_1239, %get3A_1240, %get3A_1241] : memref<6x50x1xf32, #tpu.memory_space<vmem>>, vector<1x50x1xf32>
    %get3A_1243 = vector.shape_cast %get3A_1242 : vector<1x50x1xf32> to vector<50x1xf32>
    %slice3A_1244 = vector.extract_strided_slice %get3A_1233 {offsets = [0, 0], sizes = [17, 80], strides = [1, 1]} : vector<21x80xf32> to vector<17x80xf32>
    %slice3A_1245 = vector.extract_strided_slice %slice3A_1244 {offsets = [0, 0], sizes = [17, 64], strides = [1, 1]} : vector<17x80xf32> to vector<17x64xf32>
    %slice3A_1246 = vector.extract_strided_slice %slice3A_1244 {offsets = [0, 1], sizes = [17, 64], strides = [1, 1]} : vector<17x80xf32> to vector<17x64xf32>
    %slice3A_1247 = vector.extract_strided_slice %slice3A_1244 {offsets = [0, 2], sizes = [17, 64], strides = [1, 1]} : vector<17x80xf32> to vector<17x64xf32>
    %slice3A_1248 = vector.extract_strided_slice %slice3A_1244 {offsets = [0, 3], sizes = [17, 64], strides = [1, 1]} : vector<17x80xf32> to vector<17x64xf32>
    %slice3A_1249 = vector.extract_strided_slice %slice3A_1244 {offsets = [0, 4], sizes = [17, 64], strides = [1, 1]} : vector<17x80xf32> to vector<17x64xf32>
    %slice3A_1250 = vector.extract_strided_slice %slice3A_1244 {offsets = [0, 5], sizes = [17, 64], strides = [1, 1]} : vector<17x80xf32> to vector<17x64xf32>
    %slice3A_1251 = vector.extract_strided_slice %slice3A_1244 {offsets = [0, 6], sizes = [17, 64], strides = [1, 1]} : vector<17x80xf32> to vector<17x64xf32>
    %slice3A_1252 = vector.extract_strided_slice %slice3A_1244 {offsets = [0, 7], sizes = [17, 64], strides = [1, 1]} : vector<17x80xf32> to vector<17x64xf32>
    %slice3A_1253 = vector.extract_strided_slice %slice3A_1244 {offsets = [0, 8], sizes = [17, 64], strides = [1, 1]} : vector<17x80xf32> to vector<17x64xf32>
    %slice3A_1254 = vector.extract_strided_slice %slice3A_1244 {offsets = [0, 9], sizes = [17, 64], strides = [1, 1]} : vector<17x80xf32> to vector<17x64xf32>
    %slice3A_1255 = vector.extract_strided_slice %slice3A_1244 {offsets = [0, 10], sizes = [17, 64], strides = [1, 1]} : vector<17x80xf32> to vector<17x64xf32>
    %slice3A_1256 = vector.extract_strided_slice %slice3A_1244 {offsets = [0, 11], sizes = [17, 64], strides = [1, 1]} : vector<17x80xf32> to vector<17x64xf32>
    %slice3A_1257 = vector.extract_strided_slice %slice3A_1244 {offsets = [0, 12], sizes = [17, 64], strides = [1, 1]} : vector<17x80xf32> to vector<17x64xf32>
    %slice3A_1258 = vector.extract_strided_slice %slice3A_1244 {offsets = [0, 13], sizes = [17, 64], strides = [1, 1]} : vector<17x80xf32> to vector<17x64xf32>
    %slice3A_1259 = vector.extract_strided_slice %slice3A_1244 {offsets = [0, 14], sizes = [17, 64], strides = [1, 1]} : vector<17x80xf32> to vector<17x64xf32>
    %slice3A_1260 = vector.extract_strided_slice %slice3A_1244 {offsets = [0, 15], sizes = [17, 64], strides = [1, 1]} : vector<17x80xf32> to vector<17x64xf32>
    %slice3A_1261 = vector.extract_strided_slice %slice3A_1244 {offsets = [0, 16], sizes = [17, 64], strides = [1, 1]} : vector<17x80xf32> to vector<17x64xf32>
    %stack3A_1262 = vector.shape_cast %slice3A_1245 : vector<17x64xf32> to vector<17x1x64xf32>
    %stack3A_1263 = vector.shape_cast %slice3A_1246 : vector<17x64xf32> to vector<17x1x64xf32>
    %stack3A_1264 = vector.shape_cast %slice3A_1247 : vector<17x64xf32> to vector<17x1x64xf32>
    %stack3A_1265 = vector.shape_cast %slice3A_1248 : vector<17x64xf32> to vector<17x1x64xf32>
    %stack3A_1266 = vector.shape_cast %slice3A_1249 : vector<17x64xf32> to vector<17x1x64xf32>
    %stack3A_1267 = vector.shape_cast %slice3A_1250 : vector<17x64xf32> to vector<17x1x64xf32>
    %stack3A_1268 = vector.shape_cast %slice3A_1251 : vector<17x64xf32> to vector<17x1x64xf32>
    %stack3A_1269 = vector.shape_cast %slice3A_1252 : vector<17x64xf32> to vector<17x1x64xf32>
    %stack3A_1270 = vector.shape_cast %slice3A_1253 : vector<17x64xf32> to vector<17x1x64xf32>
    %stack3A_1271 = vector.shape_cast %slice3A_1254 : vector<17x64xf32> to vector<17x1x64xf32>
    %stack3A_1272 = vector.shape_cast %slice3A_1255 : vector<17x64xf32> to vector<17x1x64xf32>
    %stack3A_1273 = vector.shape_cast %slice3A_1256 : vector<17x64xf32> to vector<17x1x64xf32>
    %stack3A_1274 = vector.shape_cast %slice3A_1257 : vector<17x64xf32> to vector<17x1x64xf32>
    %stack3A_1275 = vector.shape_cast %slice3A_1258 : vector<17x64xf32> to vector<17x1x64xf32>
    %stack3A_1276 = vector.shape_cast %slice3A_1259 : vector<17x64xf32> to vector<17x1x64xf32>
    %stack3A_1277 = vector.shape_cast %slice3A_1260 : vector<17x64xf32> to vector<17x1x64xf32>
    %stack3A_1278 = vector.shape_cast %slice3A_1261 : vector<17x64xf32> to vector<17x1x64xf32>
    %stack3A_1279 = tpu.concatenate %stack3A_1262, %stack3A_1263, %stack3A_1264, %stack3A_1265, %stack3A_1266, %stack3A_1267, %stack3A_1268, %stack3A_1269, %stack3A_1270, %stack3A_1271, %stack3A_1272, %stack3A_1273, %stack3A_1274, %stack3A_1275, %stack3A_1276, %stack3A_1277, %stack3A_1278 in 1 : vector<17x1x64xf32>, vector<17x1x64xf32>, vector<17x1x64xf32>, vector<17x1x64xf32>, vector<17x1x64xf32>, vector<17x1x64xf32>, vector<17x1x64xf32>, vector<17x1x64xf32>, vector<17x1x64xf32>, vector<17x1x64xf32>, vector<17x1x64xf32>, vector<17x1x64xf32>, vector<17x1x64xf32>, vector<17x1x64xf32>, vector<17x1x64xf32>, vector<17x1x64xf32>, vector<17x1x64xf32> -> vector<17x17x64xf32>
    %reshape3A_1280 = vector.shape_cast %stack3A_1279 : vector<17x17x64xf32> to vector<289x64xf32>
    %dot_general3A_1281 = arith.constant dense<0.000000e+00> : vector<50x64xf32>
    %dot_general3A_1282 = tpu.matmul %get3A_1238, %reshape3A_1280, %dot_general3A_1281 {dimension_numbers = #tpu.dot_dimension_numbers<[1], [0], [0], [1], [0, 0, 1, 1], [], []>, transpose_lhs_hint = false} : vector<50x289xf32>, vector<289x64xf32>, vector<50x64xf32> -> vector<50x64xf32>
    %add3A_1283 = vector.broadcast %get3A_1243 : vector<50x1xf32> to vector<50x64xf32>
    %add3A_1284 = arith.addf %dot_general3A_1282, %add3A_1283 : vector<50x64xf32>
    %swap3A_1285 = arith.constant 2 : index
    %swap3A_1286 = arith.constant 0 : index
    %swap3A_1287 = arith.constant 0 : index
    %swap3A_1288 = arith.constant 0 : index
    %swap3A_1289 = arith.constant 0 : index
    %swap3A_1290 = vector.load %arg15[%swap3A_1285, %swap3A_1286, %swap3A_1287, %swap3A_1288, %swap3A_1289] : memref<3x50x2x5x64xf32, #tpu.memory_space<vmem>>, vector<1x50x1x1x64xf32>
    %swap3A_1291 = vector.shape_cast %swap3A_1290 : vector<1x50x1x1x64xf32> to vector<50x64xf32>
    %swap3A_1292 = vector.shape_cast %add3A_1284 : vector<50x64xf32> to vector<1x50x1x1x64xf32>
    tpu.vector_store %arg15[%swap3A_1285, %swap3A_1286, %swap3A_1287, %swap3A_1288, %swap3A_1289], %swap3A_1292 {strides = array<i32>} : memref<3x50x2x5x64xf32, #tpu.memory_space<vmem>>, vector<1x50x1x1x64xf32>,
    %slice3A_1293 = vector.extract_strided_slice %get3A_1233 {offsets = [1, 0], sizes = [17, 80], strides = [1, 1]} : vector<21x80xf32> to vector<17x80xf32>
    %slice3A_1294 = vector.extract_strided_slice %slice3A_1293 {offsets = [0, 0], sizes = [17, 64], strides = [1, 1]} : vector<17x80xf32> to vector<17x64xf32>
    %slice3A_1295 = vector.extract_strided_slice %slice3A_1293 {offsets = [0, 1], sizes = [17, 64], strides = [1, 1]} : vector<17x80xf32> to vector<17x64xf32>
    %slice3A_1296 = vector.extract_strided_slice %slice3A_1293 {offsets = [0, 2], sizes = [17, 64], strides = [1, 1]} : vector<17x80xf32> to vector<17x64xf32>
    %slice3A_1297 = vector.extract_strided_slice %slice3A_1293 {offsets = [0, 3], sizes = [17, 64], strides = [1, 1]} : vector<17x80xf32> to vector<17x64xf32>
    %slice3A_1298 = vector.extract_strided_slice %slice3A_1293 {offsets = [0, 4], sizes = [17, 64], strides = [1, 1]} : vector<17x80xf32> to vector<17x64xf32>
    %slice3A_1299 = vector.extract_strided_slice %slice3A_1293 {offsets = [0, 5], sizes = [17, 64], strides = [1, 1]} : vector<17x80xf32> to vector<17x64xf32>
    %slice3A_1300 = vector.extract_strided_slice %slice3A_1293 {offsets = [0, 6], sizes = [17, 64], strides = [1, 1]} : vector<17x80xf32> to vector<17x64xf32>
    %slice3A_1301 = vector.extract_strided_slice %slice3A_1293 {offsets = [0, 7], sizes = [17, 64], strides = [1, 1]} : vector<17x80xf32> to vector<17x64xf32>
    %slice3A_1302 = vector.extract_strided_slice %slice3A_1293 {offsets = [0, 8], sizes = [17, 64], strides = [1, 1]} : vector<17x80xf32> to vector<17x64xf32>
    %slice3A_1303 = vector.extract_strided_slice %slice3A_1293 {offsets = [0, 9], sizes = [17, 64], strides = [1, 1]} : vector<17x80xf32> to vector<17x64xf32>
    %slice3A_1304 = vector.extract_strided_slice %slice3A_1293 {offsets = [0, 10], sizes = [17, 64], strides = [1, 1]} : vector<17x80xf32> to vector<17x64xf32>
    %slice3A_1305 = vector.extract_strided_slice %slice3A_1293 {offsets = [0, 11], sizes = [17, 64], strides = [1, 1]} : vector<17x80xf32> to vector<17x64xf32>
    %slice3A_1306 = vector.extract_strided_slice %slice3A_1293 {offsets = [0, 12], sizes = [17, 64], strides = [1, 1]} : vector<17x80xf32> to vector<17x64xf32>
    %slice3A_1307 = vector.extract_strided_slice %slice3A_1293 {offsets = [0, 13], sizes = [17, 64], strides = [1, 1]} : vector<17x80xf32> to vector<17x64xf32>
    %slice3A_1308 = vector.extract_strided_slice %slice3A_1293 {offsets = [0, 14], sizes = [17, 64], strides = [1, 1]} : vector<17x80xf32> to vector<17x64xf32>
    %slice3A_1309 = vector.extract_strided_slice %slice3A_1293 {offsets = [0, 15], sizes = [17, 64], strides = [1, 1]} : vector<17x80xf32> to vector<17x64xf32>
    %slice3A_1310 = vector.extract_strided_slice %slice3A_1293 {offsets = [0, 16], sizes = [17, 64], strides = [1, 1]} : vector<17x80xf32> to vector<17x64xf32>
    %stack3A_1311 = vector.shape_cast %slice3A_1294 : vector<17x64xf32> to vector<17x1x64xf32>
    %stack3A_1312 = vector.shape_cast %slice3A_1295 : vector<17x64xf32> to vector<17x1x64xf32>
    %stack3A_1313 = vector.shape_cast %slice3A_1296 : vector<17x64xf32> to vector<17x1x64xf32>
    %stack3A_1314 = vector.shape_cast %slice3A_1297 : vector<17x64xf32> to vector<17x1x64xf32>
    %stack3A_1315 = vector.shape_cast %slice3A_1298 : vector<17x64xf32> to vector<17x1x64xf32>
    %stack3A_1316 = vector.shape_cast %slice3A_1299 : vector<17x64xf32> to vector<17x1x64xf32>
    %stack3A_1317 = vector.shape_cast %slice3A_1300 : vector<17x64xf32> to vector<17x1x64xf32>
    %stack3A_1318 = vector.shape_cast %slice3A_1301 : vector<17x64xf32> to vector<17x1x64xf32>
    %stack3A_1319 = vector.shape_cast %slice3A_1302 : vector<17x64xf32> to vector<17x1x64xf32>
    %stack3A_1320 = vector.shape_cast %slice3A_1303 : vector<17x64xf32> to vector<17x1x64xf32>
    %stack3A_1321 = vector.shape_cast %slice3A_1304 : vector<17x64xf32> to vector<17x1x64xf32>
    %stack3A_1322 = vector.shape_cast %slice3A_1305 : vector<17x64xf32> to vector<17x1x64xf32>
    %stack3A_1323 = vector.shape_cast %slice3A_1306 : vector<17x64xf32> to vector<17x1x64xf32>
    %stack3A_1324 = vector.shape_cast %slice3A_1307 : vector<17x64xf32> to vector<17x1x64xf32>
    %stack3A_1325 = vector.shape_cast %slice3A_1308 : vector<17x64xf32> to vector<17x1x64xf32>
    %stack3A_1326 = vector.shape_cast %slice3A_1309 : vector<17x64xf32> to vector<17x1x64xf32>
    %stack3A_1327 = vector.shape_cast %slice3A_1310 : vector<17x64xf32> to vector<17x1x64xf32>
    %stack3A_1328 = tpu.concatenate %stack3A_1311, %stack3A_1312, %stack3A_1313, %stack3A_1314, %stack3A_1315, %stack3A_1316, %stack3A_1317, %stack3A_1318, %stack3A_1319, %stack3A_1320, %stack3A_1321, %stack3A_1322, %stack3A_1323, %stack3A_1324, %stack3A_1325, %stack3A_1326, %stack3A_1327 in 1 : vector<17x1x64xf32>, vector<17x1x64xf32>, vector<17x1x64xf32>, vector<17x1x64xf32>, vector<17x1x64xf32>, vector<17x1x64xf32>, vector<17x1x64xf32>, vector<17x1x64xf32>, vector<17x1x64xf32>, vector<17x1x64xf32>, vector<17x1x64xf32>, vector<17x1x64xf32>, vector<17x1x64xf32>, vector<17x1x64xf32>, vector<17x1x64xf32>, vector<17x1x64xf32>, vector<17x1x64xf32> -> vector<17x17x64xf32>
    %reshape3A_1329 = vector.shape_cast %stack3A_1328 : vector<17x17x64xf32> to vector<289x64xf32>
    %dot_general3A_1330 = arith.constant dense<0.000000e+00> : vector<50x64xf32>
    %dot_general3A_1331 = tpu.matmul %get3A_1238, %reshape3A_1329, %dot_general3A_1330 {dimension_numbers = #tpu.dot_dimension_numbers<[1], [0], [0], [1], [0, 0, 1, 1], [], []>, transpose_lhs_hint = false} : vector<50x289xf32>, vector<289x64xf32>, vector<50x64xf32> -> vector<50x64xf32>
    %add3A_1332 = vector.broadcast %get3A_1243 : vector<50x1xf32> to vector<50x64xf32>
    %add3A_1333 = arith.addf %dot_general3A_1331, %add3A_1332 : vector<50x64xf32>
    %swap3A_1334 = arith.constant 2 : index
    %swap3A_1335 = arith.constant 0 : index
    %swap3A_1336 = arith.constant 0 : index
    %swap3A_1337 = arith.constant 1 : index
    %swap3A_1338 = arith.constant 0 : index
    %swap3A_1339 = vector.load %arg15[%swap3A_1334, %swap3A_1335, %swap3A_1336, %swap3A_1337, %swap3A_1338] : memref<3x50x2x5x64xf32, #tpu.memory_space<vmem>>, vector<1x50x1x1x64xf32>
    %swap3A_1340 = vector.shape_cast %swap3A_1339 : vector<1x50x1x1x64xf32> to vector<50x64xf32>
    %swap3A_1341 = vector.shape_cast %add3A_1333 : vector<50x64xf32> to vector<1x50x1x1x64xf32>
    tpu.vector_store %arg15[%swap3A_1334, %swap3A_1335, %swap3A_1336, %swap3A_1337, %swap3A_1338], %swap3A_1341 {strides = array<i32>} : memref<3x50x2x5x64xf32, #tpu.memory_space<vmem>>, vector<1x50x1x1x64xf32>,
    %slice3A_1342 = vector.extract_strided_slice %get3A_1233 {offsets = [2, 0], sizes = [17, 80], strides = [1, 1]} : vector<21x80xf32> to vector<17x80xf32>
    %slice3A_1343 = vector.extract_strided_slice %slice3A_1342 {offsets = [0, 0], sizes = [17, 64], strides = [1, 1]} : vector<17x80xf32> to vector<17x64xf32>
    %slice3A_1344 = vector.extract_strided_slice %slice3A_1342 {offsets = [0, 1], sizes = [17, 64], strides = [1, 1]} : vector<17x80xf32> to vector<17x64xf32>
    %slice3A_1345 = vector.extract_strided_slice %slice3A_1342 {offsets = [0, 2], sizes = [17, 64], strides = [1, 1]} : vector<17x80xf32> to vector<17x64xf32>
    %slice3A_1346 = vector.extract_strided_slice %slice3A_1342 {offsets = [0, 3], sizes = [17, 64], strides = [1, 1]} : vector<17x80xf32> to vector<17x64xf32>
    %slice3A_1347 = vector.extract_strided_slice %slice3A_1342 {offsets = [0, 4], sizes = [17, 64], strides = [1, 1]} : vector<17x80xf32> to vector<17x64xf32>
    %slice3A_1348 = vector.extract_strided_slice %slice3A_1342 {offsets = [0, 5], sizes = [17, 64], strides = [1, 1]} : vector<17x80xf32> to vector<17x64xf32>
    %slice3A_1349 = vector.extract_strided_slice %slice3A_1342 {offsets = [0, 6], sizes = [17, 64], strides = [1, 1]} : vector<17x80xf32> to vector<17x64xf32>
    %slice3A_1350 = vector.extract_strided_slice %slice3A_1342 {offsets = [0, 7], sizes = [17, 64], strides = [1, 1]} : vector<17x80xf32> to vector<17x64xf32>
    %slice3A_1351 = vector.extract_strided_slice %slice3A_1342 {offsets = [0, 8], sizes = [17, 64], strides = [1, 1]} : vector<17x80xf32> to vector<17x64xf32>
    %slice3A_1352 = vector.extract_strided_slice %slice3A_1342 {offsets = [0, 9], sizes = [17, 64], strides = [1, 1]} : vector<17x80xf32> to vector<17x64xf32>
    %slice3A_1353 = vector.extract_strided_slice %slice3A_1342 {offsets = [0, 10], sizes = [17, 64], strides = [1, 1]} : vector<17x80xf32> to vector<17x64xf32>
    %slice3A_1354 = vector.extract_strided_slice %slice3A_1342 {offsets = [0, 11], sizes = [17, 64], strides = [1, 1]} : vector<17x80xf32> to vector<17x64xf32>
    %slice3A_1355 = vector.extract_strided_slice %slice3A_1342 {offsets = [0, 12], sizes = [17, 64], strides = [1, 1]} : vector<17x80xf32> to vector<17x64xf32>
    %slice3A_1356 = vector.extract_strided_slice %slice3A_1342 {offsets = [0, 13], sizes = [17, 64], strides = [1, 1]} : vector<17x80xf32> to vector<17x64xf32>
    %slice3A_1357 = vector.extract_strided_slice %slice3A_1342 {offsets = [0, 14], sizes = [17, 64], strides = [1, 1]} : vector<17x80xf32> to vector<17x64xf32>
    %slice3A_1358 = vector.extract_strided_slice %slice3A_1342 {offsets = [0, 15], sizes = [17, 64], strides = [1, 1]} : vector<17x80xf32> to vector<17x64xf32>
    %slice3A_1359 = vector.extract_strided_slice %slice3A_1342 {offsets = [0, 16], sizes = [17, 64], strides = [1, 1]} : vector<17x80xf32> to vector<17x64xf32>
    %stack3A_1360 = vector.shape_cast %slice3A_1343 : vector<17x64xf32> to vector<17x1x64xf32>
    %stack3A_1361 = vector.shape_cast %slice3A_1344 : vector<17x64xf32> to vector<17x1x64xf32>
    %stack3A_1362 = vector.shape_cast %slice3A_1345 : vector<17x64xf32> to vector<17x1x64xf32>
    %stack3A_1363 = vector.shape_cast %slice3A_1346 : vector<17x64xf32> to vector<17x1x64xf32>
    %stack3A_1364 = vector.shape_cast %slice3A_1347 : vector<17x64xf32> to vector<17x1x64xf32>
    %stack3A_1365 = vector.shape_cast %slice3A_1348 : vector<17x64xf32> to vector<17x1x64xf32>
    %stack3A_1366 = vector.shape_cast %slice3A_1349 : vector<17x64xf32> to vector<17x1x64xf32>
    %stack3A_1367 = vector.shape_cast %slice3A_1350 : vector<17x64xf32> to vector<17x1x64xf32>
    %stack3A_1368 = vector.shape_cast %slice3A_1351 : vector<17x64xf32> to vector<17x1x64xf32>
    %stack3A_1369 = vector.shape_cast %slice3A_1352 : vector<17x64xf32> to vector<17x1x64xf32>
    %stack3A_1370 = vector.shape_cast %slice3A_1353 : vector<17x64xf32> to vector<17x1x64xf32>
    %stack3A_1371 = vector.shape_cast %slice3A_1354 : vector<17x64xf32> to vector<17x1x64xf32>
    %stack3A_1372 = vector.shape_cast %slice3A_1355 : vector<17x64xf32> to vector<17x1x64xf32>
    %stack3A_1373 = vector.shape_cast %slice3A_1356 : vector<17x64xf32> to vector<17x1x64xf32>
    %stack3A_1374 = vector.shape_cast %slice3A_1357 : vector<17x64xf32> to vector<17x1x64xf32>
    %stack3A_1375 = vector.shape_cast %slice3A_1358 : vector<17x64xf32> to vector<17x1x64xf32>
    %stack3A_1376 = vector.shape_cast %slice3A_1359 : vector<17x64xf32> to vector<17x1x64xf32>
    %stack3A_1377 = tpu.concatenate %stack3A_1360, %stack3A_1361, %stack3A_1362, %stack3A_1363, %stack3A_1364, %stack3A_1365, %stack3A_1366, %stack3A_1367, %stack3A_1368, %stack3A_1369, %stack3A_1370, %stack3A_1371, %stack3A_1372, %stack3A_1373, %stack3A_1374, %stack3A_1375, %stack3A_1376 in 1 : vector<17x1x64xf32>, vector<17x1x64xf32>, vector<17x1x64xf32>, vector<17x1x64xf32>, vector<17x1x64xf32>, vector<17x1x64xf32>, vector<17x1x64xf32>, vector<17x1x64xf32>, vector<17x1x64xf32>, vector<17x1x64xf32>, vector<17x1x64xf32>, vector<17x1x64xf32>, vector<17x1x64xf32>, vector<17x1x64xf32>, vector<17x1x64xf32>, vector<17x1x64xf32>, vector<17x1x64xf32> -> vector<17x17x64xf32>
    %reshape3A_1378 = vector.shape_cast %stack3A_1377 : vector<17x17x64xf32> to vector<289x64xf32>
    %dot_general3A_1379 = arith.constant dense<0.000000e+00> : vector<50x64xf32>
    %dot_general3A_1380 = tpu.matmul %get3A_1238, %reshape3A_1378, %dot_general3A_1379 {dimension_numbers = #tpu.dot_dimension_numbers<[1], [0], [0], [1], [0, 0, 1, 1], [], []>, transpose_lhs_hint = false} : vector<50x289xf32>, vector<289x64xf32>, vector<50x64xf32> -> vector<50x64xf32>
    %add3A_1381 = vector.broadcast %get3A_1243 : vector<50x1xf32> to vector<50x64xf32>
    %add3A_1382 = arith.addf %dot_general3A_1380, %add3A_1381 : vector<50x64xf32>
    %swap3A_1383 = arith.constant 2 : index
    %swap3A_1384 = arith.constant 0 : index
    %swap3A_1385 = arith.constant 0 : index
    %swap3A_1386 = arith.constant 2 : index
    %swap3A_1387 = arith.constant 0 : index
    %swap3A_1388 = vector.load %arg15[%swap3A_1383, %swap3A_1384, %swap3A_1385, %swap3A_1386, %swap3A_1387] : memref<3x50x2x5x64xf32, #tpu.memory_space<vmem>>, vector<1x50x1x1x64xf32>
    %swap3A_1389 = vector.shape_cast %swap3A_1388 : vector<1x50x1x1x64xf32> to vector<50x64xf32>
    %swap3A_1390 = vector.shape_cast %add3A_1382 : vector<50x64xf32> to vector<1x50x1x1x64xf32>
    tpu.vector_store %arg15[%swap3A_1383, %swap3A_1384, %swap3A_1385, %swap3A_1386, %swap3A_1387], %swap3A_1390 {strides = array<i32>} : memref<3x50x2x5x64xf32, #tpu.memory_space<vmem>>, vector<1x50x1x1x64xf32>,
    %slice3A_1391 = vector.extract_strided_slice %get3A_1233 {offsets = [3, 0], sizes = [17, 80], strides = [1, 1]} : vector<21x80xf32> to vector<17x80xf32>
    %slice3A_1392 = vector.extract_strided_slice %slice3A_1391 {offsets = [0, 0], sizes = [17, 64], strides = [1, 1]} : vector<17x80xf32> to vector<17x64xf32>
    %slice3A_1393 = vector.extract_strided_slice %slice3A_1391 {offsets = [0, 1], sizes = [17, 64], strides = [1, 1]} : vector<17x80xf32> to vector<17x64xf32>
    %slice3A_1394 = vector.extract_strided_slice %slice3A_1391 {offsets = [0, 2], sizes = [17, 64], strides = [1, 1]} : vector<17x80xf32> to vector<17x64xf32>
    %slice3A_1395 = vector.extract_strided_slice %slice3A_1391 {offsets = [0, 3], sizes = [17, 64], strides = [1, 1]} : vector<17x80xf32> to vector<17x64xf32>
    %slice3A_1396 = vector.extract_strided_slice %slice3A_1391 {offsets = [0, 4], sizes = [17, 64], strides = [1, 1]} : vector<17x80xf32> to vector<17x64xf32>
    %slice3A_1397 = vector.extract_strided_slice %slice3A_1391 {offsets = [0, 5], sizes = [17, 64], strides = [1, 1]} : vector<17x80xf32> to vector<17x64xf32>
    %slice3A_1398 = vector.extract_strided_slice %slice3A_1391 {offsets = [0, 6], sizes = [17, 64], strides = [1, 1]} : vector<17x80xf32> to vector<17x64xf32>
    %slice3A_1399 = vector.extract_strided_slice %slice3A_1391 {offsets = [0, 7], sizes = [17, 64], strides = [1, 1]} : vector<17x80xf32> to vector<17x64xf32>
    %slice3A_1400 = vector.extract_strided_slice %slice3A_1391 {offsets = [0, 8], sizes = [17, 64], strides = [1, 1]} : vector<17x80xf32> to vector<17x64xf32>
    %slice3A_1401 = vector.extract_strided_slice %slice3A_1391 {offsets = [0, 9], sizes = [17, 64], strides = [1, 1]} : vector<17x80xf32> to vector<17x64xf32>
    %slice3A_1402 = vector.extract_strided_slice %slice3A_1391 {offsets = [0, 10], sizes = [17, 64], strides = [1, 1]} : vector<17x80xf32> to vector<17x64xf32>
    %slice3A_1403 = vector.extract_strided_slice %slice3A_1391 {offsets = [0, 11], sizes = [17, 64], strides = [1, 1]} : vector<17x80xf32> to vector<17x64xf32>
    %slice3A_1404 = vector.extract_strided_slice %slice3A_1391 {offsets = [0, 12], sizes = [17, 64], strides = [1, 1]} : vector<17x80xf32> to vector<17x64xf32>
    %slice3A_1405 = vector.extract_strided_slice %slice3A_1391 {offsets = [0, 13], sizes = [17, 64], strides = [1, 1]} : vector<17x80xf32> to vector<17x64xf32>
    %slice3A_1406 = vector.extract_strided_slice %slice3A_1391 {offsets = [0, 14], sizes = [17, 64], strides = [1, 1]} : vector<17x80xf32> to vector<17x64xf32>
    %slice3A_1407 = vector.extract_strided_slice %slice3A_1391 {offsets = [0, 15], sizes = [17, 64], strides = [1, 1]} : vector<17x80xf32> to vector<17x64xf32>
    %slice3A_1408 = vector.extract_strided_slice %slice3A_1391 {offsets = [0, 16], sizes = [17, 64], strides = [1, 1]} : vector<17x80xf32> to vector<17x64xf32>
    %stack3A_1409 = vector.shape_cast %slice3A_1392 : vector<17x64xf32> to vector<17x1x64xf32>
    %stack3A_1410 = vector.shape_cast %slice3A_1393 : vector<17x64xf32> to vector<17x1x64xf32>
    %stack3A_1411 = vector.shape_cast %slice3A_1394 : vector<17x64xf32> to vector<17x1x64xf32>
    %stack3A_1412 = vector.shape_cast %slice3A_1395 : vector<17x64xf32> to vector<17x1x64xf32>
    %stack3A_1413 = vector.shape_cast %slice3A_1396 : vector<17x64xf32> to vector<17x1x64xf32>
    %stack3A_1414 = vector.shape_cast %slice3A_1397 : vector<17x64xf32> to vector<17x1x64xf32>
    %stack3A_1415 = vector.shape_cast %slice3A_1398 : vector<17x64xf32> to vector<17x1x64xf32>
    %stack3A_1416 = vector.shape_cast %slice3A_1399 : vector<17x64xf32> to vector<17x1x64xf32>
    %stack3A_1417 = vector.shape_cast %slice3A_1400 : vector<17x64xf32> to vector<17x1x64xf32>
    %stack3A_1418 = vector.shape_cast %slice3A_1401 : vector<17x64xf32> to vector<17x1x64xf32>
    %stack3A_1419 = vector.shape_cast %slice3A_1402 : vector<17x64xf32> to vector<17x1x64xf32>
    %stack3A_1420 = vector.shape_cast %slice3A_1403 : vector<17x64xf32> to vector<17x1x64xf32>
    %stack3A_1421 = vector.shape_cast %slice3A_1404 : vector<17x64xf32> to vector<17x1x64xf32>
    %stack3A_1422 = vector.shape_cast %slice3A_1405 : vector<17x64xf32> to vector<17x1x64xf32>
    %stack3A_1423 = vector.shape_cast %slice3A_1406 : vector<17x64xf32> to vector<17x1x64xf32>
    %stack3A_1424 = vector.shape_cast %slice3A_1407 : vector<17x64xf32> to vector<17x1x64xf32>
    %stack3A_1425 = vector.shape_cast %slice3A_1408 : vector<17x64xf32> to vector<17x1x64xf32>
    %stack3A_1426 = tpu.concatenate %stack3A_1409, %stack3A_1410, %stack3A_1411, %stack3A_1412, %stack3A_1413, %stack3A_1414, %stack3A_1415, %stack3A_1416, %stack3A_1417, %stack3A_1418, %stack3A_1419, %stack3A_1420, %stack3A_1421, %stack3A_1422, %stack3A_1423, %stack3A_1424, %stack3A_1425 in 1 : vector<17x1x64xf32>, vector<17x1x64xf32>, vector<17x1x64xf32>, vector<17x1x64xf32>, vector<17x1x64xf32>, vector<17x1x64xf32>, vector<17x1x64xf32>, vector<17x1x64xf32>, vector<17x1x64xf32>, vector<17x1x64xf32>, vector<17x1x64xf32>, vector<17x1x64xf32>, vector<17x1x64xf32>, vector<17x1x64xf32>, vector<17x1x64xf32>, vector<17x1x64xf32>, vector<17x1x64xf32> -> vector<17x17x64xf32>
    %reshape3A_1427 = vector.shape_cast %stack3A_1426 : vector<17x17x64xf32> to vector<289x64xf32>
    %dot_general3A_1428 = arith.constant dense<0.000000e+00> : vector<50x64xf32>
    %dot_general3A_1429 = tpu.matmul %get3A_1238, %reshape3A_1427, %dot_general3A_1428 {dimension_numbers = #tpu.dot_dimension_numbers<[1], [0], [0], [1], [0, 0, 1, 1], [], []>, transpose_lhs_hint = false} : vector<50x289xf32>, vector<289x64xf32>, vector<50x64xf32> -> vector<50x64xf32>
    %add3A_1430 = vector.broadcast %get3A_1243 : vector<50x1xf32> to vector<50x64xf32>
    %add3A_1431 = arith.addf %dot_general3A_1429, %add3A_1430 : vector<50x64xf32>
    %swap3A_1432 = arith.constant 2 : index
    %swap3A_1433 = arith.constant 0 : index
    %swap3A_1434 = arith.constant 0 : index
    %swap3A_1435 = arith.constant 3 : index
    %swap3A_1436 = arith.constant 0 : index
    %swap3A_1437 = vector.load %arg15[%swap3A_1432, %swap3A_1433, %swap3A_1434, %swap3A_1435, %swap3A_1436] : memref<3x50x2x5x64xf32, #tpu.memory_space<vmem>>, vector<1x50x1x1x64xf32>
    %swap3A_1438 = vector.shape_cast %swap3A_1437 : vector<1x50x1x1x64xf32> to vector<50x64xf32>
    %swap3A_1439 = vector.shape_cast %add3A_1431 : vector<50x64xf32> to vector<1x50x1x1x64xf32>
    tpu.vector_store %arg15[%swap3A_1432, %swap3A_1433, %swap3A_1434, %swap3A_1435, %swap3A_1436], %swap3A_1439 {strides = array<i32>} : memref<3x50x2x5x64xf32, #tpu.memory_space<vmem>>, vector<1x50x1x1x64xf32>,
    %slice3A_1440 = vector.extract_strided_slice %get3A_1233 {offsets = [4, 0], sizes = [17, 80], strides = [1, 1]} : vector<21x80xf32> to vector<17x80xf32>
    %slice3A_1441 = vector.extract_strided_slice %slice3A_1440 {offsets = [0, 0], sizes = [17, 64], strides = [1, 1]} : vector<17x80xf32> to vector<17x64xf32>
    %slice3A_1442 = vector.extract_strided_slice %slice3A_1440 {offsets = [0, 1], sizes = [17, 64], strides = [1, 1]} : vector<17x80xf32> to vector<17x64xf32>
    %slice3A_1443 = vector.extract_strided_slice %slice3A_1440 {offsets = [0, 2], sizes = [17, 64], strides = [1, 1]} : vector<17x80xf32> to vector<17x64xf32>
    %slice3A_1444 = vector.extract_strided_slice %slice3A_1440 {offsets = [0, 3], sizes = [17, 64], strides = [1, 1]} : vector<17x80xf32> to vector<17x64xf32>
    %slice3A_1445 = vector.extract_strided_slice %slice3A_1440 {offsets = [0, 4], sizes = [17, 64], strides = [1, 1]} : vector<17x80xf32> to vector<17x64xf32>
    %slice3A_1446 = vector.extract_strided_slice %slice3A_1440 {offsets = [0, 5], sizes = [17, 64], strides = [1, 1]} : vector<17x80xf32> to vector<17x64xf32>
    %slice3A_1447 = vector.extract_strided_slice %slice3A_1440 {offsets = [0, 6], sizes = [17, 64], strides = [1, 1]} : vector<17x80xf32> to vector<17x64xf32>
    %slice3A_1448 = vector.extract_strided_slice %slice3A_1440 {offsets = [0, 7], sizes = [17, 64], strides = [1, 1]} : vector<17x80xf32> to vector<17x64xf32>
    %slice3A_1449 = vector.extract_strided_slice %slice3A_1440 {offsets = [0, 8], sizes = [17, 64], strides = [1, 1]} : vector<17x80xf32> to vector<17x64xf32>
    %slice3A_1450 = vector.extract_strided_slice %slice3A_1440 {offsets = [0, 9], sizes = [17, 64], strides = [1, 1]} : vector<17x80xf32> to vector<17x64xf32>
    %slice3A_1451 = vector.extract_strided_slice %slice3A_1440 {offsets = [0, 10], sizes = [17, 64], strides = [1, 1]} : vector<17x80xf32> to vector<17x64xf32>
    %slice3A_1452 = vector.extract_strided_slice %slice3A_1440 {offsets = [0, 11], sizes = [17, 64], strides = [1, 1]} : vector<17x80xf32> to vector<17x64xf32>
    %slice3A_1453 = vector.extract_strided_slice %slice3A_1440 {offsets = [0, 12], sizes = [17, 64], strides = [1, 1]} : vector<17x80xf32> to vector<17x64xf32>
    %slice3A_1454 = vector.extract_strided_slice %slice3A_1440 {offsets = [0, 13], sizes = [17, 64], strides = [1, 1]} : vector<17x80xf32> to vector<17x64xf32>
    %slice3A_1455 = vector.extract_strided_slice %slice3A_1440 {offsets = [0, 14], sizes = [17, 64], strides = [1, 1]} : vector<17x80xf32> to vector<17x64xf32>
    %slice3A_1456 = vector.extract_strided_slice %slice3A_1440 {offsets = [0, 15], sizes = [17, 64], strides = [1, 1]} : vector<17x80xf32> to vector<17x64xf32>
    %slice3A_1457 = vector.extract_strided_slice %slice3A_1440 {offsets = [0, 16], sizes = [17, 64], strides = [1, 1]} : vector<17x80xf32> to vector<17x64xf32>
    %stack3A_1458 = vector.shape_cast %slice3A_1441 : vector<17x64xf32> to vector<17x1x64xf32>
    %stack3A_1459 = vector.shape_cast %slice3A_1442 : vector<17x64xf32> to vector<17x1x64xf32>
    %stack3A_1460 = vector.shape_cast %slice3A_1443 : vector<17x64xf32> to vector<17x1x64xf32>
    %stack3A_1461 = vector.shape_cast %slice3A_1444 : vector<17x64xf32> to vector<17x1x64xf32>
    %stack3A_1462 = vector.shape_cast %slice3A_1445 : vector<17x64xf32> to vector<17x1x64xf32>
    %stack3A_1463 = vector.shape_cast %slice3A_1446 : vector<17x64xf32> to vector<17x1x64xf32>
    %stack3A_1464 = vector.shape_cast %slice3A_1447 : vector<17x64xf32> to vector<17x1x64xf32>
    %stack3A_1465 = vector.shape_cast %slice3A_1448 : vector<17x64xf32> to vector<17x1x64xf32>
    %stack3A_1466 = vector.shape_cast %slice3A_1449 : vector<17x64xf32> to vector<17x1x64xf32>
    %stack3A_1467 = vector.shape_cast %slice3A_1450 : vector<17x64xf32> to vector<17x1x64xf32>
    %stack3A_1468 = vector.shape_cast %slice3A_1451 : vector<17x64xf32> to vector<17x1x64xf32>
    %stack3A_1469 = vector.shape_cast %slice3A_1452 : vector<17x64xf32> to vector<17x1x64xf32>
    %stack3A_1470 = vector.shape_cast %slice3A_1453 : vector<17x64xf32> to vector<17x1x64xf32>
    %stack3A_1471 = vector.shape_cast %slice3A_1454 : vector<17x64xf32> to vector<17x1x64xf32>
    %stack3A_1472 = vector.shape_cast %slice3A_1455 : vector<17x64xf32> to vector<17x1x64xf32>
    %stack3A_1473 = vector.shape_cast %slice3A_1456 : vector<17x64xf32> to vector<17x1x64xf32>
    %stack3A_1474 = vector.shape_cast %slice3A_1457 : vector<17x64xf32> to vector<17x1x64xf32>
    %stack3A_1475 = tpu.concatenate %stack3A_1458, %stack3A_1459, %stack3A_1460, %stack3A_1461, %stack3A_1462, %stack3A_1463, %stack3A_1464, %stack3A_1465, %stack3A_1466, %stack3A_1467, %stack3A_1468, %stack3A_1469, %stack3A_1470, %stack3A_1471, %stack3A_1472, %stack3A_1473, %stack3A_1474 in 1 : vector<17x1x64xf32>, vector<17x1x64xf32>, vector<17x1x64xf32>, vector<17x1x64xf32>, vector<17x1x64xf32>, vector<17x1x64xf32>, vector<17x1x64xf32>, vector<17x1x64xf32>, vector<17x1x64xf32>, vector<17x1x64xf32>, vector<17x1x64xf32>, vector<17x1x64xf32>, vector<17x1x64xf32>, vector<17x1x64xf32>, vector<17x1x64xf32>, vector<17x1x64xf32>, vector<17x1x64xf32> -> vector<17x17x64xf32>
    %reshape3A_1476 = vector.shape_cast %stack3A_1475 : vector<17x17x64xf32> to vector<289x64xf32>
    %dot_general3A_1477 = arith.constant dense<0.000000e+00> : vector<50x64xf32>
    %dot_general3A_1478 = tpu.matmul %get3A_1238, %reshape3A_1476, %dot_general3A_1477 {dimension_numbers = #tpu.dot_dimension_numbers<[1], [0], [0], [1], [0, 0, 1, 1], [], []>, transpose_lhs_hint = false} : vector<50x289xf32>, vector<289x64xf32>, vector<50x64xf32> -> vector<50x64xf32>
    %add3A_1479 = vector.broadcast %get3A_1243 : vector<50x1xf32> to vector<50x64xf32>
    %add3A_1480 = arith.addf %dot_general3A_1478, %add3A_1479 : vector<50x64xf32>
    %swap3A_1481 = arith.constant 2 : index
    %swap3A_1482 = arith.constant 0 : index
    %swap3A_1483 = arith.constant 0 : index
    %swap3A_1484 = arith.constant 4 : index
    %swap3A_1485 = arith.constant 0 : index
    %swap3A_1486 = vector.load %arg15[%swap3A_1481, %swap3A_1482, %swap3A_1483, %swap3A_1484, %swap3A_1485] : memref<3x50x2x5x64xf32, #tpu.memory_space<vmem>>, vector<1x50x1x1x64xf32>
    %swap3A_1487 = vector.shape_cast %swap3A_1486 : vector<1x50x1x1x64xf32> to vector<50x64xf32>
    %swap3A_1488 = vector.shape_cast %add3A_1480 : vector<50x64xf32> to vector<1x50x1x1x64xf32>
    tpu.vector_store %arg15[%swap3A_1481, %swap3A_1482, %swap3A_1483, %swap3A_1484, %swap3A_1485], %swap3A_1488 {strides = array<i32>} : memref<3x50x2x5x64xf32, #tpu.memory_space<vmem>>, vector<1x50x1x1x64xf32>,
    %get3A_1489 = arith.constant 5 : index
    %get3A_1490 = arith.constant 0 : index
    %get3A_1491 = arith.constant 0 : index
    %get3A_1492 = vector.load %arg7[%get3A_1489, %get3A_1490, %get3A_1491] : memref<6x21x80xf32, #tpu.memory_space<vmem>>, vector<1x21x80xf32>
    %get3A_1493 = vector.shape_cast %get3A_1492 : vector<1x21x80xf32> to vector<21x80xf32>
    %get3A_1494 = arith.constant 5 : index
    %get3A_1495 = arith.constant 0 : index
    %get3A_1496 = arith.constant 0 : index
    %get3A_1497 = vector.load %arg8[%get3A_1494, %get3A_1495, %get3A_1496] : memref<6x50x289xf32, #tpu.memory_space<vmem>>, vector<1x50x289xf32>
    %get3A_1498 = vector.shape_cast %get3A_1497 : vector<1x50x289xf32> to vector<50x289xf32>
    %get3A_1499 = arith.constant 5 : index
    %get3A_1500 = arith.constant 0 : index
    %get3A_1501 = arith.constant 0 : index
    %get3A_1502 = vector.load %arg9[%get3A_1499, %get3A_1500, %get3A_1501] : memref<6x50x1xf32, #tpu.memory_space<vmem>>, vector<1x50x1xf32>
    %get3A_1503 = vector.shape_cast %get3A_1502 : vector<1x50x1xf32> to vector<50x1xf32>
    %slice3A_1504 = vector.extract_strided_slice %get3A_1493 {offsets = [0, 0], sizes = [17, 80], strides = [1, 1]} : vector<21x80xf32> to vector<17x80xf32>
    %slice3A_1505 = vector.extract_strided_slice %slice3A_1504 {offsets = [0, 0], sizes = [17, 64], strides = [1, 1]} : vector<17x80xf32> to vector<17x64xf32>
    %slice3A_1506 = vector.extract_strided_slice %slice3A_1504 {offsets = [0, 1], sizes = [17, 64], strides = [1, 1]} : vector<17x80xf32> to vector<17x64xf32>
    %slice3A_1507 = vector.extract_strided_slice %slice3A_1504 {offsets = [0, 2], sizes = [17, 64], strides = [1, 1]} : vector<17x80xf32> to vector<17x64xf32>
    %slice3A_1508 = vector.extract_strided_slice %slice3A_1504 {offsets = [0, 3], sizes = [17, 64], strides = [1, 1]} : vector<17x80xf32> to vector<17x64xf32>
    %slice3A_1509 = vector.extract_strided_slice %slice3A_1504 {offsets = [0, 4], sizes = [17, 64], strides = [1, 1]} : vector<17x80xf32> to vector<17x64xf32>
    %slice3A_1510 = vector.extract_strided_slice %slice3A_1504 {offsets = [0, 5], sizes = [17, 64], strides = [1, 1]} : vector<17x80xf32> to vector<17x64xf32>
    %slice3A_1511 = vector.extract_strided_slice %slice3A_1504 {offsets = [0, 6], sizes = [17, 64], strides = [1, 1]} : vector<17x80xf32> to vector<17x64xf32>
    %slice3A_1512 = vector.extract_strided_slice %slice3A_1504 {offsets = [0, 7], sizes = [17, 64], strides = [1, 1]} : vector<17x80xf32> to vector<17x64xf32>
    %slice3A_1513 = vector.extract_strided_slice %slice3A_1504 {offsets = [0, 8], sizes = [17, 64], strides = [1, 1]} : vector<17x80xf32> to vector<17x64xf32>
    %slice3A_1514 = vector.extract_strided_slice %slice3A_1504 {offsets = [0, 9], sizes = [17, 64], strides = [1, 1]} : vector<17x80xf32> to vector<17x64xf32>
    %slice3A_1515 = vector.extract_strided_slice %slice3A_1504 {offsets = [0, 10], sizes = [17, 64], strides = [1, 1]} : vector<17x80xf32> to vector<17x64xf32>
    %slice3A_1516 = vector.extract_strided_slice %slice3A_1504 {offsets = [0, 11], sizes = [17, 64], strides = [1, 1]} : vector<17x80xf32> to vector<17x64xf32>
    %slice3A_1517 = vector.extract_strided_slice %slice3A_1504 {offsets = [0, 12], sizes = [17, 64], strides = [1, 1]} : vector<17x80xf32> to vector<17x64xf32>
    %slice3A_1518 = vector.extract_strided_slice %slice3A_1504 {offsets = [0, 13], sizes = [17, 64], strides = [1, 1]} : vector<17x80xf32> to vector<17x64xf32>
    %slice3A_1519 = vector.extract_strided_slice %slice3A_1504 {offsets = [0, 14], sizes = [17, 64], strides = [1, 1]} : vector<17x80xf32> to vector<17x64xf32>
    %slice3A_1520 = vector.extract_strided_slice %slice3A_1504 {offsets = [0, 15], sizes = [17, 64], strides = [1, 1]} : vector<17x80xf32> to vector<17x64xf32>
    %slice3A_1521 = vector.extract_strided_slice %slice3A_1504 {offsets = [0, 16], sizes = [17, 64], strides = [1, 1]} : vector<17x80xf32> to vector<17x64xf32>
    %stack3A_1522 = vector.shape_cast %slice3A_1505 : vector<17x64xf32> to vector<17x1x64xf32>
    %stack3A_1523 = vector.shape_cast %slice3A_1506 : vector<17x64xf32> to vector<17x1x64xf32>
    %stack3A_1524 = vector.shape_cast %slice3A_1507 : vector<17x64xf32> to vector<17x1x64xf32>
    %stack3A_1525 = vector.shape_cast %slice3A_1508 : vector<17x64xf32> to vector<17x1x64xf32>
    %stack3A_1526 = vector.shape_cast %slice3A_1509 : vector<17x64xf32> to vector<17x1x64xf32>
    %stack3A_1527 = vector.shape_cast %slice3A_1510 : vector<17x64xf32> to vector<17x1x64xf32>
    %stack3A_1528 = vector.shape_cast %slice3A_1511 : vector<17x64xf32> to vector<17x1x64xf32>
    %stack3A_1529 = vector.shape_cast %slice3A_1512 : vector<17x64xf32> to vector<17x1x64xf32>
    %stack3A_1530 = vector.shape_cast %slice3A_1513 : vector<17x64xf32> to vector<17x1x64xf32>
    %stack3A_1531 = vector.shape_cast %slice3A_1514 : vector<17x64xf32> to vector<17x1x64xf32>
    %stack3A_1532 = vector.shape_cast %slice3A_1515 : vector<17x64xf32> to vector<17x1x64xf32>
    %stack3A_1533 = vector.shape_cast %slice3A_1516 : vector<17x64xf32> to vector<17x1x64xf32>
    %stack3A_1534 = vector.shape_cast %slice3A_1517 : vector<17x64xf32> to vector<17x1x64xf32>
    %stack3A_1535 = vector.shape_cast %slice3A_1518 : vector<17x64xf32> to vector<17x1x64xf32>
    %stack3A_1536 = vector.shape_cast %slice3A_1519 : vector<17x64xf32> to vector<17x1x64xf32>
    %stack3A_1537 = vector.shape_cast %slice3A_1520 : vector<17x64xf32> to vector<17x1x64xf32>
    %stack3A_1538 = vector.shape_cast %slice3A_1521 : vector<17x64xf32> to vector<17x1x64xf32>
    %stack3A_1539 = tpu.concatenate %stack3A_1522, %stack3A_1523, %stack3A_1524, %stack3A_1525, %stack3A_1526, %stack3A_1527, %stack3A_1528, %stack3A_1529, %stack3A_1530, %stack3A_1531, %stack3A_1532, %stack3A_1533, %stack3A_1534, %stack3A_1535, %stack3A_1536, %stack3A_1537, %stack3A_1538 in 1 : vector<17x1x64xf32>, vector<17x1x64xf32>, vector<17x1x64xf32>, vector<17x1x64xf32>, vector<17x1x64xf32>, vector<17x1x64xf32>, vector<17x1x64xf32>, vector<17x1x64xf32>, vector<17x1x64xf32>, vector<17x1x64xf32>, vector<17x1x64xf32>, vector<17x1x64xf32>, vector<17x1x64xf32>, vector<17x1x64xf32>, vector<17x1x64xf32>, vector<17x1x64xf32>, vector<17x1x64xf32> -> vector<17x17x64xf32>
    %reshape3A_1540 = vector.shape_cast %stack3A_1539 : vector<17x17x64xf32> to vector<289x64xf32>
    %dot_general3A_1541 = arith.constant dense<0.000000e+00> : vector<50x64xf32>
    %dot_general3A_1542 = tpu.matmul %get3A_1498, %reshape3A_1540, %dot_general3A_1541 {dimension_numbers = #tpu.dot_dimension_numbers<[1], [0], [0], [1], [0, 0, 1, 1], [], []>, transpose_lhs_hint = false} : vector<50x289xf32>, vector<289x64xf32>, vector<50x64xf32> -> vector<50x64xf32>
    %add3A_1543 = vector.broadcast %get3A_1503 : vector<50x1xf32> to vector<50x64xf32>
    %add3A_1544 = arith.addf %dot_general3A_1542, %add3A_1543 : vector<50x64xf32>
    %swap3A_1545 = arith.constant 2 : index
    %swap3A_1546 = arith.constant 0 : index
    %swap3A_1547 = arith.constant 1 : index
    %swap3A_1548 = arith.constant 0 : index
    %swap3A_1549 = arith.constant 0 : index
    %swap3A_1550 = vector.load %arg15[%swap3A_1545, %swap3A_1546, %swap3A_1547, %swap3A_1548, %swap3A_1549] : memref<3x50x2x5x64xf32, #tpu.memory_space<vmem>>, vector<1x50x1x1x64xf32>
    %swap3A_1551 = vector.shape_cast %swap3A_1550 : vector<1x50x1x1x64xf32> to vector<50x64xf32>
    %swap3A_1552 = vector.shape_cast %add3A_1544 : vector<50x64xf32> to vector<1x50x1x1x64xf32>
    tpu.vector_store %arg15[%swap3A_1545, %swap3A_1546, %swap3A_1547, %swap3A_1548, %swap3A_1549], %swap3A_1552 {strides = array<i32>} : memref<3x50x2x5x64xf32, #tpu.memory_space<vmem>>, vector<1x50x1x1x64xf32>,
    %slice3A_1553 = vector.extract_strided_slice %get3A_1493 {offsets = [1, 0], sizes = [17, 80], strides = [1, 1]} : vector<21x80xf32> to vector<17x80xf32>
    %slice3A_1554 = vector.extract_strided_slice %slice3A_1553 {offsets = [0, 0], sizes = [17, 64], strides = [1, 1]} : vector<17x80xf32> to vector<17x64xf32>
    %slice3A_1555 = vector.extract_strided_slice %slice3A_1553 {offsets = [0, 1], sizes = [17, 64], strides = [1, 1]} : vector<17x80xf32> to vector<17x64xf32>
    %slice3A_1556 = vector.extract_strided_slice %slice3A_1553 {offsets = [0, 2], sizes = [17, 64], strides = [1, 1]} : vector<17x80xf32> to vector<17x64xf32>
    %slice3A_1557 = vector.extract_strided_slice %slice3A_1553 {offsets = [0, 3], sizes = [17, 64], strides = [1, 1]} : vector<17x80xf32> to vector<17x64xf32>
    %slice3A_1558 = vector.extract_strided_slice %slice3A_1553 {offsets = [0, 4], sizes = [17, 64], strides = [1, 1]} : vector<17x80xf32> to vector<17x64xf32>
    %slice3A_1559 = vector.extract_strided_slice %slice3A_1553 {offsets = [0, 5], sizes = [17, 64], strides = [1, 1]} : vector<17x80xf32> to vector<17x64xf32>
    %slice3A_1560 = vector.extract_strided_slice %slice3A_1553 {offsets = [0, 6], sizes = [17, 64], strides = [1, 1]} : vector<17x80xf32> to vector<17x64xf32>
    %slice3A_1561 = vector.extract_strided_slice %slice3A_1553 {offsets = [0, 7], sizes = [17, 64], strides = [1, 1]} : vector<17x80xf32> to vector<17x64xf32>
    %slice3A_1562 = vector.extract_strided_slice %slice3A_1553 {offsets = [0, 8], sizes = [17, 64], strides = [1, 1]} : vector<17x80xf32> to vector<17x64xf32>
    %slice3A_1563 = vector.extract_strided_slice %slice3A_1553 {offsets = [0, 9], sizes = [17, 64], strides = [1, 1]} : vector<17x80xf32> to vector<17x64xf32>
    %slice3A_1564 = vector.extract_strided_slice %slice3A_1553 {offsets = [0, 10], sizes = [17, 64], strides = [1, 1]} : vector<17x80xf32> to vector<17x64xf32>
    %slice3A_1565 = vector.extract_strided_slice %slice3A_1553 {offsets = [0, 11], sizes = [17, 64], strides = [1, 1]} : vector<17x80xf32> to vector<17x64xf32>
    %slice3A_1566 = vector.extract_strided_slice %slice3A_1553 {offsets = [0, 12], sizes = [17, 64], strides = [1, 1]} : vector<17x80xf32> to vector<17x64xf32>
    %slice3A_1567 = vector.extract_strided_slice %slice3A_1553 {offsets = [0, 13], sizes = [17, 64], strides = [1, 1]} : vector<17x80xf32> to vector<17x64xf32>
    %slice3A_1568 = vector.extract_strided_slice %slice3A_1553 {offsets = [0, 14], sizes = [17, 64], strides = [1, 1]} : vector<17x80xf32> to vector<17x64xf32>
    %slice3A_1569 = vector.extract_strided_slice %slice3A_1553 {offsets = [0, 15], sizes = [17, 64], strides = [1, 1]} : vector<17x80xf32> to vector<17x64xf32>
    %slice3A_1570 = vector.extract_strided_slice %slice3A_1553 {offsets = [0, 16], sizes = [17, 64], strides = [1, 1]} : vector<17x80xf32> to vector<17x64xf32>
    %stack3A_1571 = vector.shape_cast %slice3A_1554 : vector<17x64xf32> to vector<17x1x64xf32>
    %stack3A_1572 = vector.shape_cast %slice3A_1555 : vector<17x64xf32> to vector<17x1x64xf32>
    %stack3A_1573 = vector.shape_cast %slice3A_1556 : vector<17x64xf32> to vector<17x1x64xf32>
    %stack3A_1574 = vector.shape_cast %slice3A_1557 : vector<17x64xf32> to vector<17x1x64xf32>
    %stack3A_1575 = vector.shape_cast %slice3A_1558 : vector<17x64xf32> to vector<17x1x64xf32>
    %stack3A_1576 = vector.shape_cast %slice3A_1559 : vector<17x64xf32> to vector<17x1x64xf32>
    %stack3A_1577 = vector.shape_cast %slice3A_1560 : vector<17x64xf32> to vector<17x1x64xf32>
    %stack3A_1578 = vector.shape_cast %slice3A_1561 : vector<17x64xf32> to vector<17x1x64xf32>
    %stack3A_1579 = vector.shape_cast %slice3A_1562 : vector<17x64xf32> to vector<17x1x64xf32>
    %stack3A_1580 = vector.shape_cast %slice3A_1563 : vector<17x64xf32> to vector<17x1x64xf32>
    %stack3A_1581 = vector.shape_cast %slice3A_1564 : vector<17x64xf32> to vector<17x1x64xf32>
    %stack3A_1582 = vector.shape_cast %slice3A_1565 : vector<17x64xf32> to vector<17x1x64xf32>
    %stack3A_1583 = vector.shape_cast %slice3A_1566 : vector<17x64xf32> to vector<17x1x64xf32>
    %stack3A_1584 = vector.shape_cast %slice3A_1567 : vector<17x64xf32> to vector<17x1x64xf32>
    %stack3A_1585 = vector.shape_cast %slice3A_1568 : vector<17x64xf32> to vector<17x1x64xf32>
    %stack3A_1586 = vector.shape_cast %slice3A_1569 : vector<17x64xf32> to vector<17x1x64xf32>
    %stack3A_1587 = vector.shape_cast %slice3A_1570 : vector<17x64xf32> to vector<17x1x64xf32>
    %stack3A_1588 = tpu.concatenate %stack3A_1571, %stack3A_1572, %stack3A_1573, %stack3A_1574, %stack3A_1575, %stack3A_1576, %stack3A_1577, %stack3A_1578, %stack3A_1579, %stack3A_1580, %stack3A_1581, %stack3A_1582, %stack3A_1583, %stack3A_1584, %stack3A_1585, %stack3A_1586, %stack3A_1587 in 1 : vector<17x1x64xf32>, vector<17x1x64xf32>, vector<17x1x64xf32>, vector<17x1x64xf32>, vector<17x1x64xf32>, vector<17x1x64xf32>, vector<17x1x64xf32>, vector<17x1x64xf32>, vector<17x1x64xf32>, vector<17x1x64xf32>, vector<17x1x64xf32>, vector<17x1x64xf32>, vector<17x1x64xf32>, vector<17x1x64xf32>, vector<17x1x64xf32>, vector<17x1x64xf32>, vector<17x1x64xf32> -> vector<17x17x64xf32>
    %reshape3A_1589 = vector.shape_cast %stack3A_1588 : vector<17x17x64xf32> to vector<289x64xf32>
    %dot_general3A_1590 = arith.constant dense<0.000000e+00> : vector<50x64xf32>
    %dot_general3A_1591 = tpu.matmul %get3A_1498, %reshape3A_1589, %dot_general3A_1590 {dimension_numbers = #tpu.dot_dimension_numbers<[1], [0], [0], [1], [0, 0, 1, 1], [], []>, transpose_lhs_hint = false} : vector<50x289xf32>, vector<289x64xf32>, vector<50x64xf32> -> vector<50x64xf32>
    %add3A_1592 = vector.broadcast %get3A_1503 : vector<50x1xf32> to vector<50x64xf32>
    %add3A_1593 = arith.addf %dot_general3A_1591, %add3A_1592 : vector<50x64xf32>
    %swap3A_1594 = arith.constant 2 : index
    %swap3A_1595 = arith.constant 0 : index
    %swap3A_1596 = arith.constant 1 : index
    %swap3A_1597 = arith.constant 1 : index
    %swap3A_1598 = arith.constant 0 : index
    %swap3A_1599 = vector.load %arg15[%swap3A_1594, %swap3A_1595, %swap3A_1596, %swap3A_1597, %swap3A_1598] : memref<3x50x2x5x64xf32, #tpu.memory_space<vmem>>, vector<1x50x1x1x64xf32>
    %swap3A_1600 = vector.shape_cast %swap3A_1599 : vector<1x50x1x1x64xf32> to vector<50x64xf32>
    %swap3A_1601 = vector.shape_cast %add3A_1593 : vector<50x64xf32> to vector<1x50x1x1x64xf32>
    tpu.vector_store %arg15[%swap3A_1594, %swap3A_1595, %swap3A_1596, %swap3A_1597, %swap3A_1598], %swap3A_1601 {strides = array<i32>} : memref<3x50x2x5x64xf32, #tpu.memory_space<vmem>>, vector<1x50x1x1x64xf32>,
    %slice3A_1602 = vector.extract_strided_slice %get3A_1493 {offsets = [2, 0], sizes = [17, 80], strides = [1, 1]} : vector<21x80xf32> to vector<17x80xf32>
    %slice3A_1603 = vector.extract_strided_slice %slice3A_1602 {offsets = [0, 0], sizes = [17, 64], strides = [1, 1]} : vector<17x80xf32> to vector<17x64xf32>
    %slice3A_1604 = vector.extract_strided_slice %slice3A_1602 {offsets = [0, 1], sizes = [17, 64], strides = [1, 1]} : vector<17x80xf32> to vector<17x64xf32>
    %slice3A_1605 = vector.extract_strided_slice %slice3A_1602 {offsets = [0, 2], sizes = [17, 64], strides = [1, 1]} : vector<17x80xf32> to vector<17x64xf32>
    %slice3A_1606 = vector.extract_strided_slice %slice3A_1602 {offsets = [0, 3], sizes = [17, 64], strides = [1, 1]} : vector<17x80xf32> to vector<17x64xf32>
    %slice3A_1607 = vector.extract_strided_slice %slice3A_1602 {offsets = [0, 4], sizes = [17, 64], strides = [1, 1]} : vector<17x80xf32> to vector<17x64xf32>
    %slice3A_1608 = vector.extract_strided_slice %slice3A_1602 {offsets = [0, 5], sizes = [17, 64], strides = [1, 1]} : vector<17x80xf32> to vector<17x64xf32>
    %slice3A_1609 = vector.extract_strided_slice %slice3A_1602 {offsets = [0, 6], sizes = [17, 64], strides = [1, 1]} : vector<17x80xf32> to vector<17x64xf32>
    %slice3A_1610 = vector.extract_strided_slice %slice3A_1602 {offsets = [0, 7], sizes = [17, 64], strides = [1, 1]} : vector<17x80xf32> to vector<17x64xf32>
    %slice3A_1611 = vector.extract_strided_slice %slice3A_1602 {offsets = [0, 8], sizes = [17, 64], strides = [1, 1]} : vector<17x80xf32> to vector<17x64xf32>
    %slice3A_1612 = vector.extract_strided_slice %slice3A_1602 {offsets = [0, 9], sizes = [17, 64], strides = [1, 1]} : vector<17x80xf32> to vector<17x64xf32>
    %slice3A_1613 = vector.extract_strided_slice %slice3A_1602 {offsets = [0, 10], sizes = [17, 64], strides = [1, 1]} : vector<17x80xf32> to vector<17x64xf32>
    %slice3A_1614 = vector.extract_strided_slice %slice3A_1602 {offsets = [0, 11], sizes = [17, 64], strides = [1, 1]} : vector<17x80xf32> to vector<17x64xf32>
    %slice3A_1615 = vector.extract_strided_slice %slice3A_1602 {offsets = [0, 12], sizes = [17, 64], strides = [1, 1]} : vector<17x80xf32> to vector<17x64xf32>
    %slice3A_1616 = vector.extract_strided_slice %slice3A_1602 {offsets = [0, 13], sizes = [17, 64], strides = [1, 1]} : vector<17x80xf32> to vector<17x64xf32>
    %slice3A_1617 = vector.extract_strided_slice %slice3A_1602 {offsets = [0, 14], sizes = [17, 64], strides = [1, 1]} : vector<17x80xf32> to vector<17x64xf32>
    %slice3A_1618 = vector.extract_strided_slice %slice3A_1602 {offsets = [0, 15], sizes = [17, 64], strides = [1, 1]} : vector<17x80xf32> to vector<17x64xf32>
    %slice3A_1619 = vector.extract_strided_slice %slice3A_1602 {offsets = [0, 16], sizes = [17, 64], strides = [1, 1]} : vector<17x80xf32> to vector<17x64xf32>
    %stack3A_1620 = vector.shape_cast %slice3A_1603 : vector<17x64xf32> to vector<17x1x64xf32>
    %stack3A_1621 = vector.shape_cast %slice3A_1604 : vector<17x64xf32> to vector<17x1x64xf32>
    %stack3A_1622 = vector.shape_cast %slice3A_1605 : vector<17x64xf32> to vector<17x1x64xf32>
    %stack3A_1623 = vector.shape_cast %slice3A_1606 : vector<17x64xf32> to vector<17x1x64xf32>
    %stack3A_1624 = vector.shape_cast %slice3A_1607 : vector<17x64xf32> to vector<17x1x64xf32>
    %stack3A_1625 = vector.shape_cast %slice3A_1608 : vector<17x64xf32> to vector<17x1x64xf32>
    %stack3A_1626 = vector.shape_cast %slice3A_1609 : vector<17x64xf32> to vector<17x1x64xf32>
    %stack3A_1627 = vector.shape_cast %slice3A_1610 : vector<17x64xf32> to vector<17x1x64xf32>
    %stack3A_1628 = vector.shape_cast %slice3A_1611 : vector<17x64xf32> to vector<17x1x64xf32>
    %stack3A_1629 = vector.shape_cast %slice3A_1612 : vector<17x64xf32> to vector<17x1x64xf32>
    %stack3A_1630 = vector.shape_cast %slice3A_1613 : vector<17x64xf32> to vector<17x1x64xf32>
    %stack3A_1631 = vector.shape_cast %slice3A_1614 : vector<17x64xf32> to vector<17x1x64xf32>
    %stack3A_1632 = vector.shape_cast %slice3A_1615 : vector<17x64xf32> to vector<17x1x64xf32>
    %stack3A_1633 = vector.shape_cast %slice3A_1616 : vector<17x64xf32> to vector<17x1x64xf32>
    %stack3A_1634 = vector.shape_cast %slice3A_1617 : vector<17x64xf32> to vector<17x1x64xf32>
    %stack3A_1635 = vector.shape_cast %slice3A_1618 : vector<17x64xf32> to vector<17x1x64xf32>
    %stack3A_1636 = vector.shape_cast %slice3A_1619 : vector<17x64xf32> to vector<17x1x64xf32>
    %stack3A_1637 = tpu.concatenate %stack3A_1620, %stack3A_1621, %stack3A_1622, %stack3A_1623, %stack3A_1624, %stack3A_1625, %stack3A_1626, %stack3A_1627, %stack3A_1628, %stack3A_1629, %stack3A_1630, %stack3A_1631, %stack3A_1632, %stack3A_1633, %stack3A_1634, %stack3A_1635, %stack3A_1636 in 1 : vector<17x1x64xf32>, vector<17x1x64xf32>, vector<17x1x64xf32>, vector<17x1x64xf32>, vector<17x1x64xf32>, vector<17x1x64xf32>, vector<17x1x64xf32>, vector<17x1x64xf32>, vector<17x1x64xf32>, vector<17x1x64xf32>, vector<17x1x64xf32>, vector<17x1x64xf32>, vector<17x1x64xf32>, vector<17x1x64xf32>, vector<17x1x64xf32>, vector<17x1x64xf32>, vector<17x1x64xf32> -> vector<17x17x64xf32>
    %reshape3A_1638 = vector.shape_cast %stack3A_1637 : vector<17x17x64xf32> to vector<289x64xf32>
    %dot_general3A_1639 = arith.constant dense<0.000000e+00> : vector<50x64xf32>
    %dot_general3A_1640 = tpu.matmul %get3A_1498, %reshape3A_1638, %dot_general3A_1639 {dimension_numbers = #tpu.dot_dimension_numbers<[1], [0], [0], [1], [0, 0, 1, 1], [], []>, transpose_lhs_hint = false} : vector<50x289xf32>, vector<289x64xf32>, vector<50x64xf32> -> vector<50x64xf32>
    %add3A_1641 = vector.broadcast %get3A_1503 : vector<50x1xf32> to vector<50x64xf32>
    %add3A_1642 = arith.addf %dot_general3A_1640, %add3A_1641 : vector<50x64xf32>
    %swap3A_1643 = arith.constant 2 : index
    %swap3A_1644 = arith.constant 0 : index
    %swap3A_1645 = arith.constant 1 : index
    %swap3A_1646 = arith.constant 2 : index
    %swap3A_1647 = arith.constant 0 : index
    %swap3A_1648 = vector.load %arg15[%swap3A_1643, %swap3A_1644, %swap3A_1645, %swap3A_1646, %swap3A_1647] : memref<3x50x2x5x64xf32, #tpu.memory_space<vmem>>, vector<1x50x1x1x64xf32>
    %swap3A_1649 = vector.shape_cast %swap3A_1648 : vector<1x50x1x1x64xf32> to vector<50x64xf32>
    %swap3A_1650 = vector.shape_cast %add3A_1642 : vector<50x64xf32> to vector<1x50x1x1x64xf32>
    tpu.vector_store %arg15[%swap3A_1643, %swap3A_1644, %swap3A_1645, %swap3A_1646, %swap3A_1647], %swap3A_1650 {strides = array<i32>} : memref<3x50x2x5x64xf32, #tpu.memory_space<vmem>>, vector<1x50x1x1x64xf32>,
    %slice3A_1651 = vector.extract_strided_slice %get3A_1493 {offsets = [3, 0], sizes = [17, 80], strides = [1, 1]} : vector<21x80xf32> to vector<17x80xf32>
    %slice3A_1652 = vector.extract_strided_slice %slice3A_1651 {offsets = [0, 0], sizes = [17, 64], strides = [1, 1]} : vector<17x80xf32> to vector<17x64xf32>
    %slice3A_1653 = vector.extract_strided_slice %slice3A_1651 {offsets = [0, 1], sizes = [17, 64], strides = [1, 1]} : vector<17x80xf32> to vector<17x64xf32>
    %slice3A_1654 = vector.extract_strided_slice %slice3A_1651 {offsets = [0, 2], sizes = [17, 64], strides = [1, 1]} : vector<17x80xf32> to vector<17x64xf32>
    %slice3A_1655 = vector.extract_strided_slice %slice3A_1651 {offsets = [0, 3], sizes = [17, 64], strides = [1, 1]} : vector<17x80xf32> to vector<17x64xf32>
    %slice3A_1656 = vector.extract_strided_slice %slice3A_1651 {offsets = [0, 4], sizes = [17, 64], strides = [1, 1]} : vector<17x80xf32> to vector<17x64xf32>
    %slice3A_1657 = vector.extract_strided_slice %slice3A_1651 {offsets = [0, 5], sizes = [17, 64], strides = [1, 1]} : vector<17x80xf32> to vector<17x64xf32>
    %slice3A_1658 = vector.extract_strided_slice %slice3A_1651 {offsets = [0, 6], sizes = [17, 64], strides = [1, 1]} : vector<17x80xf32> to vector<17x64xf32>
    %slice3A_1659 = vector.extract_strided_slice %slice3A_1651 {offsets = [0, 7], sizes = [17, 64], strides = [1, 1]} : vector<17x80xf32> to vector<17x64xf32>
    %slice3A_1660 = vector.extract_strided_slice %slice3A_1651 {offsets = [0, 8], sizes = [17, 64], strides = [1, 1]} : vector<17x80xf32> to vector<17x64xf32>
    %slice3A_1661 = vector.extract_strided_slice %slice3A_1651 {offsets = [0, 9], sizes = [17, 64], strides = [1, 1]} : vector<17x80xf32> to vector<17x64xf32>
    %slice3A_1662 = vector.extract_strided_slice %slice3A_1651 {offsets = [0, 10], sizes = [17, 64], strides = [1, 1]} : vector<17x80xf32> to vector<17x64xf32>
    %slice3A_1663 = vector.extract_strided_slice %slice3A_1651 {offsets = [0, 11], sizes = [17, 64], strides = [1, 1]} : vector<17x80xf32> to vector<17x64xf32>
    %slice3A_1664 = vector.extract_strided_slice %slice3A_1651 {offsets = [0, 12], sizes = [17, 64], strides = [1, 1]} : vector<17x80xf32> to vector<17x64xf32>
    %slice3A_1665 = vector.extract_strided_slice %slice3A_1651 {offsets = [0, 13], sizes = [17, 64], strides = [1, 1]} : vector<17x80xf32> to vector<17x64xf32>
    %slice3A_1666 = vector.extract_strided_slice %slice3A_1651 {offsets = [0, 14], sizes = [17, 64], strides = [1, 1]} : vector<17x80xf32> to vector<17x64xf32>
    %slice3A_1667 = vector.extract_strided_slice %slice3A_1651 {offsets = [0, 15], sizes = [17, 64], strides = [1, 1]} : vector<17x80xf32> to vector<17x64xf32>
    %slice3A_1668 = vector.extract_strided_slice %slice3A_1651 {offsets = [0, 16], sizes = [17, 64], strides = [1, 1]} : vector<17x80xf32> to vector<17x64xf32>
    %stack3A_1669 = vector.shape_cast %slice3A_1652 : vector<17x64xf32> to vector<17x1x64xf32>
    %stack3A_1670 = vector.shape_cast %slice3A_1653 : vector<17x64xf32> to vector<17x1x64xf32>
    %stack3A_1671 = vector.shape_cast %slice3A_1654 : vector<17x64xf32> to vector<17x1x64xf32>
    %stack3A_1672 = vector.shape_cast %slice3A_1655 : vector<17x64xf32> to vector<17x1x64xf32>
    %stack3A_1673 = vector.shape_cast %slice3A_1656 : vector<17x64xf32> to vector<17x1x64xf32>
    %stack3A_1674 = vector.shape_cast %slice3A_1657 : vector<17x64xf32> to vector<17x1x64xf32>
    %stack3A_1675 = vector.shape_cast %slice3A_1658 : vector<17x64xf32> to vector<17x1x64xf32>
    %stack3A_1676 = vector.shape_cast %slice3A_1659 : vector<17x64xf32> to vector<17x1x64xf32>
    %stack3A_1677 = vector.shape_cast %slice3A_1660 : vector<17x64xf32> to vector<17x1x64xf32>
    %stack3A_1678 = vector.shape_cast %slice3A_1661 : vector<17x64xf32> to vector<17x1x64xf32>
    %stack3A_1679 = vector.shape_cast %slice3A_1662 : vector<17x64xf32> to vector<17x1x64xf32>
    %stack3A_1680 = vector.shape_cast %slice3A_1663 : vector<17x64xf32> to vector<17x1x64xf32>
    %stack3A_1681 = vector.shape_cast %slice3A_1664 : vector<17x64xf32> to vector<17x1x64xf32>
    %stack3A_1682 = vector.shape_cast %slice3A_1665 : vector<17x64xf32> to vector<17x1x64xf32>
    %stack3A_1683 = vector.shape_cast %slice3A_1666 : vector<17x64xf32> to vector<17x1x64xf32>
    %stack3A_1684 = vector.shape_cast %slice3A_1667 : vector<17x64xf32> to vector<17x1x64xf32>
    %stack3A_1685 = vector.shape_cast %slice3A_1668 : vector<17x64xf32> to vector<17x1x64xf32>
    %stack3A_1686 = tpu.concatenate %stack3A_1669, %stack3A_1670, %stack3A_1671, %stack3A_1672, %stack3A_1673, %stack3A_1674, %stack3A_1675, %stack3A_1676, %stack3A_1677, %stack3A_1678, %stack3A_1679, %stack3A_1680, %stack3A_1681, %stack3A_1682, %stack3A_1683, %stack3A_1684, %stack3A_1685 in 1 : vector<17x1x64xf32>, vector<17x1x64xf32>, vector<17x1x64xf32>, vector<17x1x64xf32>, vector<17x1x64xf32>, vector<17x1x64xf32>, vector<17x1x64xf32>, vector<17x1x64xf32>, vector<17x1x64xf32>, vector<17x1x64xf32>, vector<17x1x64xf32>, vector<17x1x64xf32>, vector<17x1x64xf32>, vector<17x1x64xf32>, vector<17x1x64xf32>, vector<17x1x64xf32>, vector<17x1x64xf32> -> vector<17x17x64xf32>
    %reshape3A_1687 = vector.shape_cast %stack3A_1686 : vector<17x17x64xf32> to vector<289x64xf32>
    %dot_general3A_1688 = arith.constant dense<0.000000e+00> : vector<50x64xf32>
    %dot_general3A_1689 = tpu.matmul %get3A_1498, %reshape3A_1687, %dot_general3A_1688 {dimension_numbers = #tpu.dot_dimension_numbers<[1], [0], [0], [1], [0, 0, 1, 1], [], []>, transpose_lhs_hint = false} : vector<50x289xf32>, vector<289x64xf32>, vector<50x64xf32> -> vector<50x64xf32>
    %add3A_1690 = vector.broadcast %get3A_1503 : vector<50x1xf32> to vector<50x64xf32>
    %add3A_1691 = arith.addf %dot_general3A_1689, %add3A_1690 : vector<50x64xf32>
    %swap3A_1692 = arith.constant 2 : index
    %swap3A_1693 = arith.constant 0 : index
    %swap3A_1694 = arith.constant 1 : index
    %swap3A_1695 = arith.constant 3 : index
    %swap3A_1696 = arith.constant 0 : index
    %swap3A_1697 = vector.load %arg15[%swap3A_1692, %swap3A_1693, %swap3A_1694, %swap3A_1695, %swap3A_1696] : memref<3x50x2x5x64xf32, #tpu.memory_space<vmem>>, vector<1x50x1x1x64xf32>
    %swap3A_1698 = vector.shape_cast %swap3A_1697 : vector<1x50x1x1x64xf32> to vector<50x64xf32>
    %swap3A_1699 = vector.shape_cast %add3A_1691 : vector<50x64xf32> to vector<1x50x1x1x64xf32>
    tpu.vector_store %arg15[%swap3A_1692, %swap3A_1693, %swap3A_1694, %swap3A_1695, %swap3A_1696], %swap3A_1699 {strides = array<i32>} : memref<3x50x2x5x64xf32, #tpu.memory_space<vmem>>, vector<1x50x1x1x64xf32>,
    %slice3A_1700 = vector.extract_strided_slice %get3A_1493 {offsets = [4, 0], sizes = [17, 80], strides = [1, 1]} : vector<21x80xf32> to vector<17x80xf32>
    %slice3A_1701 = vector.extract_strided_slice %slice3A_1700 {offsets = [0, 0], sizes = [17, 64], strides = [1, 1]} : vector<17x80xf32> to vector<17x64xf32>
    %slice3A_1702 = vector.extract_strided_slice %slice3A_1700 {offsets = [0, 1], sizes = [17, 64], strides = [1, 1]} : vector<17x80xf32> to vector<17x64xf32>
    %slice3A_1703 = vector.extract_strided_slice %slice3A_1700 {offsets = [0, 2], sizes = [17, 64], strides = [1, 1]} : vector<17x80xf32> to vector<17x64xf32>
    %slice3A_1704 = vector.extract_strided_slice %slice3A_1700 {offsets = [0, 3], sizes = [17, 64], strides = [1, 1]} : vector<17x80xf32> to vector<17x64xf32>
    %slice3A_1705 = vector.extract_strided_slice %slice3A_1700 {offsets = [0, 4], sizes = [17, 64], strides = [1, 1]} : vector<17x80xf32> to vector<17x64xf32>
    %slice3A_1706 = vector.extract_strided_slice %slice3A_1700 {offsets = [0, 5], sizes = [17, 64], strides = [1, 1]} : vector<17x80xf32> to vector<17x64xf32>
    %slice3A_1707 = vector.extract_strided_slice %slice3A_1700 {offsets = [0, 6], sizes = [17, 64], strides = [1, 1]} : vector<17x80xf32> to vector<17x64xf32>
    %slice3A_1708 = vector.extract_strided_slice %slice3A_1700 {offsets = [0, 7], sizes = [17, 64], strides = [1, 1]} : vector<17x80xf32> to vector<17x64xf32>
    %slice3A_1709 = vector.extract_strided_slice %slice3A_1700 {offsets = [0, 8], sizes = [17, 64], strides = [1, 1]} : vector<17x80xf32> to vector<17x64xf32>
    %slice3A_1710 = vector.extract_strided_slice %slice3A_1700 {offsets = [0, 9], sizes = [17, 64], strides = [1, 1]} : vector<17x80xf32> to vector<17x64xf32>
    %slice3A_1711 = vector.extract_strided_slice %slice3A_1700 {offsets = [0, 10], sizes = [17, 64], strides = [1, 1]} : vector<17x80xf32> to vector<17x64xf32>
    %slice3A_1712 = vector.extract_strided_slice %slice3A_1700 {offsets = [0, 11], sizes = [17, 64], strides = [1, 1]} : vector<17x80xf32> to vector<17x64xf32>
    %slice3A_1713 = vector.extract_strided_slice %slice3A_1700 {offsets = [0, 12], sizes = [17, 64], strides = [1, 1]} : vector<17x80xf32> to vector<17x64xf32>
    %slice3A_1714 = vector.extract_strided_slice %slice3A_1700 {offsets = [0, 13], sizes = [17, 64], strides = [1, 1]} : vector<17x80xf32> to vector<17x64xf32>
    %slice3A_1715 = vector.extract_strided_slice %slice3A_1700 {offsets = [0, 14], sizes = [17, 64], strides = [1, 1]} : vector<17x80xf32> to vector<17x64xf32>
    %slice3A_1716 = vector.extract_strided_slice %slice3A_1700 {offsets = [0, 15], sizes = [17, 64], strides = [1, 1]} : vector<17x80xf32> to vector<17x64xf32>
    %slice3A_1717 = vector.extract_strided_slice %slice3A_1700 {offsets = [0, 16], sizes = [17, 64], strides = [1, 1]} : vector<17x80xf32> to vector<17x64xf32>
    %stack3A_1718 = vector.shape_cast %slice3A_1701 : vector<17x64xf32> to vector<17x1x64xf32>
    %stack3A_1719 = vector.shape_cast %slice3A_1702 : vector<17x64xf32> to vector<17x1x64xf32>
    %stack3A_1720 = vector.shape_cast %slice3A_1703 : vector<17x64xf32> to vector<17x1x64xf32>
    %stack3A_1721 = vector.shape_cast %slice3A_1704 : vector<17x64xf32> to vector<17x1x64xf32>
    %stack3A_1722 = vector.shape_cast %slice3A_1705 : vector<17x64xf32> to vector<17x1x64xf32>
    %stack3A_1723 = vector.shape_cast %slice3A_1706 : vector<17x64xf32> to vector<17x1x64xf32>
    %stack3A_1724 = vector.shape_cast %slice3A_1707 : vector<17x64xf32> to vector<17x1x64xf32>
    %stack3A_1725 = vector.shape_cast %slice3A_1708 : vector<17x64xf32> to vector<17x1x64xf32>
    %stack3A_1726 = vector.shape_cast %slice3A_1709 : vector<17x64xf32> to vector<17x1x64xf32>
    %stack3A_1727 = vector.shape_cast %slice3A_1710 : vector<17x64xf32> to vector<17x1x64xf32>
    %stack3A_1728 = vector.shape_cast %slice3A_1711 : vector<17x64xf32> to vector<17x1x64xf32>
    %stack3A_1729 = vector.shape_cast %slice3A_1712 : vector<17x64xf32> to vector<17x1x64xf32>
    %stack3A_1730 = vector.shape_cast %slice3A_1713 : vector<17x64xf32> to vector<17x1x64xf32>
    %stack3A_1731 = vector.shape_cast %slice3A_1714 : vector<17x64xf32> to vector<17x1x64xf32>
    %stack3A_1732 = vector.shape_cast %slice3A_1715 : vector<17x64xf32> to vector<17x1x64xf32>
    %stack3A_1733 = vector.shape_cast %slice3A_1716 : vector<17x64xf32> to vector<17x1x64xf32>
    %stack3A_1734 = vector.shape_cast %slice3A_1717 : vector<17x64xf32> to vector<17x1x64xf32>
    %stack3A_1735 = tpu.concatenate %stack3A_1718, %stack3A_1719, %stack3A_1720, %stack3A_1721, %stack3A_1722, %stack3A_1723, %stack3A_1724, %stack3A_1725, %stack3A_1726, %stack3A_1727, %stack3A_1728, %stack3A_1729, %stack3A_1730, %stack3A_1731, %stack3A_1732, %stack3A_1733, %stack3A_1734 in 1 : vector<17x1x64xf32>, vector<17x1x64xf32>, vector<17x1x64xf32>, vector<17x1x64xf32>, vector<17x1x64xf32>, vector<17x1x64xf32>, vector<17x1x64xf32>, vector<17x1x64xf32>, vector<17x1x64xf32>, vector<17x1x64xf32>, vector<17x1x64xf32>, vector<17x1x64xf32>, vector<17x1x64xf32>, vector<17x1x64xf32>, vector<17x1x64xf32>, vector<17x1x64xf32>, vector<17x1x64xf32> -> vector<17x17x64xf32>
    %reshape3A_1736 = vector.shape_cast %stack3A_1735 : vector<17x17x64xf32> to vector<289x64xf32>
    %dot_general3A_1737 = arith.constant dense<0.000000e+00> : vector<50x64xf32>
    %dot_general3A_1738 = tpu.matmul %get3A_1498, %reshape3A_1736, %dot_general3A_1737 {dimension_numbers = #tpu.dot_dimension_numbers<[1], [0], [0], [1], [0, 0, 1, 1], [], []>, transpose_lhs_hint = false} : vector<50x289xf32>, vector<289x64xf32>, vector<50x64xf32> -> vector<50x64xf32>
    %add3A_1739 = vector.broadcast %get3A_1503 : vector<50x1xf32> to vector<50x64xf32>
    %add3A_1740 = arith.addf %dot_general3A_1738, %add3A_1739 : vector<50x64xf32>
    %swap3A_1741 = arith.constant 2 : index
    %swap3A_1742 = arith.constant 0 : index
    %swap3A_1743 = arith.constant 1 : index
    %swap3A_1744 = arith.constant 4 : index
    %swap3A_1745 = arith.constant 0 : index
    %swap3A_1746 = vector.load %arg15[%swap3A_1741, %swap3A_1742, %swap3A_1743, %swap3A_1744, %swap3A_1745] : memref<3x50x2x5x64xf32, #tpu.memory_space<vmem>>, vector<1x50x1x1x64xf32>
    %swap3A_1747 = vector.shape_cast %swap3A_1746 : vector<1x50x1x1x64xf32> to vector<50x64xf32>
    %swap3A_1748 = vector.shape_cast %add3A_1740 : vector<50x64xf32> to vector<1x50x1x1x64xf32>
    tpu.vector_store %arg15[%swap3A_1741, %swap3A_1742, %swap3A_1743, %swap3A_1744, %swap3A_1745], %swap3A_1748 {strides = array<i32>} : memref<3x50x2x5x64xf32, #tpu.memory_space<vmem>>, vector<1x50x1x1x64xf32>,
    return
  }
  func.func @transform_0(%arg0: i32) -> (i32, i32, i32) {
    %c0_i32 = arith.constant 0 : i32
    %c0_i32_0 = arith.constant 0 : i32
    %c0_i32_1 = arith.constant 0 : i32
    return %arg0, %c0_i32, %c0_i32_0 : i32, i32, i32
  }
  func.func @transform_1(%arg0: i32) -> (i32, i32) {
    %c0_i32 = arith.constant 0 : i32
    %c0_i32_0 = arith.constant 0 : i32
    %c0_i32_1 = arith.constant 0 : i32
    return %c0_i32, %c0_i32_0 : i32, i32
  }
  func.func @transform_2(%arg0: i32) -> (i32, i32) {
    %c0_i32 = arith.constant 0 : i32
    %c0_i32_0 = arith.constant 0 : i32
    %c0_i32_1 = arith.constant 0 : i32
    return %c0_i32, %c0_i32_0 : i32, i32
  }
  func.func @transform_3(%arg0: i32) -> (i32, i32) {
    %c0_i32 = arith.constant 0 : i32
    %c0_i32_0 = arith.constant 0 : i32
    %c0_i32_1 = arith.constant 0 : i32
    return %c0_i32, %c0_i32_0 : i32, i32
  }
  func.func @transform_4(%arg0: i32) -> (i32, i32) {
    %c0_i32 = arith.constant 0 : i32
    %c0_i32_0 = arith.constant 0 : i32
    %c0_i32_1 = arith.constant 0 : i32
    return %c0_i32, %c0_i32_0 : i32, i32
  }
  func.func @transform_5(%arg0: i32) -> (i32, i32) {
    %c0_i32 = arith.constant 0 : i32
    %c0_i32_0 = arith.constant 0 : i32
    %c0_i32_1 = arith.constant 0 : i32
    return %c0_i32, %c0_i32_0 : i32, i32
  }
  func.func @transform_6(%arg0: i32) -> (i32, i32, i32) {
    %c0_i32 = arith.constant 0 : i32
    %c0_i32_0 = arith.constant 0 : i32
    %c0_i32_1 = arith.constant 0 : i32
    return %arg0, %c0_i32, %c0_i32_0 : i32, i32, i32
  }
  func.func @transform_7(%arg0: i32) -> (i32, i32, i32) {
    %c0_i32 = arith.constant 0 : i32
    %c0_i32_0 = arith.constant 0 : i32
    %c0_i32_1 = arith.constant 0 : i32
    return %arg0, %c0_i32, %c0_i32_0 : i32, i32, i32
  }
  func.func @transform_8(%arg0: i32) -> (i32, i32, i32) {
    %c0_i32 = arith.constant 0 : i32
    %c0_i32_0 = arith.constant 0 : i32
    %c0_i32_1 = arith.constant 0 : i32
    return %arg0, %c0_i32, %c0_i32_0 : i32, i32, i32
  }
  func.func @transform_9(%arg0: i32) -> (i32, i32) {
    %c0_i32 = arith.constant 0 : i32
    %c0_i32_0 = arith.constant 0 : i32
    return %arg0, %c0_i32 : i32, i32
  }
  func.func @transform_10(%arg0: i32) -> (i32, i32) {
    %c0_i32 = arith.constant 0 : i32
    %c0_i32_0 = arith.constant 0 : i32
    return %arg0, %c0_i32 : i32, i32
  }
  func.func @transform_11(%arg0: i32) -> (i32, i32) {
    %c0_i32 = arith.constant 0 : i32
    %c0_i32_0 = arith.constant 0 : i32
    return %arg0, %c0_i32 : i32, i32
  }
  func.func @transform_12(%arg0: i32) -> (i32, i32) {
    %c0_i32 = arith.constant 0 : i32
    %c0_i32_0 = arith.constant 0 : i32
    %c0_i32_1 = arith.constant 0 : i32
    return %c0_i32, %c0_i32_0 : i32, i32
  }
  func.func @transform_13(%arg0: i32) -> (i32, i32) {
    %c0_i32 = arith.constant 0 : i32
    %c0_i32_0 = arith.constant 0 : i32
    return %arg0, %c0_i32 : i32, i32
  }
  func.func @transform_14(%arg0: i32) -> (i32, i32, i32, i32, i32) {
    %c0_i32 = arith.constant 0 : i32
    %c0_i32_0 = arith.constant 0 : i32
    %c0_i32_1 = arith.constant 0 : i32
    %c0_i32_2 = arith.constant 0 : i32
    %c0_i32_3 = arith.constant 0 : i32
    return %arg0, %c0_i32, %c0_i32_0, %c0_i32_1, %c0_i32_2 : i32, i32, i32, i32, i32
  }
}

</mosaic_0001>

<sc_bundles>
// kernel: kernel.4.cloned.1.call-start
scs
__scs_entry_jumppad:
0x0: {  	(pc) =	sbr.rel $0x88, $3  }
0x1: {  	(tag) =	ssettag $0x0;
	lr =	simm.s32 $0x1  }
0x2: {  	[smem:$0x3F95] =	sst lr;
	_ =	strace $0xD0000000  }
0x3: {  	_ = 	snop  }
0x4: {  	_ = 	snop  }
0x5: {  	_ = 	snop  }
0x6: {  	_ = 	snop  }
0x7: {  	_ = 	snop  }
__scs_overlays_trampoline_lowered:
0x8: {  	[smem:$0x3FA4] =	sst s0  }
0x9: {  	[smem:$0x3FA5] =	sst s1  }
0xa: {  	[smem:$0x3FA6] =	sst s2  }
0xb: {  	[smem:$0x3FA7] =	sst s3  }
0xc: {  	[smem:$0x3FA8] =	sst s4  }
0xd: {  	[smem:$0x3FA9] =	sst s5  }
0xe: {  	[smem:$0x3FAA] =	sst s6  }
0xf: {  	[smem:$0x3FAB] =	sst s7  }
0x10: {  	[smem:$0x3FAC] =	sst s8  }
0x11: {  	[smem:$0x3FAD] =	sst s9;
	s0 =	simm.s32 @!p0 $0x0  }
0x12: {  	s1 =	sld [smem:$0x3F93];
	s0 =	simm.s32 @p0 $0x1  }
0x13: {  	[smem:$0x3FAE] =	sst s0;
	s0 =	simm.s32 @!p1 $0x0  }
0x14: {  	s2 =	sld [smem:$0x3F92];
	s0 =	simm.s32 @p1 $0x1  }
0x15: {  	[smem:$0x3FAF] =	sst s0;
	s0 =	simm.s32 @!p2 $0x0  }
0x16: {  	s3 =	sld [smem:$0x3FDB];
	s0 =	simm.s32 @p2 $0x1  }
0x17: {  	s4 =	simm.s32 $0x1BF5;
	[smem:$0x3FB1] =	sst s0  }
0x18: {  	s0 =	sld [smem:$0x3F94];
	_ =	swait.ge [sflag:s4], $0x0  }
0x19: {  	s7 =	sld [smem:$0x3F95]  }
0x1a: {  	s8 =	sadd.s32 $0xFFFFE003, lr  }
0x1b: {  	s9 =	sadd.s32 $0xFFFFFEF7, lr;
	s5 =	simm.s32 $0xFFFFFFFF;
	p2 =	slt.u32 s8, $0xFFFFF086  }
0x1c: {  	p1 =	slt.u32 s9, $0xF7A;
	s5 =	simm.s32 @!p2 $0x0  }
0x1d: {  	s5 =	simm.s32 @p1 $0x1;
	p0 =	seq.s32 s7, s2  }
0x1e: {  	s7 =	smul.u32 @!p0 $0xF7A, s2;
	p2 =	seq.s32 @!p0 s5, $0x0  }
0x1f: {  	s9 =	smul.u32 $0xF7A, s1;
	s8 =	simm.s32 @!p0 $0x1BF5;
	p2 =	por !p2, p0  }
0x20: {  	[sflag:s8] =	ssyncset.s32 @!p0 $0xFFFFF086;
	s6 =	sadd.s32 @!p0 s3, s7;
	s7 =	simm.s32 @!p0 $0x108  }
0x21: {  	s3 =	sadd.s32 s3, s9;
	s6 =	sadd.s32 @!p0 $0x88, s6;
	s7 =	simm.s32 @p2 $0x1082  }
0x22: {  	[simem:s7], [sflag:s8] =	dma.local @!p0 [hbm:s6], $0xF7A  }
0x23: {  	s9 =	sor.u32 $0xD0000000, s2;
	s6 =	simm.s32 $0x108;
	_ =	swait.ge @!p0 [sflag:s8], $0x0  }
0x24: {  	s3 =	sadd.s32 $0x88, s3;
	s6 =	simm.s32 @!p1 $0x1082;
	[sflag:s4] =	ssyncset.s32 $0xFFFFF086  }
0x25: {  	[simem:s6], [sflag:s4] =	dma.local [hbm:s3], $0xF7A  }
0x26: {  	[smem:$0x3F95] =	sst s1;
	(tag) =	ssettag s2;
	_ =	strace s9  }
0x27: {  	s1 =	sld [smem:$0x3FA5]  }
0x28: {  	s2 =	sld [smem:$0x3FA6]  }
0x29: {  	s4 =	sld [smem:$0x3FA8]  }
0x2a: {  	p0 =	seq.s32 s5, $0x0;
	s5 =	sld [smem:$0x3FA9]  }
0x2b: {  	s6 =	sld [smem:$0x3FAA]  }
0x2c: {  	s7 =	sld [smem:$0x3FAB]  }
0x2d: {  	s3 =	simm.s32 $0x108;
	s8 =	sld [smem:$0x3FAC]  }
0x2e: {  	s3 =	simm.s32 @!p0 $0x1082;
	s9 =	sld [smem:$0x3FAD]  }
0x2f: {  	lr =	sadd.s32 s0, s3;
	s0 =	sld [smem:$0x3FA4]  }
0x30: {  	s3 =	sld [smem:$0x3FA7]  }
0x31: {  	[smem:$0x3FB0] =	sst s10  }
0x32: {  	s10 =	sld [smem:$0x3FAE];
	_ =	sdelay $0x3  }
0x33: {  	p0 =	seq.s32 s10, $0x1;
	s10 =	sld [smem:$0x3FB0];
	_ =	sdelay $0x3  }
0x34: {  	[smem:$0x3FB0] =	sst s10  }
0x35: {  	s10 =	sld [smem:$0x3FAF];
	_ =	sdelay $0x3  }
0x36: {  	p1 =	seq.s32 s10, $0x1;
	s10 =	sld [smem:$0x3FB0];
	_ =	sdelay $0x3  }
0x37: {  	[smem:$0x3FB0] =	sst s10  }
0x38: {  	s10 =	sld [smem:$0x3FB1]  }
0x39: {  	_ = 	snop;
	(pc) =	sbr.ind lr, $3  }
0x3a: {  	_ = 	snop  }
0x3b: {  	_ = 	snop  }
0x3c: {  	p2 =	seq.s32 s10, $0x1;
	s10 =	sld [smem:$0x3FB0]  }
0x3d: {  	_ =	shalt  }
0x3e: {  	_ =	shalt  }
0x3f: {  	_ =	shalt  }
0x40: {  	_ =	shalt  }
0x41: {  	_ =	shalt  }
0x42: {  	_ =	shalt  }
0x43: {  	_ =	shalt  }
0x44: {  	_ =	shalt  }
0x45: {  	_ =	shalt  }
0x46: {  	_ =	shalt  }
0x47: {  	_ =	shalt  }
0x48: {  	_ =	shalt  }
0x49: {  	_ =	shalt  }
0x4a: {  	_ =	shalt  }
0x4b: {  	_ =	shalt  }
0x4c: {  	_ =	shalt  }
0x4d: {  	_ =	shalt  }
0x4e: {  	_ =	shalt  }
0x4f: {  	_ =	shalt  }
0x50: {  	_ =	shalt  }
0x51: {  	_ =	shalt  }
0x52: {  	_ =	shalt  }
0x53: {  	_ =	shalt  }
0x54: {  	_ =	shalt  }
0x55: {  	_ =	shalt  }
0x56: {  	_ =	shalt  }
0x57: {  	_ =	shalt  }
0x58: {  	_ =	shalt  }
0x59: {  	_ =	shalt  }
0x5a: {  	_ =	shalt  }
0x5b: {  	_ =	shalt  }
0x5c: {  	_ =	shalt  }
0x5d: {  	_ =	shalt  }
0x5e: {  	_ =	shalt  }
0x5f: {  	_ =	shalt  }
0x60: {  	_ =	shalt  }
0x61: {  	_ =	shalt  }
0x62: {  	_ =	shalt  }
0x63: {  	_ =	shalt  }
0x64: {  	_ =	shalt  }
0x65: {  	_ =	shalt  }
0x66: {  	_ =	shalt  }
0x67: {  	_ =	shalt  }
0x68: {  	_ =	shalt  }
0x69: {  	_ =	shalt  }
0x6a: {  	_ =	shalt  }
0x6b: {  	_ =	shalt  }
0x6c: {  	_ =	shalt  }
0x6d: {  	_ =	shalt  }
0x6e: {  	_ =	shalt  }
0x6f: {  	_ =	shalt  }
0x70: {  	_ =	shalt  }
0x71: {  	_ =	shalt  }
0x72: {  	_ =	shalt  }
0x73: {  	_ =	shalt  }
0x74: {  	_ =	shalt  }
0x75: {  	_ =	shalt  }
0x76: {  	_ =	shalt  }
0x77: {  	_ =	shalt  }
0x78: {  	_ =	shalt  }
0x79: {  	_ =	shalt  }
0x7a: {  	_ =	shalt  }
0x7b: {  	_ =	shalt  }
0x7c: {  	_ =	shalt  }
0x7d: {  	_ =	shalt  }
0x7e: {  	_ =	shalt  }
0x7f: {  	_ =	shalt  }
0x80: {  	_ =	shalt  }
0x81: {  	_ =	shalt  }
0x82: {  	_ =	shalt  }
0x83: {  	_ =	shalt  }
0x84: {  	_ =	shalt  }
0x85: {  	_ =	shalt  }
0x86: {  	_ =	shalt  }
0x87: {  	_ =	shalt  }
.Lfunc_end0:
.L_simem_size_0:
called_computation_lowered:
.L_overlay_start_0:
0x88: {  	s2 =	sld [smem:$0x3FD9]  }
0x89: {  	s3 =	sld [smem:$0x3FFE];
	_ =	sdelay $0x1  }
0x8a: {  	s1 =	srdreg.scid  }
0x8b: {  	s0 =	sand.u32 $0x1, s1  }
0x8c: {  	s14 =	sshll.u32 s0, $0xA;
	s2 =	sadd.s32 s3, s2  }
0x8d: {  	s2 =	sadd.s32 s2, s14  }
0x8e: {  	[smem:$0x3FBC] =	sst s2  }
0x8f: {  	_ = 	snop  }
0x90: {  	s2 =	sld [smem:$0x3FD0];
	_ =	sdelay $0x2  }
0x91: {  	s15 =	simm.s32 $0xA;
	s4 =	simm.s32 $0x10  }
0x92: {  	[smem:s4], [sflag:s15] =	dma.local [hbm:s2], $0x1  }
0x93: {  	_ =	swait.eq [sflag:s15], $0x1  }
0x94: {  	[sflag:s15] =	ssyncset.done $0x0  }
0x95: {  	[sflag:s15] =	ssyncadd.s32 $0xFFFFFFFF  }
0x96: {  	s16 =	sld [smem:$0x10];
	(tm) =	ssettm $0x1  }
0x97: {  	s17 =	sld [smem:$0x3FFB];
	_ =	sdelay $0x3  }
0x98: {  	_ =	strace s17  }
0x99: {  	s3 =	sld [smem:$0x3FFC];
	_ =	sdelay $0x3  }
0x9a: {  	_ =	strace s3  }
0x9b: {  	s3 =	sld [smem:$0x3FFD];
	_ =	sdelay $0x3  }
0x9c: {  	_ =	strace s3  }
0x9d: {  	_ =	strace $0x8FFFFFFF  }
0x9e: {  	s18 =	sld [smem:$0x3FDB];
	_ =	sdelay $0x1  }
0x9f: {  	s19 =	simm.s32 $_scs_section_size  }
0xa0: {  	s5 =	simm.s32 $_size__tile_overlayer_lowered;
	s6 =	simm.s32 $_tile_overlayer_lowered  }
0xa1: {  	s22 =	simm.s32 $0x1BFF;
	s21 =	sshll.u32 s6, $0x1;
	s3 =	sadd.s32 s19, s18  }
0xa2: {  	s7 =	simm.s32 $0x0;
	s20 =	sshll.u32 s5, $0x1;
	s5 =	sadd.s32 s21, s3  }
0xa3: {  	[timem:s7], [sflag:s22] =	dma.local [hbm:s5], s20  }
0xa4: {  	_ =	swait.ge [sflag:s22], s20  }
0xa5: {  	s4 =	ssub.s32 $0x0, s20;
	[sflag:s22] =	ssyncset.done $0x0  }
0xa6: {  	[sflag:s22] =	ssyncadd.s32 s4;
	_ =	sdelay $0x1  }
0xa7: {  	s23 =	simm.s32 $0x1B8B  }
0xa8: {  	_ =	swait.ge [sflag:s23], $0x1  }
0xa9: {  	[sflag:s23] =	ssyncset.done $0x0  }
0xaa: {  	s25 =	simm.s32 $0x1B8E;
	s24 =	sld [smem:$0x3FFE];
	[sflag:s23] =	ssyncadd.s32 $0xFFFFFFFF  }
0xab: {  	s26 =	simm.s32 $execute0_lowered;
	[smem:$0x3FD2] =	sst s25  }
0xac: {  	s5 =	sshll.u32 s26, $0x1;
	_ =	strace $0x80000046;
	[dreg:$0x1] =	wrdreg $0xFFFFFFFF  }
0xad: {  	s28 =	simm.s32 $_size_execute0_lowered;
	s3 =	sadd.s32 s3, s5;
	[dreg:$0x0] =	wrdreg $0x0  }
0xae: {  	s5 =	sshll.u32 s28, $0x1;
	[dreg:$0x2] =	wrdreg s3  }
0xaf: {  	[dreg:$0x3] =	wrdreg s5  }
0xb0: {  	[dreg:$0x4] =	wrdreg $0xC0  }
0xb1: {  	_ =	task [dreg:s7], $0x5FFFF  }
0xb2: {  	[dreg:$0x1] =	wrdreg $0xFFFFFFFF  }
0xb3: {  	[dreg:$0x0] =	wrdreg $0x60  }
0xb4: {  	[dreg:$0x2] =	wrdreg s24  }
0xb5: {  	[dreg:$0x3] =	wrdreg s16  }
0xb6: {  	[dreg:$0x4] =	wrdreg $0x9  }
0xb7: {  	_ =	task.clear_ibuf [dreg:s7], $0x5FFFF;
	_ =	strace $0x90000046  }
0xb8: {  	s29 =	simm.s32 $0x9;
	_ =	strace $0x80000048  }
0xb9: {  	_ =	swait.ge [sflag:s29], $0x1  }
0xba: {  	[sflag:s29] =	ssyncadd.s32 $0xFFFFFFFF  }
0xbb: {  	_ =	strace $0x90000048  }
0xbc: {  	_ =	sfence  }
0xbd: {  	s30 =	sld [smem:$0x0];
	_ =	sdelay $0x2  }
0xbe: {  	s31 =	sshll.u32 s1, $0xD;
	s1 =	sshrl.u32 s1, $0x2  }
0xbf: {  	s3 =	sand.u32 $0x4000, s31;
	s1 =	sadd.s32 s1, s30  }
0xc0: {  	s0 =	sor.u32 s3, s0;
	s1 =	sshll.u32 s1, $0x11  }
0xc1: {  	s0 =	sor.u32 s1, s0  }
0xc2: {  	s0 =	sadd.s32 $0x8F2B, s0  }
0xc3: {  	[sflag:s0] =	ssyncadd.remote.s32 $0x1  }
0xc4: {  	_ =	sfence.sel $0xFFFF  }
0xc5: {  	[dreg:$0x0] =	wrdreg $0xFFFFFFFF;
	(pc) =	sbr.abs _section_cstart, $3  }
0xc6: {  	[dreg:$0x1] =	wrdreg $0xFFFFFFFF  }
0xc7: {  	_ =	task.clear_ibuf [dreg:s7], $0x2FFFF;
	_ =	strace $0x9FFFFFFF  }
0xc8: {  	(tm) =	ssettm $0x7FFFFFFF  }
0xc9: {  	_ =	shalt  }
tec
execute0_lowered:
.L_overlay_start_1:
0x0: {  	(tag) =	ssettag $0x1  }
0x1: {  	s1 =	srdreg.scid  }
0x2: {  	s0 =	stileid.u32;
	s3 =	rddreg [dreg:$0x0]  }
0x3: {  	s5 =	rddreg [dreg:$0x1];
	s2 =	simm.s32 $0x0;
	s10 =	simm.s32 $0x2  }
0x4: {  	s11 =	simm.s32 $0x3;
	s4 =	sand.u32 $0x1, s1;
	s31 =	sshll.u32 s0, $0x1  }
0x5: {  	s12 =	simm.s32 $0x0;
	s1 =	rddreg [dreg:$0x2];
	s6 =	sor.u32 s4, s31  }
0x6: {  	[smem:$0x7FF] =	sst s2;
	s4 =	ssub.s32 $0x2, s4;
	s8 =	smul.u32 $0x9600, s6  }
0x7: {  	_ =	strace $0x80000047;
	s7 =	smul.u32 $0xF, s6;
	s9 =	sshrl.u32 s4, $0x1  }
0x8: {  	s6 =	smul.u32 $0x12C0, s6;
	s9 =	ssub.s32 s4, s9;
	s8 =	sshrl.u32 s8, $0x3  }
0x9: {  	s7 =	sadd.s32 s7, s3;
	s3 =	sadd.s32 $0x1000, s3;
	s8 =	sadd.s32 s5, s8  }
0xa: {  	s4 =	sadd.s32 $0xE00, s7;
	s5 =	sadd.s32 s5, s6;
	s7 =	smax.u32 s9, $0x1  }
0xb: {  	s9 =	simm.s32 $0x1;
	s6 =	sadd.s32 $0x25800, s8;
	s8 =	simm.s32 $0x4  }
.LBB2_1:
0xc: {  	[tilespmem:s2], [sflag:$0x4] =	stream.linear.gather [hbm4b:s4+s2], $0x78, $0x38;
	[tilespmem:$0x12C78] =	vst v63  }
0xd: {  	_ =	swait.ge [sflag:s8], $0x78  }
0xe: {  	[sflag:s8] =	ssyncset.done $0x0  }
0xf: {  	s13 =	simm.s32 $0x78;
	[sflag:s8] =	ssyncadd.s32 $0xFFFFFF88  }
0x10: {  	[tilespmem:s13], [sflag:$0x1] =	stream.indirect.gather [hbm4b:s3+s13], $0x280, s2, s13, $0xb8;
	[tilespmem:$0x12C78] =	vst v63  }
0x11: {  	_ =	swait.ge [sflag:s9], $0x12C00  }
0x12: {  	s14 =	simm.s32 $0x28;
	[sflag:s9] =	ssyncset.done $0x0  }
0x13: {  	s16 =	sadd.s32 $0x0, s5;
	s15 =	simm.s32 $0x2F8;
	[sflag:s9] =	ssyncadd.s32 $0xFFFED400  }
.LBB2_2:
0x14: {  	[hbm4b:s16+s2] =	stream.linear.scatter [tilespmem:s13], [sflag:$0x2], $0x140, $0x38;
	[tilespmem:$0x12C78] =	vst v63  }
0x15: {  	s16 =	smov.u32 s14;
	s13 =	smov.u32 s15;
	p0 =	sne.s32 s14, $0x1298  }
.Ltmp0:
0x16: {  	s14 =	sadd.s32 $0x28, s14;
	(pc) =	sbr.rel @p0 .LBB2_2-.Ltmp0, $2  }
0x17: {  	_ =	sdelay $0x2  }
0x18: {  	s15 =	sadd.s32 $0x280, s15;
	s16 =	sadd.s32 s16, s5  }
0x19: {  	[hbm4b:s16+s2] =	stream.linear.scatter [tilespmem:s13], [sflag:$0x2], $0x140, $0x38;
	[tilespmem:$0x12C78] =	vst v63  }
0x1a: {  	s13 =	simm.s32 $0x1B8  }
0x1b: {  	s14 =	simm.s32 $0x28;
	s16 =	sadd.s32 $0x0, s6;
	s15 =	simm.s32 $0x438  }
.LBB2_4:
0x1c: {  	[hbm4b:s16+s2] =	stream.linear.scatter [tilespmem:s13], [sflag:$0x3], $0x140, $0x38;
	[tilespmem:$0x12C78] =	vst v63  }
0x1d: {  	s16 =	smov.u32 s14;
	s13 =	smov.u32 s15;
	p0 =	sne.s32 s14, $0x1298  }
.Ltmp1:
0x1e: {  	s14 =	sadd.s32 $0x28, s14;
	(pc) =	sbr.rel @p0 .LBB2_4-.Ltmp1, $2  }
0x1f: {  	_ =	sdelay $0x2  }
0x20: {  	s15 =	sadd.s32 $0x280, s15;
	s16 =	sadd.s32 s16, s6  }
0x21: {  	[hbm4b:s16+s2] =	stream.linear.scatter [tilespmem:s13], [sflag:$0x3], $0x140, $0x38;
	[tilespmem:$0x12C78] =	vst v63  }
0x22: {  	s12 =	sadd.s32 $0x1, s12  }
0x23: {  	_ =	swait.ge [sflag:s10], $0x9600;
	p0 =	sne.s32 s12, s7  }
.Ltmp2:
0x24: {  	[sflag:s10] =	ssyncset.done $0x0;
	(pc) =	sbr.rel @p0 .LBB2_1-.Ltmp2, $4  }
0x25: {  	[sflag:s10] =	ssyncadd.s32 $0xFFFF6A00  }
0x26: {  	_ =	swait.ge [sflag:s11], $0x9600  }
0x27: {  	[sflag:s11] =	ssyncset.done $0x0  }
0x28: {  	[sflag:s11] =	ssyncadd.s32 $0xFFFF6A00  }
0x29: {  	_ =	sfence.sel $0x180000  }
0x2a: {  	[bflag:$0x0] =	sbarrier.arrive $0xFFFF  }
0x2b: {  	p0 =	sne.s32 s0, $0x0;
	_ =	strace $0x90000047  }
0x2c: {  	s0 =	sadd.s32 @!p0 $0x100000, s1;
	[bflag:$0x2] =	sbarrier.arrive $0xFFFF  }
0x2d: {  	[sflag:s0] =	ssyncadd.tile.s32 @!p0 $0x1;
	_ =	shalt  }
.Lfunc_end2:
_tile_overlayer_lowered:
.L_overlay_start_2:
0x2e: {  	(tag) =	ssettag $0x2  }
0x2f: {  	s0 =	rddreg [dreg:$0x0];
	s2 =	stileid.u32  }
0x30: {  	s1 =	rddreg [dreg:$0x1];
	p0 =	sne.s32 s2, $0x0  }
0x31: {  	s3 =	rddreg [dreg:$0x2];
	[bflag:$0x3] =	sbarrier.arrive $0xFFFF;
	s2 =	simm.s32 @!p0 $0x1C04  }
0x32: {  	[timem:s3], [sflag:s2] =	dma.local @!p0 [hbm:s0], s1  }
0x33: {  	s0 =	simm.s32 @!p0 $0x4  }
0x34: {  	_ =	swait.ge @!p0 [sflag:s0], s1  }
0x35: {  	s1 =	ssub.s32 @!p0 $0x0, s1;
	[sflag:s0] =	ssyncset.done @!p0 $0x0  }
0x36: {  	[sflag:s0] =	ssyncadd.s32 @!p0 s1  }
0x37: {  	[bflag:$0x3] =	sbarrier.arrive $0xFFFF  }
0x38: {  	_ =	shalt  }

</sc_bundles>
